<compile_context>
chip_gen: v7x
topology: tpu7x:2x2x1
jax: 0.10.2.dev20260603
libtpu: 0.0.44.dev20260713+nightly
codegen_flags: <defaults>
</compile_context>

<pallas_src>
import functools

import jax
import jax.numpy as jnp
from jax import lax
from jax.experimental import pallas as pl
from jax.experimental.pallas import tpu as pltpu
from jax.experimental.pallas import tpu_sc as plsc

_B, _N, _H = 8, 128, 768
_NN = _N * _N
_NEG_INF = float("-inf")


def _sim_body(set1_ref, set2_ref, flat_ref):
    def _rownorm(x):
        xx = x * x
        a = xx[:, 0:128]
        for c in range(1, 6):
            a = a + xx[:, 128 * c:128 * (c + 1)]
        v = a[:, 0:8]
        for g in range(1, 16):
            v = v + a[:, 8 * g:8 * (g + 1)]
        w = v[:, 0:4] + v[:, 4:8]
        t = w[:, 0:2] + w[:, 2:4]
        return jnp.sqrt(t[:, 0:1] + t[:, 1:2])

    for b in range(_B):
        x1 = set1_ref[b]
        x2 = set2_ref[b]
        s1 = x1 / jnp.maximum(_rownorm(x1), 1e-12)
        s2 = x2 / jnp.maximum(_rownorm(x2), 1e-12)
        sim_b = lax.dot_general(s1, s2, (((1,), (1,)), ((), ())),
                                preferred_element_type=jnp.float32)
        flat_ref[b:b + 1, :] = sim_b.reshape(1, _NN)


def _similarity(set1, set2):
    return pl.pallas_call(
        _sim_body,
        out_shape=jax.ShapeDtypeStruct((_B, _NN), jnp.float32),
    )(set1, set2)


def _topk_sc(flat):
    mesh = plsc.VectorSubcoreMesh(core_axis_name="c", subcore_axis_name="s")

    @functools.partial(
        pl.kernel, mesh=mesh,
        out_type=jax.ShapeDtypeStruct((_B, _N), jnp.int32),
        scratch_types=[
            pltpu.VMEM((_NN,), jnp.float32),
            pltpu.VMEM((_N,), jnp.float32),
            pltpu.VMEM((_N,), jnp.int32),
        ],
    )
    def k(flat_hbm, out_hbm, buf, rmax, ch):
        wid = lax.axis_index("s") * 2 + lax.axis_index("c")
        lane = lax.iota(jnp.int32, 16)

        def _smax(v):
            w = jnp.maximum(v, jnp.flip(v))
            s = w[0]
            for kk in range(1, 8):
                s = jnp.maximum(s, w[kk])
            return s

        def _smin(v):
            w = jnp.minimum(v, jnp.flip(v))
            s = w[0]
            for kk in range(1, 8):
                s = jnp.minimum(s, w[kk])
            return s

        @pl.when(wid < _B)
        def _():
            pltpu.sync_copy(flat_hbm.at[wid], buf)

            def seed_row(i, carry):
                acc = buf[pl.ds(i * _N, 16)]
                for q in range(1, 8):
                    acc = jnp.maximum(acc, buf[pl.ds(i * _N + 16 * q, 16)])
                rm = _smax(acc)
                c = (i // 16) * 16
                chunk = rmax[pl.ds(c, 16)]
                rmax[pl.ds(c, 16)] = jnp.where(lane == i - c, rm, chunk)
                return carry

            lax.fori_loop(0, _N, seed_row, 0)

            def step(r, carry):
                rvs = [rmax[pl.ds(16 * q, 16)] for q in range(8)]
                mr = rvs[0]
                for v in rvs[1:]:
                    mr = jnp.maximum(mr, v)
                m = _smax(mr)
                icand = [jnp.where(rv == m, lane + 16 * q, _NN)
                         for q, rv in enumerate(rvs)]
                imin = icand[0]
                for v in icand[1:]:
                    imin = jnp.minimum(imin, v)
                i_star = _smin(imin)
                base = i_star * _N

                row = [buf[pl.ds(base + 16 * q, 16)] for q in range(8)]
                jcand = [jnp.where(rq == m, lane + 16 * q, _NN)
                         for q, rq in enumerate(row)]
                jmin = jcand[0]
                for v in jcand[1:]:
                    jmin = jnp.minimum(jmin, v)
                j_star = _smin(jmin)

                jc = (j_star // 16) * 16
                chunk = buf[pl.ds(base + jc, 16)]
                buf[pl.ds(base + jc, 16)] = jnp.where(lane == j_star - jc,
                                                      _NEG_INF, chunk)
                masked = [jnp.where(lane + 16 * q == j_star, _NEG_INF, rq)
                          for q, rq in enumerate(row)]
                nmr = masked[0]
                for v in masked[1:]:
                    nmr = jnp.maximum(nmr, v)
                nm = _smax(nmr)
                ic = (i_star // 16) * 16
                rchunk = rmax[pl.ds(ic, 16)]
                rmax[pl.ds(ic, 16)] = jnp.where(lane == i_star - ic, nm,
                                                rchunk)
                rc = (r // 16) * 16
                cchunk = ch[pl.ds(rc, 16)]
                ch[pl.ds(rc, 16)] = jnp.where(lane == r - rc, base + j_star,
                                              cchunk)
                return carry

            lax.fori_loop(0, _N, step, 0)
            pltpu.sync_copy(ch, out_hbm.at[wid])

    return k(flat)


def _gather_body(set1_ref, set2_ref, ch_ref, out_ref):
    sub_iota = lax.broadcasted_iota(jnp.int32, (_N, _N), 0)
    ch = ch_ref[...]
    i_idx = ch // _N
    j_idx = ch % _N
    for b in range(_B):
        oht1 = jnp.where(sub_iota == i_idx[b:b + 1, :], jnp.float32(0.5),
                         jnp.float32(0.0))
        oht2 = jnp.where(sub_iota == j_idx[b:b + 1, :], jnp.float32(0.5),
                         jnp.float32(0.0))
        g1 = lax.dot_general(oht1, set1_ref[b], (((0,), (0,)), ((), ())),
                             precision=lax.Precision.HIGHEST,
                             preferred_element_type=jnp.float32)
        g2 = lax.dot_general(oht2, set2_ref[b], (((0,), (0,)), ((), ())),
                             precision=lax.Precision.HIGHEST,
                             preferred_element_type=jnp.float32)
        out_ref[b] = g1 + g2


def _gather_avg(set1, set2, ch):
    return pl.pallas_call(
        _gather_body,
        out_shape=jax.ShapeDtypeStruct((_B, _N, _H), jnp.float32),
    )(set1, set2, ch)


def kernel(K):
    batch, num_tokens, hidden = K.shape
    Kr = K.reshape(batch, num_tokens // 2, 2, hidden)
    set1 = Kr[:, :, 0, :]
    set2 = Kr[:, :, 1, :]
    flat = _similarity(set1, set2)
    ch = _topk_sc(flat)
    merged = _gather_avg(set1, set2, ch)
    return (merged, num_tokens // 2)

# --- scband reference (transcript-rebuilt; emitter-appended) ---
"""Pipeline reference for scband-vision-token-merger-81956565942277 (READ-ONLY COPY).

The authoritative reference and input builder live on the scoring server;
editing this copy changes nothing except your own understanding.
"""

import jax, jax.numpy as jnp
import numpy as np


def _l2norm(x):
    n = jnp.linalg.norm(x, axis=-1, keepdims=True)
    return x / jnp.maximum(n, 1e-12)


def setup_inputs(seed: int = 0):
    key = jax.random.key(seed)
    K = jax.random.normal(key, (8, 256, 768), dtype=jnp.float32)
    return {"K": K}


def reference(K):
    r = 128
    batch_size, num_tokens, hidden_size = K.shape
    K_norm = _l2norm(K)
    similarity_matrix = jnp.matmul(K_norm, jnp.swapaxes(K_norm, -2, -1))  # computed as in original (unused downstream)
    set1 = K[:, 0::2, :]
    set2 = K[:, 1::2, :]
    set1_norm = _l2norm(set1)
    set2_norm = _l2norm(set2)
    similarity = jnp.matmul(set1_norm, jnp.swapaxes(set2_norm, -2, -1))
    flat = similarity.reshape(batch_size, -1)
    top_r_values, top_r_indices = jax.lax.top_k(flat, r)
    n2 = set2.shape[1]
    i = top_r_indices // n2
    j = top_r_indices % n2
    g1 = jnp.take_along_axis(set1, i[..., None], axis=1)
    g2 = jnp.take_along_axis(set2, j[..., None], axis=1)
    merged_tokens = (g1 + g2) / 2.0
    return (merged_tokens, num_tokens // 2)

if __name__ == "__main__":
    import jax
    _d = setup_inputs()
    print(jax.jit(kernel)(*tuple(_d.values())))

</pallas_src>

<mosaic_0001>
#map = affine_map<(d0, d1) -> (0, 0)>
module attributes {stable_mosaic.version = 14 : i64} {
  func.func @k(%arg0: i32, %arg1: i32, %arg2: memref<8x16384xf32, #tpu.memory_space<hbm>>, %arg3: memref<8x128xi32, #tpu.memory_space<hbm>>, %arg4: memref<16384xf32, #tpu.memory_space<vmem>>, %arg5: memref<128xf32, #tpu.memory_space<vmem>>, %arg6: memref<128xi32, #tpu.memory_space<vmem>>) attributes {dimension_semantics = [#tpu.dimension_semantics<core_parallel>, #tpu.dimension_semantics<subcore_parallel>], iteration_bounds = array<i64: 2, 16>, scalar_prefetch = 0 : i64, scratch_operands = 3 : i64, tpu.core_type = #tpu.core_type<sc_vector_subcore>, window_params = [{transform_indices = #map}, {transform_indices = #map}]} {
    %mul3A = arith.constant 2 : i32
    %mul3A_0 = arith.muli %arg1, %mul3A : i32
    %add3A = arith.addi %mul3A_0, %arg0 : i32
    %iota3A = tpu.iota {dimensions = array<i32: 0>} : vector<16xi32>
    %lt3A = arith.constant 8 : i32
    %lt3A_1 = arith.cmpi slt, %add3A, %lt3A : i32
    %convert_element_type3A = arith.extui %lt3A_1 : i1 to i32
    %cond3A = arith.constant 0 : i32
    %cond3A_2 = arith.cmpi ne, %convert_element_type3A, %cond3A : i32
    scf.if %cond3A_2 {
      "tpu.region"() ({
        %run_scoped3A = tpu.sem_alloc : memref<!tpu.dma_semaphore, #tpu.memory_space<semaphore_mem>>
        %dma_start3A = arith.constant 0 : i32
        %dma_start3A_14 = tpu.memref_slice %arg2[%add3A, %dma_start3A] : memref<8x16384xf32, #tpu.memory_space<hbm>> -> memref<1x16384xf32, #tpu.memory_space<hbm>>
        %dma_start3A_15 = tpu.memref_squeeze %dma_start3A_14 : memref<1x16384xf32, #tpu.memory_space<hbm>> -> memref<16384xf32, #tpu.memory_space<hbm>>
        %dma_start3A_16 = arith.constant 0 : i32
        %dma_start3A_17 = tpu.memref_slice %arg2[%add3A, %dma_start3A_16] : memref<8x16384xf32, #tpu.memory_space<hbm>> -> memref<1x16384xf32, #tpu.memory_space<hbm>>
        %dma_start3A_18 = tpu.memref_squeeze %dma_start3A_17 : memref<1x16384xf32, #tpu.memory_space<hbm>> -> memref<16384xf32, #tpu.memory_space<hbm>>
        tpu.enqueue_dma source(%dma_start3A_18 : memref<16384xf32, #tpu.memory_space<hbm>>) target(%arg4 : memref<16384xf32, #tpu.memory_space<vmem>>) target_semaphore(%run_scoped3A : memref<!tpu.dma_semaphore, #tpu.memory_space<semaphore_mem>>)
        %dma_wait3A = arith.constant 0 : i32
        %dma_wait3A_19 = tpu.memref_slice %arg2[%add3A, %dma_wait3A] : memref<8x16384xf32, #tpu.memory_space<hbm>> -> memref<1x16384xf32, #tpu.memory_space<hbm>>
        %dma_wait3A_20 = tpu.memref_squeeze %dma_wait3A_19 : memref<1x16384xf32, #tpu.memory_space<hbm>> -> memref<16384xf32, #tpu.memory_space<hbm>>
        %dma_wait3A_21 = arith.constant 0 : i32
        %dma_wait3A_22 = tpu.memref_slice %arg2[%add3A, %dma_wait3A_21] : memref<8x16384xf32, #tpu.memory_space<hbm>> -> memref<1x16384xf32, #tpu.memory_space<hbm>>
        %dma_wait3A_23 = tpu.memref_squeeze %dma_wait3A_22 : memref<1x16384xf32, #tpu.memory_space<hbm>> -> memref<16384xf32, #tpu.memory_space<hbm>>
        tpu.wait_dma2 semaphore(%run_scoped3A : memref<!tpu.dma_semaphore, #tpu.memory_space<semaphore_mem>>) src(%dma_wait3A_23 : memref<16384xf32, #tpu.memory_space<hbm>>) dst(%arg4 : memref<16384xf32, #tpu.memory_space<vmem>>)
        tpu.yield
      }) : () -> ()
      %scan3A = arith.constant 0 : i32
      %scan3A_3 = arith.constant 0 : i32
      %scan3A_4 = arith.constant 128 : i32
      %scan3A_5 = arith.addi %scan3A_3, %scan3A_4 : i32
      %scan3A_6 = arith.constant 1 : i32
      scf.for %scan3A_14 = %scan3A_3 to %scan3A_5 step %scan3A_6  : i32 {
        %mul3A_15 = arith.constant 128 : i32
        %mul3A_16 = arith.muli %scan3A_14, %mul3A_15 : i32
        %get3A = arith.index_cast %mul3A_16 : i32 to index
        %get3A_17 = tpu.vector_load %arg4[%get3A] {strides = array<i32>} : memref<16384xf32, #tpu.memory_space<vmem>>, vector<16xf32>,
        %get3A_18 = vector.shape_cast %get3A_17 : vector<16xf32> to vector<16xf32>
        %mul3A_19 = arith.constant 128 : i32
        %mul3A_20 = arith.muli %scan3A_14, %mul3A_19 : i32
        %add3A_21 = arith.constant 16 : i32
        %add3A_22 = arith.addi %mul3A_20, %add3A_21 : i32
        %get3A_23 = arith.index_cast %add3A_22 : i32 to index
        %get3A_24 = tpu.vector_load %arg4[%get3A_23] {strides = array<i32>} : memref<16384xf32, #tpu.memory_space<vmem>>, vector<16xf32>,
        %get3A_25 = vector.shape_cast %get3A_24 : vector<16xf32> to vector<16xf32>
        %max3A = arith.maximumf %get3A_18, %get3A_25 : vector<16xf32>
        %mul3A_26 = arith.constant 128 : i32
        %mul3A_27 = arith.muli %scan3A_14, %mul3A_26 : i32
        %add3A_28 = arith.constant 32 : i32
        %add3A_29 = arith.addi %mul3A_27, %add3A_28 : i32
        %get3A_30 = arith.index_cast %add3A_29 : i32 to index
        %get3A_31 = tpu.vector_load %arg4[%get3A_30] {strides = array<i32>} : memref<16384xf32, #tpu.memory_space<vmem>>, vector<16xf32>,
        %get3A_32 = vector.shape_cast %get3A_31 : vector<16xf32> to vector<16xf32>
        %max3A_33 = arith.maximumf %max3A, %get3A_32 : vector<16xf32>
        %mul3A_34 = arith.constant 128 : i32
        %mul3A_35 = arith.muli %scan3A_14, %mul3A_34 : i32
        %add3A_36 = arith.constant 48 : i32
        %add3A_37 = arith.addi %mul3A_35, %add3A_36 : i32
        %get3A_38 = arith.index_cast %add3A_37 : i32 to index
        %get3A_39 = tpu.vector_load %arg4[%get3A_38] {strides = array<i32>} : memref<16384xf32, #tpu.memory_space<vmem>>, vector<16xf32>,
        %get3A_40 = vector.shape_cast %get3A_39 : vector<16xf32> to vector<16xf32>
        %max3A_41 = arith.maximumf %max3A_33, %get3A_40 : vector<16xf32>
        %mul3A_42 = arith.constant 128 : i32
        %mul3A_43 = arith.muli %scan3A_14, %mul3A_42 : i32
        %add3A_44 = arith.constant 64 : i32
        %add3A_45 = arith.addi %mul3A_43, %add3A_44 : i32
        %get3A_46 = arith.index_cast %add3A_45 : i32 to index
        %get3A_47 = tpu.vector_load %arg4[%get3A_46] {strides = array<i32>} : memref<16384xf32, #tpu.memory_space<vmem>>, vector<16xf32>,
        %get3A_48 = vector.shape_cast %get3A_47 : vector<16xf32> to vector<16xf32>
        %max3A_49 = arith.maximumf %max3A_41, %get3A_48 : vector<16xf32>
        %mul3A_50 = arith.constant 128 : i32
        %mul3A_51 = arith.muli %scan3A_14, %mul3A_50 : i32
        %add3A_52 = arith.constant 80 : i32
        %add3A_53 = arith.addi %mul3A_51, %add3A_52 : i32
        %get3A_54 = arith.index_cast %add3A_53 : i32 to index
        %get3A_55 = tpu.vector_load %arg4[%get3A_54] {strides = array<i32>} : memref<16384xf32, #tpu.memory_space<vmem>>, vector<16xf32>,
        %get3A_56 = vector.shape_cast %get3A_55 : vector<16xf32> to vector<16xf32>
        %max3A_57 = arith.maximumf %max3A_49, %get3A_56 : vector<16xf32>
        %mul3A_58 = arith.constant 128 : i32
        %mul3A_59 = arith.muli %scan3A_14, %mul3A_58 : i32
        %add3A_60 = arith.constant 96 : i32
        %add3A_61 = arith.addi %mul3A_59, %add3A_60 : i32
        %get3A_62 = arith.index_cast %add3A_61 : i32 to index
        %get3A_63 = tpu.vector_load %arg4[%get3A_62] {strides = array<i32>} : memref<16384xf32, #tpu.memory_space<vmem>>, vector<16xf32>,
        %get3A_64 = vector.shape_cast %get3A_63 : vector<16xf32> to vector<16xf32>
        %max3A_65 = arith.maximumf %max3A_57, %get3A_64 : vector<16xf32>
        %mul3A_66 = arith.constant 128 : i32
        %mul3A_67 = arith.muli %scan3A_14, %mul3A_66 : i32
        %add3A_68 = arith.constant 112 : i32
        %add3A_69 = arith.addi %mul3A_67, %add3A_68 : i32
        %get3A_70 = arith.index_cast %add3A_69 : i32 to index
        %get3A_71 = tpu.vector_load %arg4[%get3A_70] {strides = array<i32>} : memref<16384xf32, #tpu.memory_space<vmem>>, vector<16xf32>,
        %get3A_72 = vector.shape_cast %get3A_71 : vector<16xf32> to vector<16xf32>
        %max3A_73 = arith.maximumf %max3A_65, %get3A_72 : vector<16xf32>
        %rev3A = arith.constant 15 : i32
        %rev3A_74 = vector.broadcast %rev3A : i32 to vector<16xi32>
        %rev3A_75 = tpu.iota {dimensions = array<i32: 0>} : vector<16xi32>
        %rev3A_76 = arith.subi %rev3A_74, %rev3A_75 : vector<16xi32>
        %rev3A_77 = tpu.dynamic_gather %max3A_73[%rev3A_76] in [0] : vector<16xf32>, vector<16xi32> -> vector<16xf32>
        %max3A_78 = arith.maximumf %max3A_73, %rev3A_77 : vector<16xf32>
        %slice3A = vector.extract_strided_slice %max3A_78 {offsets = [0], sizes = [1], strides = [1]} : vector<16xf32> to vector<1xf32>
        %squeeze3A = vector.extract %slice3A[0] : f32 from vector<1xf32>
        %slice3A_79 = vector.extract_strided_slice %max3A_78 {offsets = [1], sizes = [1], strides = [1]} : vector<16xf32> to vector<1xf32>
        %squeeze3A_80 = vector.extract %slice3A_79[0] : f32 from vector<1xf32>
        %max3A_81 = arith.maximumf %squeeze3A, %squeeze3A_80 : f32
        %slice3A_82 = vector.extract_strided_slice %max3A_78 {offsets = [2], sizes = [1], strides = [1]} : vector<16xf32> to vector<1xf32>
        %squeeze3A_83 = vector.extract %slice3A_82[0] : f32 from vector<1xf32>
        %max3A_84 = arith.maximumf %max3A_81, %squeeze3A_83 : f32
        %slice3A_85 = vector.extract_strided_slice %max3A_78 {offsets = [3], sizes = [1], strides = [1]} : vector<16xf32> to vector<1xf32>
        %squeeze3A_86 = vector.extract %slice3A_85[0] : f32 from vector<1xf32>
        %max3A_87 = arith.maximumf %max3A_84, %squeeze3A_86 : f32
        %slice3A_88 = vector.extract_strided_slice %max3A_78 {offsets = [4], sizes = [1], strides = [1]} : vector<16xf32> to vector<1xf32>
        %squeeze3A_89 = vector.extract %slice3A_88[0] : f32 from vector<1xf32>
        %max3A_90 = arith.maximumf %max3A_87, %squeeze3A_89 : f32
        %slice3A_91 = vector.extract_strided_slice %max3A_78 {offsets = [5], sizes = [1], strides = [1]} : vector<16xf32> to vector<1xf32>
        %squeeze3A_92 = vector.extract %slice3A_91[0] : f32 from vector<1xf32>
        %max3A_93 = arith.maximumf %max3A_90, %squeeze3A_92 : f32
        %slice3A_94 = vector.extract_strided_slice %max3A_78 {offsets = [6], sizes = [1], strides = [1]} : vector<16xf32> to vector<1xf32>
        %squeeze3A_95 = vector.extract %slice3A_94[0] : f32 from vector<1xf32>
        %max3A_96 = arith.maximumf %max3A_93, %squeeze3A_95 : f32
        %slice3A_97 = vector.extract_strided_slice %max3A_78 {offsets = [7], sizes = [1], strides = [1]} : vector<16xf32> to vector<1xf32>
        %squeeze3A_98 = vector.extract %slice3A_97[0] : f32 from vector<1xf32>
        %max3A_99 = arith.maximumf %max3A_96, %squeeze3A_98 : f32
        %jit3A = arith.constant 16 : i32
        %div3A = arith.divsi %scan3A_14, %jit3A : i32
        %sign3A = arith.constant 0 : i32
        %sign3A_100 = arith.cmpi sgt, %scan3A_14, %sign3A : i32
        %sign3A_101 = arith.extui %sign3A_100 : i1 to i32
        %sign3A_102 = arith.constant 0 : i32
        %sign3A_103 = arith.cmpi slt, %scan3A_14, %sign3A_102 : i32
        %sign3A_104 = arith.extui %sign3A_103 : i1 to i32
        %sign3A_105 = arith.subi %sign3A_101, %sign3A_104 : i32
        %sign3A_106 = arith.constant 0 : i32
        %sign3A_107 = arith.cmpi sgt, %jit3A, %sign3A_106 : i32
        %sign3A_108 = arith.extui %sign3A_107 : i1 to i32
        %sign3A_109 = arith.constant 0 : i32
        %sign3A_110 = arith.cmpi slt, %jit3A, %sign3A_109 : i32
        %sign3A_111 = arith.extui %sign3A_110 : i1 to i32
        %sign3A_112 = arith.subi %sign3A_108, %sign3A_111 : i32
        %ne3A = arith.cmpi ne, %sign3A_105, %sign3A_112 : i32
        %rem3A = arith.remsi %scan3A_14, %jit3A : i32
        %ne3A_113 = arith.constant 0 : i32
        %ne3A_114 = arith.cmpi ne, %rem3A, %ne3A_113 : i32
        %and3A = arith.andi %ne3A, %ne3A_114 : i1
        %sub3A = arith.constant 1 : i32
        %sub3A_115 = arith.subi %div3A, %sub3A : i32
        %select_n3A = arith.select %and3A, %sub3A_115, %div3A : i32
        %mul3A_116 = arith.constant 16 : i32
        %mul3A_117 = arith.muli %select_n3A, %mul3A_116 : i32
        %get3A_118 = arith.index_cast %mul3A_117 : i32 to index
        %get3A_119 = tpu.vector_load %arg5[%get3A_118] {strides = array<i32>} : memref<128xf32, #tpu.memory_space<vmem>>, vector<16xf32>,
        %get3A_120 = vector.shape_cast %get3A_119 : vector<16xf32> to vector<16xf32>
        %sub3A_121 = arith.subi %scan3A_14, %mul3A_117 : i32
        %eq3A = vector.broadcast %sub3A_121 : i32 to vector<16xi32>
        %eq3A_122 = arith.cmpi eq, %iota3A, %eq3A : vector<16xi32>
        %broadcast_in_dim3A = vector.broadcast %max3A_99 : f32 to vector<16xf32>
        %select_n3A_123 = arith.select %eq3A_122, %broadcast_in_dim3A, %get3A_120 : vector<16xi1>, vector<16xf32>
        %swap3A = arith.index_cast %mul3A_117 : i32 to index
        %swap3A_124 = tpu.vector_load %arg5[%swap3A] {strides = array<i32>} : memref<128xf32, #tpu.memory_space<vmem>>, vector<16xf32>,
        %swap3A_125 = vector.shape_cast %swap3A_124 : vector<16xf32> to vector<16xf32>
        %swap3A_126 = vector.shape_cast %select_n3A_123 : vector<16xf32> to vector<16xf32>
        tpu.vector_store %arg5[%swap3A], %swap3A_126 {strides = array<i32>} : memref<128xf32, #tpu.memory_space<vmem>>, vector<16xf32>,
      }
      %scan3A_7 = arith.constant 128 : i32
      %scan3A_8 = arith.constant 0 : i32
      %scan3A_9 = arith.constant 0 : i32
      %scan3A_10 = arith.constant 128 : i32
      %scan3A_11 = arith.addi %scan3A_9, %scan3A_10 : i32
      %scan3A_12 = arith.constant 1 : i32
      scf.for %scan3A_14 = %scan3A_9 to %scan3A_11 step %scan3A_12  : i32 {
        %get3A = arith.constant 0 : index
        %get3A_15 = tpu.vector_load %arg5[%get3A] {strides = array<i32>} : memref<128xf32, #tpu.memory_space<vmem>>, vector<16xf32>,
        %get3A_16 = vector.shape_cast %get3A_15 : vector<16xf32> to vector<16xf32>
        %get3A_17 = arith.constant 16 : index
        %get3A_18 = tpu.vector_load %arg5[%get3A_17] {strides = array<i32>} : memref<128xf32, #tpu.memory_space<vmem>>, vector<16xf32>,
        %get3A_19 = vector.shape_cast %get3A_18 : vector<16xf32> to vector<16xf32>
        %get3A_20 = arith.constant 32 : index
        %get3A_21 = tpu.vector_load %arg5[%get3A_20] {strides = array<i32>} : memref<128xf32, #tpu.memory_space<vmem>>, vector<16xf32>,
        %get3A_22 = vector.shape_cast %get3A_21 : vector<16xf32> to vector<16xf32>
        %get3A_23 = arith.constant 48 : index
        %get3A_24 = tpu.vector_load %arg5[%get3A_23] {strides = array<i32>} : memref<128xf32, #tpu.memory_space<vmem>>, vector<16xf32>,
        %get3A_25 = vector.shape_cast %get3A_24 : vector<16xf32> to vector<16xf32>
        %get3A_26 = arith.constant 64 : index
        %get3A_27 = tpu.vector_load %arg5[%get3A_26] {strides = array<i32>} : memref<128xf32, #tpu.memory_space<vmem>>, vector<16xf32>,
        %get3A_28 = vector.shape_cast %get3A_27 : vector<16xf32> to vector<16xf32>
        %get3A_29 = arith.constant 80 : index
        %get3A_30 = tpu.vector_load %arg5[%get3A_29] {strides = array<i32>} : memref<128xf32, #tpu.memory_space<vmem>>, vector<16xf32>,
        %get3A_31 = vector.shape_cast %get3A_30 : vector<16xf32> to vector<16xf32>
        %get3A_32 = arith.constant 96 : index
        %get3A_33 = tpu.vector_load %arg5[%get3A_32] {strides = array<i32>} : memref<128xf32, #tpu.memory_space<vmem>>, vector<16xf32>,
        %get3A_34 = vector.shape_cast %get3A_33 : vector<16xf32> to vector<16xf32>
        %get3A_35 = arith.constant 112 : index
        %get3A_36 = tpu.vector_load %arg5[%get3A_35] {strides = array<i32>} : memref<128xf32, #tpu.memory_space<vmem>>, vector<16xf32>,
        %get3A_37 = vector.shape_cast %get3A_36 : vector<16xf32> to vector<16xf32>
        %max3A = arith.maximumf %get3A_16, %get3A_19 : vector<16xf32>
        %max3A_38 = arith.maximumf %max3A, %get3A_22 : vector<16xf32>
        %max3A_39 = arith.maximumf %max3A_38, %get3A_25 : vector<16xf32>
        %max3A_40 = arith.maximumf %max3A_39, %get3A_28 : vector<16xf32>
        %max3A_41 = arith.maximumf %max3A_40, %get3A_31 : vector<16xf32>
        %max3A_42 = arith.maximumf %max3A_41, %get3A_34 : vector<16xf32>
        %max3A_43 = arith.maximumf %max3A_42, %get3A_37 : vector<16xf32>
        %rev3A = arith.constant 15 : i32
        %rev3A_44 = vector.broadcast %rev3A : i32 to vector<16xi32>
        %rev3A_45 = tpu.iota {dimensions = array<i32: 0>} : vector<16xi32>
        %rev3A_46 = arith.subi %rev3A_44, %rev3A_45 : vector<16xi32>
        %rev3A_47 = tpu.dynamic_gather %max3A_43[%rev3A_46] in [0] : vector<16xf32>, vector<16xi32> -> vector<16xf32>
        %max3A_48 = arith.maximumf %max3A_43, %rev3A_47 : vector<16xf32>
        %slice3A = vector.extract_strided_slice %max3A_48 {offsets = [0], sizes = [1], strides = [1]} : vector<16xf32> to vector<1xf32>
        %squeeze3A = vector.extract %slice3A[0] : f32 from vector<1xf32>
        %slice3A_49 = vector.extract_strided_slice %max3A_48 {offsets = [1], sizes = [1], strides = [1]} : vector<16xf32> to vector<1xf32>
        %squeeze3A_50 = vector.extract %slice3A_49[0] : f32 from vector<1xf32>
        %max3A_51 = arith.maximumf %squeeze3A, %squeeze3A_50 : f32
        %slice3A_52 = vector.extract_strided_slice %max3A_48 {offsets = [2], sizes = [1], strides = [1]} : vector<16xf32> to vector<1xf32>
        %squeeze3A_53 = vector.extract %slice3A_52[0] : f32 from vector<1xf32>
        %max3A_54 = arith.maximumf %max3A_51, %squeeze3A_53 : f32
        %slice3A_55 = vector.extract_strided_slice %max3A_48 {offsets = [3], sizes = [1], strides = [1]} : vector<16xf32> to vector<1xf32>
        %squeeze3A_56 = vector.extract %slice3A_55[0] : f32 from vector<1xf32>
        %max3A_57 = arith.maximumf %max3A_54, %squeeze3A_56 : f32
        %slice3A_58 = vector.extract_strided_slice %max3A_48 {offsets = [4], sizes = [1], strides = [1]} : vector<16xf32> to vector<1xf32>
        %squeeze3A_59 = vector.extract %slice3A_58[0] : f32 from vector<1xf32>
        %max3A_60 = arith.maximumf %max3A_57, %squeeze3A_59 : f32
        %slice3A_61 = vector.extract_strided_slice %max3A_48 {offsets = [5], sizes = [1], strides = [1]} : vector<16xf32> to vector<1xf32>
        %squeeze3A_62 = vector.extract %slice3A_61[0] : f32 from vector<1xf32>
        %max3A_63 = arith.maximumf %max3A_60, %squeeze3A_62 : f32
        %slice3A_64 = vector.extract_strided_slice %max3A_48 {offsets = [6], sizes = [1], strides = [1]} : vector<16xf32> to vector<1xf32>
        %squeeze3A_65 = vector.extract %slice3A_64[0] : f32 from vector<1xf32>
        %max3A_66 = arith.maximumf %max3A_63, %squeeze3A_65 : f32
        %slice3A_67 = vector.extract_strided_slice %max3A_48 {offsets = [7], sizes = [1], strides = [1]} : vector<16xf32> to vector<1xf32>
        %squeeze3A_68 = vector.extract %slice3A_67[0] : f32 from vector<1xf32>
        %max3A_69 = arith.maximumf %max3A_66, %squeeze3A_68 : f32
        %eq3A = vector.broadcast %max3A_69 : f32 to vector<16xf32>
        %eq3A_70 = arith.cmpf oeq, %get3A_16, %eq3A : vector<16xf32>
        %add3A_71 = arith.constant 0 : i32
        %add3A_72 = vector.broadcast %add3A_71 : i32 to vector<16xi32>
        %add3A_73 = arith.addi %iota3A, %add3A_72 : vector<16xi32>
        %jit3A = arith.constant 16384 : i32
        %broadcast_in_dim3A = vector.broadcast %jit3A : i32 to vector<16xi32>
        %select_n3A = arith.select %eq3A_70, %add3A_73, %broadcast_in_dim3A : vector<16xi1>, vector<16xi32>
        %eq3A_74 = vector.broadcast %max3A_69 : f32 to vector<16xf32>
        %eq3A_75 = arith.cmpf oeq, %get3A_19, %eq3A_74 : vector<16xf32>
        %add3A_76 = arith.constant 16 : i32
        %add3A_77 = vector.broadcast %add3A_76 : i32 to vector<16xi32>
        %add3A_78 = arith.addi %iota3A, %add3A_77 : vector<16xi32>
        %jit3A_79 = arith.constant 16384 : i32
        %broadcast_in_dim3A_80 = vector.broadcast %jit3A_79 : i32 to vector<16xi32>
        %select_n3A_81 = arith.select %eq3A_75, %add3A_78, %broadcast_in_dim3A_80 : vector<16xi1>, vector<16xi32>
        %eq3A_82 = vector.broadcast %max3A_69 : f32 to vector<16xf32>
        %eq3A_83 = arith.cmpf oeq, %get3A_22, %eq3A_82 : vector<16xf32>
        %add3A_84 = arith.constant 32 : i32
        %add3A_85 = vector.broadcast %add3A_84 : i32 to vector<16xi32>
        %add3A_86 = arith.addi %iota3A, %add3A_85 : vector<16xi32>
        %jit3A_87 = arith.constant 16384 : i32
        %broadcast_in_dim3A_88 = vector.broadcast %jit3A_87 : i32 to vector<16xi32>
        %select_n3A_89 = arith.select %eq3A_83, %add3A_86, %broadcast_in_dim3A_88 : vector<16xi1>, vector<16xi32>
        %eq3A_90 = vector.broadcast %max3A_69 : f32 to vector<16xf32>
        %eq3A_91 = arith.cmpf oeq, %get3A_25, %eq3A_90 : vector<16xf32>
        %add3A_92 = arith.constant 48 : i32
        %add3A_93 = vector.broadcast %add3A_92 : i32 to vector<16xi32>
        %add3A_94 = arith.addi %iota3A, %add3A_93 : vector<16xi32>
        %jit3A_95 = arith.constant 16384 : i32
        %broadcast_in_dim3A_96 = vector.broadcast %jit3A_95 : i32 to vector<16xi32>
        %select_n3A_97 = arith.select %eq3A_91, %add3A_94, %broadcast_in_dim3A_96 : vector<16xi1>, vector<16xi32>
        %eq3A_98 = vector.broadcast %max3A_69 : f32 to vector<16xf32>
        %eq3A_99 = arith.cmpf oeq, %get3A_28, %eq3A_98 : vector<16xf32>
        %add3A_100 = arith.constant 64 : i32
        %add3A_101 = vector.broadcast %add3A_100 : i32 to vector<16xi32>
        %add3A_102 = arith.addi %iota3A, %add3A_101 : vector<16xi32>
        %jit3A_103 = arith.constant 16384 : i32
        %broadcast_in_dim3A_104 = vector.broadcast %jit3A_103 : i32 to vector<16xi32>
        %select_n3A_105 = arith.select %eq3A_99, %add3A_102, %broadcast_in_dim3A_104 : vector<16xi1>, vector<16xi32>
        %eq3A_106 = vector.broadcast %max3A_69 : f32 to vector<16xf32>
        %eq3A_107 = arith.cmpf oeq, %get3A_31, %eq3A_106 : vector<16xf32>
        %add3A_108 = arith.constant 80 : i32
        %add3A_109 = vector.broadcast %add3A_108 : i32 to vector<16xi32>
        %add3A_110 = arith.addi %iota3A, %add3A_109 : vector<16xi32>
        %jit3A_111 = arith.constant 16384 : i32
        %broadcast_in_dim3A_112 = vector.broadcast %jit3A_111 : i32 to vector<16xi32>
        %select_n3A_113 = arith.select %eq3A_107, %add3A_110, %broadcast_in_dim3A_112 : vector<16xi1>, vector<16xi32>
        %eq3A_114 = vector.broadcast %max3A_69 : f32 to vector<16xf32>
        %eq3A_115 = arith.cmpf oeq, %get3A_34, %eq3A_114 : vector<16xf32>
        %add3A_116 = arith.constant 96 : i32
        %add3A_117 = vector.broadcast %add3A_116 : i32 to vector<16xi32>
        %add3A_118 = arith.addi %iota3A, %add3A_117 : vector<16xi32>
        %jit3A_119 = arith.constant 16384 : i32
        %broadcast_in_dim3A_120 = vector.broadcast %jit3A_119 : i32 to vector<16xi32>
        %select_n3A_121 = arith.select %eq3A_115, %add3A_118, %broadcast_in_dim3A_120 : vector<16xi1>, vector<16xi32>
        %eq3A_122 = vector.broadcast %max3A_69 : f32 to vector<16xf32>
        %eq3A_123 = arith.cmpf oeq, %get3A_37, %eq3A_122 : vector<16xf32>
        %add3A_124 = arith.constant 112 : i32
        %add3A_125 = vector.broadcast %add3A_124 : i32 to vector<16xi32>
        %add3A_126 = arith.addi %iota3A, %add3A_125 : vector<16xi32>
        %jit3A_127 = arith.constant 16384 : i32
        %broadcast_in_dim3A_128 = vector.broadcast %jit3A_127 : i32 to vector<16xi32>
        %select_n3A_129 = arith.select %eq3A_123, %add3A_126, %broadcast_in_dim3A_128 : vector<16xi1>, vector<16xi32>
        %min3A = arith.minsi %select_n3A, %select_n3A_81 : vector<16xi32>
        %min3A_130 = arith.minsi %min3A, %select_n3A_89 : vector<16xi32>
        %min3A_131 = arith.minsi %min3A_130, %select_n3A_97 : vector<16xi32>
        %min3A_132 = arith.minsi %min3A_131, %select_n3A_105 : vector<16xi32>
        %min3A_133 = arith.minsi %min3A_132, %select_n3A_113 : vector<16xi32>
        %min3A_134 = arith.minsi %min3A_133, %select_n3A_121 : vector<16xi32>
        %min3A_135 = arith.minsi %min3A_134, %select_n3A_129 : vector<16xi32>
        %rev3A_136 = arith.constant 15 : i32
        %rev3A_137 = vector.broadcast %rev3A_136 : i32 to vector<16xi32>
        %rev3A_138 = tpu.iota {dimensions = array<i32: 0>} : vector<16xi32>
        %rev3A_139 = arith.subi %rev3A_137, %rev3A_138 : vector<16xi32>
        %rev3A_140 = tpu.dynamic_gather %min3A_135[%rev3A_139] in [0] : vector<16xi32>, vector<16xi32> -> vector<16xi32>
        %min3A_141 = arith.minsi %min3A_135, %rev3A_140 : vector<16xi32>
        %slice3A_142 = vector.extract_strided_slice %min3A_141 {offsets = [0], sizes = [1], strides = [1]} : vector<16xi32> to vector<1xi32>
        %squeeze3A_143 = vector.extract %slice3A_142[0] : i32 from vector<1xi32>
        %slice3A_144 = vector.extract_strided_slice %min3A_141 {offsets = [1], sizes = [1], strides = [1]} : vector<16xi32> to vector<1xi32>
        %squeeze3A_145 = vector.extract %slice3A_144[0] : i32 from vector<1xi32>
        %min3A_146 = arith.minsi %squeeze3A_143, %squeeze3A_145 : i32
        %slice3A_147 = vector.extract_strided_slice %min3A_141 {offsets = [2], sizes = [1], strides = [1]} : vector<16xi32> to vector<1xi32>
        %squeeze3A_148 = vector.extract %slice3A_147[0] : i32 from vector<1xi32>
        %min3A_149 = arith.minsi %min3A_146, %squeeze3A_148 : i32
        %slice3A_150 = vector.extract_strided_slice %min3A_141 {offsets = [3], sizes = [1], strides = [1]} : vector<16xi32> to vector<1xi32>
        %squeeze3A_151 = vector.extract %slice3A_150[0] : i32 from vector<1xi32>
        %min3A_152 = arith.minsi %min3A_149, %squeeze3A_151 : i32
        %slice3A_153 = vector.extract_strided_slice %min3A_141 {offsets = [4], sizes = [1], strides = [1]} : vector<16xi32> to vector<1xi32>
        %squeeze3A_154 = vector.extract %slice3A_153[0] : i32 from vector<1xi32>
        %min3A_155 = arith.minsi %min3A_152, %squeeze3A_154 : i32
        %slice3A_156 = vector.extract_strided_slice %min3A_141 {offsets = [5], sizes = [1], strides = [1]} : vector<16xi32> to vector<1xi32>
        %squeeze3A_157 = vector.extract %slice3A_156[0] : i32 from vector<1xi32>
        %min3A_158 = arith.minsi %min3A_155, %squeeze3A_157 : i32
        %slice3A_159 = vector.extract_strided_slice %min3A_141 {offsets = [6], sizes = [1], strides = [1]} : vector<16xi32> to vector<1xi32>
        %squeeze3A_160 = vector.extract %slice3A_159[0] : i32 from vector<1xi32>
        %min3A_161 = arith.minsi %min3A_158, %squeeze3A_160 : i32
        %slice3A_162 = vector.extract_strided_slice %min3A_141 {offsets = [7], sizes = [1], strides = [1]} : vector<16xi32> to vector<1xi32>
        %squeeze3A_163 = vector.extract %slice3A_162[0] : i32 from vector<1xi32>
        %min3A_164 = arith.minsi %min3A_161, %squeeze3A_163 : i32
        %mul3A_165 = arith.constant 128 : i32
        %mul3A_166 = arith.muli %min3A_164, %mul3A_165 : i32
        %add3A_167 = arith.constant 0 : i32
        %add3A_168 = arith.addi %mul3A_166, %add3A_167 : i32
        %get3A_169 = arith.index_cast %add3A_168 : i32 to index
        %get3A_170 = tpu.vector_load %arg4[%get3A_169] {strides = array<i32>} : memref<16384xf32, #tpu.memory_space<vmem>>, vector<16xf32>,
        %get3A_171 = vector.shape_cast %get3A_170 : vector<16xf32> to vector<16xf32>
        %add3A_172 = arith.constant 16 : i32
        %add3A_173 = arith.addi %mul3A_166, %add3A_172 : i32
        %get3A_174 = arith.index_cast %add3A_173 : i32 to index
        %get3A_175 = tpu.vector_load %arg4[%get3A_174] {strides = array<i32>} : memref<16384xf32, #tpu.memory_space<vmem>>, vector<16xf32>,
        %get3A_176 = vector.shape_cast %get3A_175 : vector<16xf32> to vector<16xf32>
        %add3A_177 = arith.constant 32 : i32
        %add3A_178 = arith.addi %mul3A_166, %add3A_177 : i32
        %get3A_179 = arith.index_cast %add3A_178 : i32 to index
        %get3A_180 = tpu.vector_load %arg4[%get3A_179] {strides = array<i32>} : memref<16384xf32, #tpu.memory_space<vmem>>, vector<16xf32>,
        %get3A_181 = vector.shape_cast %get3A_180 : vector<16xf32> to vector<16xf32>
        %add3A_182 = arith.constant 48 : i32
        %add3A_183 = arith.addi %mul3A_166, %add3A_182 : i32
        %get3A_184 = arith.index_cast %add3A_183 : i32 to index
        %get3A_185 = tpu.vector_load %arg4[%get3A_184] {strides = array<i32>} : memref<16384xf32, #tpu.memory_space<vmem>>, vector<16xf32>,
        %get3A_186 = vector.shape_cast %get3A_185 : vector<16xf32> to vector<16xf32>
        %add3A_187 = arith.constant 64 : i32
        %add3A_188 = arith.addi %mul3A_166, %add3A_187 : i32
        %get3A_189 = arith.index_cast %add3A_188 : i32 to index
        %get3A_190 = tpu.vector_load %arg4[%get3A_189] {strides = array<i32>} : memref<16384xf32, #tpu.memory_space<vmem>>, vector<16xf32>,
        %get3A_191 = vector.shape_cast %get3A_190 : vector<16xf32> to vector<16xf32>
        %add3A_192 = arith.constant 80 : i32
        %add3A_193 = arith.addi %mul3A_166, %add3A_192 : i32
        %get3A_194 = arith.index_cast %add3A_193 : i32 to index
        %get3A_195 = tpu.vector_load %arg4[%get3A_194] {strides = array<i32>} : memref<16384xf32, #tpu.memory_space<vmem>>, vector<16xf32>,
        %get3A_196 = vector.shape_cast %get3A_195 : vector<16xf32> to vector<16xf32>
        %add3A_197 = arith.constant 96 : i32
        %add3A_198 = arith.addi %mul3A_166, %add3A_197 : i32
        %get3A_199 = arith.index_cast %add3A_198 : i32 to index
        %get3A_200 = tpu.vector_load %arg4[%get3A_199] {strides = array<i32>} : memref<16384xf32, #tpu.memory_space<vmem>>, vector<16xf32>,
        %get3A_201 = vector.shape_cast %get3A_200 : vector<16xf32> to vector<16xf32>
        %add3A_202 = arith.constant 112 : i32
        %add3A_203 = arith.addi %mul3A_166, %add3A_202 : i32
        %get3A_204 = arith.index_cast %add3A_203 : i32 to index
        %get3A_205 = tpu.vector_load %arg4[%get3A_204] {strides = array<i32>} : memref<16384xf32, #tpu.memory_space<vmem>>, vector<16xf32>,
        %get3A_206 = vector.shape_cast %get3A_205 : vector<16xf32> to vector<16xf32>
        %eq3A_207 = vector.broadcast %max3A_69 : f32 to vector<16xf32>
        %eq3A_208 = arith.cmpf oeq, %get3A_171, %eq3A_207 : vector<16xf32>
        %add3A_209 = arith.constant 0 : i32
        %add3A_210 = vector.broadcast %add3A_209 : i32 to vector<16xi32>
        %add3A_211 = arith.addi %iota3A, %add3A_210 : vector<16xi32>
        %jit3A_212 = arith.constant 16384 : i32
        %broadcast_in_dim3A_213 = vector.broadcast %jit3A_212 : i32 to vector<16xi32>
        %select_n3A_214 = arith.select %eq3A_208, %add3A_211, %broadcast_in_dim3A_213 : vector<16xi1>, vector<16xi32>
        %eq3A_215 = vector.broadcast %max3A_69 : f32 to vector<16xf32>
        %eq3A_216 = arith.cmpf oeq, %get3A_176, %eq3A_215 : vector<16xf32>
        %add3A_217 = arith.constant 16 : i32
        %add3A_218 = vector.broadcast %add3A_217 : i32 to vector<16xi32>
        %add3A_219 = arith.addi %iota3A, %add3A_218 : vector<16xi32>
        %jit3A_220 = arith.constant 16384 : i32
        %broadcast_in_dim3A_221 = vector.broadcast %jit3A_220 : i32 to vector<16xi32>
        %select_n3A_222 = arith.select %eq3A_216, %add3A_219, %broadcast_in_dim3A_221 : vector<16xi1>, vector<16xi32>
        %eq3A_223 = vector.broadcast %max3A_69 : f32 to vector<16xf32>
        %eq3A_224 = arith.cmpf oeq, %get3A_181, %eq3A_223 : vector<16xf32>
        %add3A_225 = arith.constant 32 : i32
        %add3A_226 = vector.broadcast %add3A_225 : i32 to vector<16xi32>
        %add3A_227 = arith.addi %iota3A, %add3A_226 : vector<16xi32>
        %jit3A_228 = arith.constant 16384 : i32
        %broadcast_in_dim3A_229 = vector.broadcast %jit3A_228 : i32 to vector<16xi32>
        %select_n3A_230 = arith.select %eq3A_224, %add3A_227, %broadcast_in_dim3A_229 : vector<16xi1>, vector<16xi32>
        %eq3A_231 = vector.broadcast %max3A_69 : f32 to vector<16xf32>
        %eq3A_232 = arith.cmpf oeq, %get3A_186, %eq3A_231 : vector<16xf32>
        %add3A_233 = arith.constant 48 : i32
        %add3A_234 = vector.broadcast %add3A_233 : i32 to vector<16xi32>
        %add3A_235 = arith.addi %iota3A, %add3A_234 : vector<16xi32>
        %jit3A_236 = arith.constant 16384 : i32
        %broadcast_in_dim3A_237 = vector.broadcast %jit3A_236 : i32 to vector<16xi32>
        %select_n3A_238 = arith.select %eq3A_232, %add3A_235, %broadcast_in_dim3A_237 : vector<16xi1>, vector<16xi32>
        %eq3A_239 = vector.broadcast %max3A_69 : f32 to vector<16xf32>
        %eq3A_240 = arith.cmpf oeq, %get3A_191, %eq3A_239 : vector<16xf32>
        %add3A_241 = arith.constant 64 : i32
        %add3A_242 = vector.broadcast %add3A_241 : i32 to vector<16xi32>
        %add3A_243 = arith.addi %iota3A, %add3A_242 : vector<16xi32>
        %jit3A_244 = arith.constant 16384 : i32
        %broadcast_in_dim3A_245 = vector.broadcast %jit3A_244 : i32 to vector<16xi32>
        %select_n3A_246 = arith.select %eq3A_240, %add3A_243, %broadcast_in_dim3A_245 : vector<16xi1>, vector<16xi32>
        %eq3A_247 = vector.broadcast %max3A_69 : f32 to vector<16xf32>
        %eq3A_248 = arith.cmpf oeq, %get3A_196, %eq3A_247 : vector<16xf32>
        %add3A_249 = arith.constant 80 : i32
        %add3A_250 = vector.broadcast %add3A_249 : i32 to vector<16xi32>
        %add3A_251 = arith.addi %iota3A, %add3A_250 : vector<16xi32>
        %jit3A_252 = arith.constant 16384 : i32
        %broadcast_in_dim3A_253 = vector.broadcast %jit3A_252 : i32 to vector<16xi32>
        %select_n3A_254 = arith.select %eq3A_248, %add3A_251, %broadcast_in_dim3A_253 : vector<16xi1>, vector<16xi32>
        %eq3A_255 = vector.broadcast %max3A_69 : f32 to vector<16xf32>
        %eq3A_256 = arith.cmpf oeq, %get3A_201, %eq3A_255 : vector<16xf32>
        %add3A_257 = arith.constant 96 : i32
        %add3A_258 = vector.broadcast %add3A_257 : i32 to vector<16xi32>
        %add3A_259 = arith.addi %iota3A, %add3A_258 : vector<16xi32>
        %jit3A_260 = arith.constant 16384 : i32
        %broadcast_in_dim3A_261 = vector.broadcast %jit3A_260 : i32 to vector<16xi32>
        %select_n3A_262 = arith.select %eq3A_256, %add3A_259, %broadcast_in_dim3A_261 : vector<16xi1>, vector<16xi32>
        %eq3A_263 = vector.broadcast %max3A_69 : f32 to vector<16xf32>
        %eq3A_264 = arith.cmpf oeq, %get3A_206, %eq3A_263 : vector<16xf32>
        %add3A_265 = arith.constant 112 : i32
        %add3A_266 = vector.broadcast %add3A_265 : i32 to vector<16xi32>
        %add3A_267 = arith.addi %iota3A, %add3A_266 : vector<16xi32>
        %jit3A_268 = arith.constant 16384 : i32
        %broadcast_in_dim3A_269 = vector.broadcast %jit3A_268 : i32 to vector<16xi32>
        %select_n3A_270 = arith.select %eq3A_264, %add3A_267, %broadcast_in_dim3A_269 : vector<16xi1>, vector<16xi32>
        %min3A_271 = arith.minsi %select_n3A_214, %select_n3A_222 : vector<16xi32>
        %min3A_272 = arith.minsi %min3A_271, %select_n3A_230 : vector<16xi32>
        %min3A_273 = arith.minsi %min3A_272, %select_n3A_238 : vector<16xi32>
        %min3A_274 = arith.minsi %min3A_273, %select_n3A_246 : vector<16xi32>
        %min3A_275 = arith.minsi %min3A_274, %select_n3A_254 : vector<16xi32>
        %min3A_276 = arith.minsi %min3A_275, %select_n3A_262 : vector<16xi32>
        %min3A_277 = arith.minsi %min3A_276, %select_n3A_270 : vector<16xi32>
        %rev3A_278 = arith.constant 15 : i32
        %rev3A_279 = vector.broadcast %rev3A_278 : i32 to vector<16xi32>
        %rev3A_280 = tpu.iota {dimensions = array<i32: 0>} : vector<16xi32>
        %rev3A_281 = arith.subi %rev3A_279, %rev3A_280 : vector<16xi32>
        %rev3A_282 = tpu.dynamic_gather %min3A_277[%rev3A_281] in [0] : vector<16xi32>, vector<16xi32> -> vector<16xi32>
        %min3A_283 = arith.minsi %min3A_277, %rev3A_282 : vector<16xi32>
        %slice3A_284 = vector.extract_strided_slice %min3A_283 {offsets = [0], sizes = [1], strides = [1]} : vector<16xi32> to vector<1xi32>
        %squeeze3A_285 = vector.extract %slice3A_284[0] : i32 from vector<1xi32>
        %slice3A_286 = vector.extract_strided_slice %min3A_283 {offsets = [1], sizes = [1], strides = [1]} : vector<16xi32> to vector<1xi32>
        %squeeze3A_287 = vector.extract %slice3A_286[0] : i32 from vector<1xi32>
        %min3A_288 = arith.minsi %squeeze3A_285, %squeeze3A_287 : i32
        %slice3A_289 = vector.extract_strided_slice %min3A_283 {offsets = [2], sizes = [1], strides = [1]} : vector<16xi32> to vector<1xi32>
        %squeeze3A_290 = vector.extract %slice3A_289[0] : i32 from vector<1xi32>
        %min3A_291 = arith.minsi %min3A_288, %squeeze3A_290 : i32
        %slice3A_292 = vector.extract_strided_slice %min3A_283 {offsets = [3], sizes = [1], strides = [1]} : vector<16xi32> to vector<1xi32>
        %squeeze3A_293 = vector.extract %slice3A_292[0] : i32 from vector<1xi32>
        %min3A_294 = arith.minsi %min3A_291, %squeeze3A_293 : i32
        %slice3A_295 = vector.extract_strided_slice %min3A_283 {offsets = [4], sizes = [1], strides = [1]} : vector<16xi32> to vector<1xi32>
        %squeeze3A_296 = vector.extract %slice3A_295[0] : i32 from vector<1xi32>
        %min3A_297 = arith.minsi %min3A_294, %squeeze3A_296 : i32
        %slice3A_298 = vector.extract_strided_slice %min3A_283 {offsets = [5], sizes = [1], strides = [1]} : vector<16xi32> to vector<1xi32>
        %squeeze3A_299 = vector.extract %slice3A_298[0] : i32 from vector<1xi32>
        %min3A_300 = arith.minsi %min3A_297, %squeeze3A_299 : i32
        %slice3A_301 = vector.extract_strided_slice %min3A_283 {offsets = [6], sizes = [1], strides = [1]} : vector<16xi32> to vector<1xi32>
        %squeeze3A_302 = vector.extract %slice3A_301[0] : i32 from vector<1xi32>
        %min3A_303 = arith.minsi %min3A_300, %squeeze3A_302 : i32
        %slice3A_304 = vector.extract_strided_slice %min3A_283 {offsets = [7], sizes = [1], strides = [1]} : vector<16xi32> to vector<1xi32>
        %squeeze3A_305 = vector.extract %slice3A_304[0] : i32 from vector<1xi32>
        %min3A_306 = arith.minsi %min3A_303, %squeeze3A_305 : i32
        %jit3A_307 = arith.constant 16 : i32
        %div3A = arith.divsi %min3A_306, %jit3A_307 : i32
        %sign3A = arith.constant 0 : i32
        %sign3A_308 = arith.cmpi sgt, %min3A_306, %sign3A : i32
        %sign3A_309 = arith.extui %sign3A_308 : i1 to i32
        %sign3A_310 = arith.constant 0 : i32
        %sign3A_311 = arith.cmpi slt, %min3A_306, %sign3A_310 : i32
        %sign3A_312 = arith.extui %sign3A_311 : i1 to i32
        %sign3A_313 = arith.subi %sign3A_309, %sign3A_312 : i32
        %sign3A_314 = arith.constant 0 : i32
        %sign3A_315 = arith.cmpi sgt, %jit3A_307, %sign3A_314 : i32
        %sign3A_316 = arith.extui %sign3A_315 : i1 to i32
        %sign3A_317 = arith.constant 0 : i32
        %sign3A_318 = arith.cmpi slt, %jit3A_307, %sign3A_317 : i32
        %sign3A_319 = arith.extui %sign3A_318 : i1 to i32
        %sign3A_320 = arith.subi %sign3A_316, %sign3A_319 : i32
        %ne3A = arith.cmpi ne, %sign3A_313, %sign3A_320 : i32
        %rem3A = arith.remsi %min3A_306, %jit3A_307 : i32
        %ne3A_321 = arith.constant 0 : i32
        %ne3A_322 = arith.cmpi ne, %rem3A, %ne3A_321 : i32
        %and3A = arith.andi %ne3A, %ne3A_322 : i1
        %sub3A = arith.constant 1 : i32
        %sub3A_323 = arith.subi %div3A, %sub3A : i32
        %select_n3A_324 = arith.select %and3A, %sub3A_323, %div3A : i32
        %mul3A_325 = arith.constant 16 : i32
        %mul3A_326 = arith.muli %select_n3A_324, %mul3A_325 : i32
        %add3A_327 = arith.addi %mul3A_166, %mul3A_326 : i32
        %get3A_328 = arith.index_cast %add3A_327 : i32 to index
        %get3A_329 = tpu.vector_load %arg4[%get3A_328] {strides = array<i32>} : memref<16384xf32, #tpu.memory_space<vmem>>, vector<16xf32>,
        %get3A_330 = vector.shape_cast %get3A_329 : vector<16xf32> to vector<16xf32>
        %sub3A_331 = arith.subi %min3A_306, %mul3A_326 : i32
        %eq3A_332 = vector.broadcast %sub3A_331 : i32 to vector<16xi32>
        %eq3A_333 = arith.cmpi eq, %iota3A, %eq3A_332 : vector<16xi32>
        %jit3A_334 = arith.constant 0xFF800000 : f32
        %broadcast_in_dim3A_335 = vector.broadcast %jit3A_334 : f32 to vector<16xf32>
        %select_n3A_336 = arith.select %eq3A_333, %broadcast_in_dim3A_335, %get3A_330 : vector<16xi1>, vector<16xf32>
        %add3A_337 = arith.addi %mul3A_166, %mul3A_326 : i32
        %swap3A = arith.index_cast %add3A_337 : i32 to index
        %swap3A_338 = tpu.vector_load %arg4[%swap3A] {strides = array<i32>} : memref<16384xf32, #tpu.memory_space<vmem>>, vector<16xf32>,
        %swap3A_339 = vector.shape_cast %swap3A_338 : vector<16xf32> to vector<16xf32>
        %swap3A_340 = vector.shape_cast %select_n3A_336 : vector<16xf32> to vector<16xf32>
        tpu.vector_store %arg4[%swap3A], %swap3A_340 {strides = array<i32>} : memref<16384xf32, #tpu.memory_space<vmem>>, vector<16xf32>,
        %add3A_341 = arith.constant 0 : i32
        %add3A_342 = vector.broadcast %add3A_341 : i32 to vector<16xi32>
        %add3A_343 = arith.addi %iota3A, %add3A_342 : vector<16xi32>
        %eq3A_344 = vector.broadcast %min3A_306 : i32 to vector<16xi32>
        %eq3A_345 = arith.cmpi eq, %add3A_343, %eq3A_344 : vector<16xi32>
        %jit3A_346 = arith.constant 0xFF800000 : f32
        %broadcast_in_dim3A_347 = vector.broadcast %jit3A_346 : f32 to vector<16xf32>
        %select_n3A_348 = arith.select %eq3A_345, %broadcast_in_dim3A_347, %get3A_171 : vector<16xi1>, vector<16xf32>
        %add3A_349 = arith.constant 16 : i32
        %add3A_350 = vector.broadcast %add3A_349 : i32 to vector<16xi32>
        %add3A_351 = arith.addi %iota3A, %add3A_350 : vector<16xi32>
        %eq3A_352 = vector.broadcast %min3A_306 : i32 to vector<16xi32>
        %eq3A_353 = arith.cmpi eq, %add3A_351, %eq3A_352 : vector<16xi32>
        %jit3A_354 = arith.constant 0xFF800000 : f32
        %broadcast_in_dim3A_355 = vector.broadcast %jit3A_354 : f32 to vector<16xf32>
        %select_n3A_356 = arith.select %eq3A_353, %broadcast_in_dim3A_355, %get3A_176 : vector<16xi1>, vector<16xf32>
        %add3A_357 = arith.constant 32 : i32
        %add3A_358 = vector.broadcast %add3A_357 : i32 to vector<16xi32>
        %add3A_359 = arith.addi %iota3A, %add3A_358 : vector<16xi32>
        %eq3A_360 = vector.broadcast %min3A_306 : i32 to vector<16xi32>
        %eq3A_361 = arith.cmpi eq, %add3A_359, %eq3A_360 : vector<16xi32>
        %jit3A_362 = arith.constant 0xFF800000 : f32
        %broadcast_in_dim3A_363 = vector.broadcast %jit3A_362 : f32 to vector<16xf32>
        %select_n3A_364 = arith.select %eq3A_361, %broadcast_in_dim3A_363, %get3A_181 : vector<16xi1>, vector<16xf32>
        %add3A_365 = arith.constant 48 : i32
        %add3A_366 = vector.broadcast %add3A_365 : i32 to vector<16xi32>
        %add3A_367 = arith.addi %iota3A, %add3A_366 : vector<16xi32>
        %eq3A_368 = vector.broadcast %min3A_306 : i32 to vector<16xi32>
        %eq3A_369 = arith.cmpi eq, %add3A_367, %eq3A_368 : vector<16xi32>
        %jit3A_370 = arith.constant 0xFF800000 : f32
        %broadcast_in_dim3A_371 = vector.broadcast %jit3A_370 : f32 to vector<16xf32>
        %select_n3A_372 = arith.select %eq3A_369, %broadcast_in_dim3A_371, %get3A_186 : vector<16xi1>, vector<16xf32>
        %add3A_373 = arith.constant 64 : i32
        %add3A_374 = vector.broadcast %add3A_373 : i32 to vector<16xi32>
        %add3A_375 = arith.addi %iota3A, %add3A_374 : vector<16xi32>
        %eq3A_376 = vector.broadcast %min3A_306 : i32 to vector<16xi32>
        %eq3A_377 = arith.cmpi eq, %add3A_375, %eq3A_376 : vector<16xi32>
        %jit3A_378 = arith.constant 0xFF800000 : f32
        %broadcast_in_dim3A_379 = vector.broadcast %jit3A_378 : f32 to vector<16xf32>
        %select_n3A_380 = arith.select %eq3A_377, %broadcast_in_dim3A_379, %get3A_191 : vector<16xi1>, vector<16xf32>
        %add3A_381 = arith.constant 80 : i32
        %add3A_382 = vector.broadcast %add3A_381 : i32 to vector<16xi32>
        %add3A_383 = arith.addi %iota3A, %add3A_382 : vector<16xi32>
        %eq3A_384 = vector.broadcast %min3A_306 : i32 to vector<16xi32>
        %eq3A_385 = arith.cmpi eq, %add3A_383, %eq3A_384 : vector<16xi32>
        %jit3A_386 = arith.constant 0xFF800000 : f32
        %broadcast_in_dim3A_387 = vector.broadcast %jit3A_386 : f32 to vector<16xf32>
        %select_n3A_388 = arith.select %eq3A_385, %broadcast_in_dim3A_387, %get3A_196 : vector<16xi1>, vector<16xf32>
        %add3A_389 = arith.constant 96 : i32
        %add3A_390 = vector.broadcast %add3A_389 : i32 to vector<16xi32>
        %add3A_391 = arith.addi %iota3A, %add3A_390 : vector<16xi32>
        %eq3A_392 = vector.broadcast %min3A_306 : i32 to vector<16xi32>
        %eq3A_393 = arith.cmpi eq, %add3A_391, %eq3A_392 : vector<16xi32>
        %jit3A_394 = arith.constant 0xFF800000 : f32
        %broadcast_in_dim3A_395 = vector.broadcast %jit3A_394 : f32 to vector<16xf32>
        %select_n3A_396 = arith.select %eq3A_393, %broadcast_in_dim3A_395, %get3A_201 : vector<16xi1>, vector<16xf32>
        %add3A_397 = arith.constant 112 : i32
        %add3A_398 = vector.broadcast %add3A_397 : i32 to vector<16xi32>
        %add3A_399 = arith.addi %iota3A, %add3A_398 : vector<16xi32>
        %eq3A_400 = vector.broadcast %min3A_306 : i32 to vector<16xi32>
        %eq3A_401 = arith.cmpi eq, %add3A_399, %eq3A_400 : vector<16xi32>
        %jit3A_402 = arith.constant 0xFF800000 : f32
        %broadcast_in_dim3A_403 = vector.broadcast %jit3A_402 : f32 to vector<16xf32>
        %select_n3A_404 = arith.select %eq3A_401, %broadcast_in_dim3A_403, %get3A_206 : vector<16xi1>, vector<16xf32>
        %max3A_405 = arith.maximumf %select_n3A_348, %select_n3A_356 : vector<16xf32>
        %max3A_406 = arith.maximumf %max3A_405, %select_n3A_364 : vector<16xf32>
        %max3A_407 = arith.maximumf %max3A_406, %select_n3A_372 : vector<16xf32>
        %max3A_408 = arith.maximumf %max3A_407, %select_n3A_380 : vector<16xf32>
        %max3A_409 = arith.maximumf %max3A_408, %select_n3A_388 : vector<16xf32>
        %max3A_410 = arith.maximumf %max3A_409, %select_n3A_396 : vector<16xf32>
        %max3A_411 = arith.maximumf %max3A_410, %select_n3A_404 : vector<16xf32>
        %rev3A_412 = arith.constant 15 : i32
        %rev3A_413 = vector.broadcast %rev3A_412 : i32 to vector<16xi32>
        %rev3A_414 = tpu.iota {dimensions = array<i32: 0>} : vector<16xi32>
        %rev3A_415 = arith.subi %rev3A_413, %rev3A_414 : vector<16xi32>
        %rev3A_416 = tpu.dynamic_gather %max3A_411[%rev3A_415] in [0] : vector<16xf32>, vector<16xi32> -> vector<16xf32>
        %max3A_417 = arith.maximumf %max3A_411, %rev3A_416 : vector<16xf32>
        %slice3A_418 = vector.extract_strided_slice %max3A_417 {offsets = [0], sizes = [1], strides = [1]} : vector<16xf32> to vector<1xf32>
        %squeeze3A_419 = vector.extract %slice3A_418[0] : f32 from vector<1xf32>
        %slice3A_420 = vector.extract_strided_slice %max3A_417 {offsets = [1], sizes = [1], strides = [1]} : vector<16xf32> to vector<1xf32>
        %squeeze3A_421 = vector.extract %slice3A_420[0] : f32 from vector<1xf32>
        %max3A_422 = arith.maximumf %squeeze3A_419, %squeeze3A_421 : f32
        %slice3A_423 = vector.extract_strided_slice %max3A_417 {offsets = [2], sizes = [1], strides = [1]} : vector<16xf32> to vector<1xf32>
        %squeeze3A_424 = vector.extract %slice3A_423[0] : f32 from vector<1xf32>
        %max3A_425 = arith.maximumf %max3A_422, %squeeze3A_424 : f32
        %slice3A_426 = vector.extract_strided_slice %max3A_417 {offsets = [3], sizes = [1], strides = [1]} : vector<16xf32> to vector<1xf32>
        %squeeze3A_427 = vector.extract %slice3A_426[0] : f32 from vector<1xf32>
        %max3A_428 = arith.maximumf %max3A_425, %squeeze3A_427 : f32
        %slice3A_429 = vector.extract_strided_slice %max3A_417 {offsets = [4], sizes = [1], strides = [1]} : vector<16xf32> to vector<1xf32>
        %squeeze3A_430 = vector.extract %slice3A_429[0] : f32 from vector<1xf32>
        %max3A_431 = arith.maximumf %max3A_428, %squeeze3A_430 : f32
        %slice3A_432 = vector.extract_strided_slice %max3A_417 {offsets = [5], sizes = [1], strides = [1]} : vector<16xf32> to vector<1xf32>
        %squeeze3A_433 = vector.extract %slice3A_432[0] : f32 from vector<1xf32>
        %max3A_434 = arith.maximumf %max3A_431, %squeeze3A_433 : f32
        %slice3A_435 = vector.extract_strided_slice %max3A_417 {offsets = [6], sizes = [1], strides = [1]} : vector<16xf32> to vector<1xf32>
        %squeeze3A_436 = vector.extract %slice3A_435[0] : f32 from vector<1xf32>
        %max3A_437 = arith.maximumf %max3A_434, %squeeze3A_436 : f32
        %slice3A_438 = vector.extract_strided_slice %max3A_417 {offsets = [7], sizes = [1], strides = [1]} : vector<16xf32> to vector<1xf32>
        %squeeze3A_439 = vector.extract %slice3A_438[0] : f32 from vector<1xf32>
        %max3A_440 = arith.maximumf %max3A_437, %squeeze3A_439 : f32
        %jit3A_441 = arith.constant 16 : i32
        %div3A_442 = arith.divsi %min3A_164, %jit3A_441 : i32
        %sign3A_443 = arith.constant 0 : i32
        %sign3A_444 = arith.cmpi sgt, %min3A_164, %sign3A_443 : i32
        %sign3A_445 = arith.extui %sign3A_444 : i1 to i32
        %sign3A_446 = arith.constant 0 : i32
        %sign3A_447 = arith.cmpi slt, %min3A_164, %sign3A_446 : i32
        %sign3A_448 = arith.extui %sign3A_447 : i1 to i32
        %sign3A_449 = arith.subi %sign3A_445, %sign3A_448 : i32
        %sign3A_450 = arith.constant 0 : i32
        %sign3A_451 = arith.cmpi sgt, %jit3A_441, %sign3A_450 : i32
        %sign3A_452 = arith.extui %sign3A_451 : i1 to i32
        %sign3A_453 = arith.constant 0 : i32
        %sign3A_454 = arith.cmpi slt, %jit3A_441, %sign3A_453 : i32
        %sign3A_455 = arith.extui %sign3A_454 : i1 to i32
        %sign3A_456 = arith.subi %sign3A_452, %sign3A_455 : i32
        %ne3A_457 = arith.cmpi ne, %sign3A_449, %sign3A_456 : i32
        %rem3A_458 = arith.remsi %min3A_164, %jit3A_441 : i32
        %ne3A_459 = arith.constant 0 : i32
        %ne3A_460 = arith.cmpi ne, %rem3A_458, %ne3A_459 : i32
        %and3A_461 = arith.andi %ne3A_457, %ne3A_460 : i1
        %sub3A_462 = arith.constant 1 : i32
        %sub3A_463 = arith.subi %div3A_442, %sub3A_462 : i32
        %select_n3A_464 = arith.select %and3A_461, %sub3A_463, %div3A_442 : i32
        %mul3A_465 = arith.constant 16 : i32
        %mul3A_466 = arith.muli %select_n3A_464, %mul3A_465 : i32
        %get3A_467 = arith.index_cast %mul3A_466 : i32 to index
        %get3A_468 = tpu.vector_load %arg5[%get3A_467] {strides = array<i32>} : memref<128xf32, #tpu.memory_space<vmem>>, vector<16xf32>,
        %get3A_469 = vector.shape_cast %get3A_468 : vector<16xf32> to vector<16xf32>
        %sub3A_470 = arith.subi %min3A_164, %mul3A_466 : i32
        %eq3A_471 = vector.broadcast %sub3A_470 : i32 to vector<16xi32>
        %eq3A_472 = arith.cmpi eq, %iota3A, %eq3A_471 : vector<16xi32>
        %broadcast_in_dim3A_473 = vector.broadcast %max3A_440 : f32 to vector<16xf32>
        %select_n3A_474 = arith.select %eq3A_472, %broadcast_in_dim3A_473, %get3A_469 : vector<16xi1>, vector<16xf32>
        %swap3A_475 = arith.index_cast %mul3A_466 : i32 to index
        %swap3A_476 = tpu.vector_load %arg5[%swap3A_475] {strides = array<i32>} : memref<128xf32, #tpu.memory_space<vmem>>, vector<16xf32>,
        %swap3A_477 = vector.shape_cast %swap3A_476 : vector<16xf32> to vector<16xf32>
        %swap3A_478 = vector.shape_cast %select_n3A_474 : vector<16xf32> to vector<16xf32>
        tpu.vector_store %arg5[%swap3A_475], %swap3A_478 {strides = array<i32>} : memref<128xf32, #tpu.memory_space<vmem>>, vector<16xf32>,
        %jit3A_479 = arith.constant 16 : i32
        %div3A_480 = arith.divsi %scan3A_14, %jit3A_479 : i32
        %sign3A_481 = arith.constant 0 : i32
        %sign3A_482 = arith.cmpi sgt, %scan3A_14, %sign3A_481 : i32
        %sign3A_483 = arith.extui %sign3A_482 : i1 to i32
        %sign3A_484 = arith.constant 0 : i32
        %sign3A_485 = arith.cmpi slt, %scan3A_14, %sign3A_484 : i32
        %sign3A_486 = arith.extui %sign3A_485 : i1 to i32
        %sign3A_487 = arith.subi %sign3A_483, %sign3A_486 : i32
        %sign3A_488 = arith.constant 0 : i32
        %sign3A_489 = arith.cmpi sgt, %jit3A_479, %sign3A_488 : i32
        %sign3A_490 = arith.extui %sign3A_489 : i1 to i32
        %sign3A_491 = arith.constant 0 : i32
        %sign3A_492 = arith.cmpi slt, %jit3A_479, %sign3A_491 : i32
        %sign3A_493 = arith.extui %sign3A_492 : i1 to i32
        %sign3A_494 = arith.subi %sign3A_490, %sign3A_493 : i32
        %ne3A_495 = arith.cmpi ne, %sign3A_487, %sign3A_494 : i32
        %rem3A_496 = arith.remsi %scan3A_14, %jit3A_479 : i32
        %ne3A_497 = arith.constant 0 : i32
        %ne3A_498 = arith.cmpi ne, %rem3A_496, %ne3A_497 : i32
        %and3A_499 = arith.andi %ne3A_495, %ne3A_498 : i1
        %sub3A_500 = arith.constant 1 : i32
        %sub3A_501 = arith.subi %div3A_480, %sub3A_500 : i32
        %select_n3A_502 = arith.select %and3A_499, %sub3A_501, %div3A_480 : i32
        %mul3A_503 = arith.constant 16 : i32
        %mul3A_504 = arith.muli %select_n3A_502, %mul3A_503 : i32
        %get3A_505 = arith.index_cast %mul3A_504 : i32 to index
        %get3A_506 = tpu.vector_load %arg6[%get3A_505] {strides = array<i32>} : memref<128xi32, #tpu.memory_space<vmem>>, vector<16xi32>,
        %get3A_507 = vector.shape_cast %get3A_506 : vector<16xi32> to vector<16xi32>
        %sub3A_508 = arith.subi %scan3A_14, %mul3A_504 : i32
        %eq3A_509 = vector.broadcast %sub3A_508 : i32 to vector<16xi32>
        %eq3A_510 = arith.cmpi eq, %iota3A, %eq3A_509 : vector<16xi32>
        %add3A_511 = arith.addi %mul3A_166, %min3A_306 : i32
        %broadcast_in_dim3A_512 = vector.broadcast %add3A_511 : i32 to vector<16xi32>
        %select_n3A_513 = arith.select %eq3A_510, %broadcast_in_dim3A_512, %get3A_507 : vector<16xi1>, vector<16xi32>
        %swap3A_514 = arith.index_cast %mul3A_504 : i32 to index
        %swap3A_515 = tpu.vector_load %arg6[%swap3A_514] {strides = array<i32>} : memref<128xi32, #tpu.memory_space<vmem>>, vector<16xi32>,
        %swap3A_516 = vector.shape_cast %swap3A_515 : vector<16xi32> to vector<16xi32>
        %swap3A_517 = vector.shape_cast %select_n3A_513 : vector<16xi32> to vector<16xi32>
        tpu.vector_store %arg6[%swap3A_514], %swap3A_517 {strides = array<i32>} : memref<128xi32, #tpu.memory_space<vmem>>, vector<16xi32>,
      }
      %scan3A_13 = arith.constant 128 : i32
      "tpu.region"() ({
        %run_scoped3A = tpu.sem_alloc : memref<!tpu.dma_semaphore, #tpu.memory_space<semaphore_mem>>
        %dma_start3A = arith.constant 0 : i32
        %dma_start3A_14 = tpu.memref_slice %arg3[%add3A, %dma_start3A] : memref<8x128xi32, #tpu.memory_space<hbm>> -> memref<1x128xi32, #tpu.memory_space<hbm>>
        %dma_start3A_15 = tpu.memref_squeeze %dma_start3A_14 : memref<1x128xi32, #tpu.memory_space<hbm>> -> memref<128xi32, #tpu.memory_space<hbm>>
        %dma_start3A_16 = arith.constant 0 : i32
        %dma_start3A_17 = tpu.memref_slice %arg3[%add3A, %dma_start3A_16] : memref<8x128xi32, #tpu.memory_space<hbm>> -> memref<1x128xi32, #tpu.memory_space<hbm>>
        %dma_start3A_18 = tpu.memref_squeeze %dma_start3A_17 : memref<1x128xi32, #tpu.memory_space<hbm>> -> memref<128xi32, #tpu.memory_space<hbm>>
        tpu.enqueue_dma source(%arg6 : memref<128xi32, #tpu.memory_space<vmem>>) target(%dma_start3A_18 : memref<128xi32, #tpu.memory_space<hbm>>) target_semaphore(%run_scoped3A : memref<!tpu.dma_semaphore, #tpu.memory_space<semaphore_mem>>)
        %dma_wait3A = arith.constant 0 : i32
        %dma_wait3A_19 = tpu.memref_slice %arg3[%add3A, %dma_wait3A] : memref<8x128xi32, #tpu.memory_space<hbm>> -> memref<1x128xi32, #tpu.memory_space<hbm>>
        %dma_wait3A_20 = tpu.memref_squeeze %dma_wait3A_19 : memref<1x128xi32, #tpu.memory_space<hbm>> -> memref<128xi32, #tpu.memory_space<hbm>>
        %dma_wait3A_21 = arith.constant 0 : i32
        %dma_wait3A_22 = tpu.memref_slice %arg3[%add3A, %dma_wait3A_21] : memref<8x128xi32, #tpu.memory_space<hbm>> -> memref<1x128xi32, #tpu.memory_space<hbm>>
        %dma_wait3A_23 = tpu.memref_squeeze %dma_wait3A_22 : memref<1x128xi32, #tpu.memory_space<hbm>> -> memref<128xi32, #tpu.memory_space<hbm>>
        tpu.wait_dma2 semaphore(%run_scoped3A : memref<!tpu.dma_semaphore, #tpu.memory_space<semaphore_mem>>) src(%arg6 : memref<128xi32, #tpu.memory_space<vmem>>) dst(%dma_wait3A_23 : memref<128xi32, #tpu.memory_space<hbm>>)
        tpu.yield
      }) : () -> ()
    } else {
    }
    return
  }
}

module attributes {stable_mosaic.version = 14 : i64} {
  func.func @_sim_body(%arg0: memref<8x128x768xf32, #tpu.memory_space<vmem>>, %arg1: memref<8x128x768xf32, #tpu.memory_space<vmem>>, %arg2: memref<8x16384xf32, #tpu.memory_space<vmem>>) attributes {dimension_semantics = [], scalar_prefetch = 0 : i64, scratch_operands = 0 : i64, tpu.core_type = #tpu.core_type<tc>} {
    %get3A = arith.constant 0 : index
    %get3A_0 = arith.constant 0 : index
    %get3A_1 = arith.constant 0 : index
    %get3A_2 = vector.load %arg0[%get3A, %get3A_0, %get3A_1] : memref<8x128x768xf32, #tpu.memory_space<vmem>>, vector<1x128x768xf32>
    %get3A_3 = vector.shape_cast %get3A_2 : vector<1x128x768xf32> to vector<128x768xf32>
    %get3A_4 = arith.constant 0 : index
    %get3A_5 = arith.constant 0 : index
    %get3A_6 = arith.constant 0 : index
    %get3A_7 = vector.load %arg1[%get3A_4, %get3A_5, %get3A_6] : memref<8x128x768xf32, #tpu.memory_space<vmem>>, vector<1x128x768xf32>
    %get3A_8 = vector.shape_cast %get3A_7 : vector<1x128x768xf32> to vector<128x768xf32>
    %mul3A = arith.mulf %get3A_3, %get3A_3 : vector<128x768xf32>
    %slice3A = vector.extract_strided_slice %mul3A {offsets = [0, 0], sizes = [128, 128], strides = [1, 1]} : vector<128x768xf32> to vector<128x128xf32>
    %slice3A_9 = vector.extract_strided_slice %mul3A {offsets = [0, 128], sizes = [128, 128], strides = [1, 1]} : vector<128x768xf32> to vector<128x128xf32>
    %add3A = arith.addf %slice3A, %slice3A_9 : vector<128x128xf32>
    %slice3A_10 = vector.extract_strided_slice %mul3A {offsets = [0, 256], sizes = [128, 128], strides = [1, 1]} : vector<128x768xf32> to vector<128x128xf32>
    %add3A_11 = arith.addf %add3A, %slice3A_10 : vector<128x128xf32>
    %slice3A_12 = vector.extract_strided_slice %mul3A {offsets = [0, 384], sizes = [128, 128], strides = [1, 1]} : vector<128x768xf32> to vector<128x128xf32>
    %add3A_13 = arith.addf %add3A_11, %slice3A_12 : vector<128x128xf32>
    %slice3A_14 = vector.extract_strided_slice %mul3A {offsets = [0, 512], sizes = [128, 128], strides = [1, 1]} : vector<128x768xf32> to vector<128x128xf32>
    %add3A_15 = arith.addf %add3A_13, %slice3A_14 : vector<128x128xf32>
    %slice3A_16 = vector.extract_strided_slice %mul3A {offsets = [0, 640], sizes = [128, 128], strides = [1, 1]} : vector<128x768xf32> to vector<128x128xf32>
    %add3A_17 = arith.addf %add3A_15, %slice3A_16 : vector<128x128xf32>
    %slice3A_18 = vector.extract_strided_slice %add3A_17 {offsets = [0, 0], sizes = [128, 8], strides = [1, 1]} : vector<128x128xf32> to vector<128x8xf32>
    %slice3A_19 = vector.extract_strided_slice %add3A_17 {offsets = [0, 8], sizes = [128, 8], strides = [1, 1]} : vector<128x128xf32> to vector<128x8xf32>
    %add3A_20 = arith.addf %slice3A_18, %slice3A_19 : vector<128x8xf32>
    %slice3A_21 = vector.extract_strided_slice %add3A_17 {offsets = [0, 16], sizes = [128, 8], strides = [1, 1]} : vector<128x128xf32> to vector<128x8xf32>
    %add3A_22 = arith.addf %add3A_20, %slice3A_21 : vector<128x8xf32>
    %slice3A_23 = vector.extract_strided_slice %add3A_17 {offsets = [0, 24], sizes = [128, 8], strides = [1, 1]} : vector<128x128xf32> to vector<128x8xf32>
    %add3A_24 = arith.addf %add3A_22, %slice3A_23 : vector<128x8xf32>
    %slice3A_25 = vector.extract_strided_slice %add3A_17 {offsets = [0, 32], sizes = [128, 8], strides = [1, 1]} : vector<128x128xf32> to vector<128x8xf32>
    %add3A_26 = arith.addf %add3A_24, %slice3A_25 : vector<128x8xf32>
    %slice3A_27 = vector.extract_strided_slice %add3A_17 {offsets = [0, 40], sizes = [128, 8], strides = [1, 1]} : vector<128x128xf32> to vector<128x8xf32>
    %add3A_28 = arith.addf %add3A_26, %slice3A_27 : vector<128x8xf32>
    %slice3A_29 = vector.extract_strided_slice %add3A_17 {offsets = [0, 48], sizes = [128, 8], strides = [1, 1]} : vector<128x128xf32> to vector<128x8xf32>
    %add3A_30 = arith.addf %add3A_28, %slice3A_29 : vector<128x8xf32>
    %slice3A_31 = vector.extract_strided_slice %add3A_17 {offsets = [0, 56], sizes = [128, 8], strides = [1, 1]} : vector<128x128xf32> to vector<128x8xf32>
    %add3A_32 = arith.addf %add3A_30, %slice3A_31 : vector<128x8xf32>
    %slice3A_33 = vector.extract_strided_slice %add3A_17 {offsets = [0, 64], sizes = [128, 8], strides = [1, 1]} : vector<128x128xf32> to vector<128x8xf32>
    %add3A_34 = arith.addf %add3A_32, %slice3A_33 : vector<128x8xf32>
    %slice3A_35 = vector.extract_strided_slice %add3A_17 {offsets = [0, 72], sizes = [128, 8], strides = [1, 1]} : vector<128x128xf32> to vector<128x8xf32>
    %add3A_36 = arith.addf %add3A_34, %slice3A_35 : vector<128x8xf32>
    %slice3A_37 = vector.extract_strided_slice %add3A_17 {offsets = [0, 80], sizes = [128, 8], strides = [1, 1]} : vector<128x128xf32> to vector<128x8xf32>
    %add3A_38 = arith.addf %add3A_36, %slice3A_37 : vector<128x8xf32>
    %slice3A_39 = vector.extract_strided_slice %add3A_17 {offsets = [0, 88], sizes = [128, 8], strides = [1, 1]} : vector<128x128xf32> to vector<128x8xf32>
    %add3A_40 = arith.addf %add3A_38, %slice3A_39 : vector<128x8xf32>
    %slice3A_41 = vector.extract_strided_slice %add3A_17 {offsets = [0, 96], sizes = [128, 8], strides = [1, 1]} : vector<128x128xf32> to vector<128x8xf32>
    %add3A_42 = arith.addf %add3A_40, %slice3A_41 : vector<128x8xf32>
    %slice3A_43 = vector.extract_strided_slice %add3A_17 {offsets = [0, 104], sizes = [128, 8], strides = [1, 1]} : vector<128x128xf32> to vector<128x8xf32>
    %add3A_44 = arith.addf %add3A_42, %slice3A_43 : vector<128x8xf32>
    %slice3A_45 = vector.extract_strided_slice %add3A_17 {offsets = [0, 112], sizes = [128, 8], strides = [1, 1]} : vector<128x128xf32> to vector<128x8xf32>
    %add3A_46 = arith.addf %add3A_44, %slice3A_45 : vector<128x8xf32>
    %slice3A_47 = vector.extract_strided_slice %add3A_17 {offsets = [0, 120], sizes = [128, 8], strides = [1, 1]} : vector<128x128xf32> to vector<128x8xf32>
    %add3A_48 = arith.addf %add3A_46, %slice3A_47 : vector<128x8xf32>
    %slice3A_49 = vector.extract_strided_slice %add3A_48 {offsets = [0, 0], sizes = [128, 4], strides = [1, 1]} : vector<128x8xf32> to vector<128x4xf32>
    %slice3A_50 = vector.extract_strided_slice %add3A_48 {offsets = [0, 4], sizes = [128, 4], strides = [1, 1]} : vector<128x8xf32> to vector<128x4xf32>
    %add3A_51 = arith.addf %slice3A_49, %slice3A_50 : vector<128x4xf32>
    %slice3A_52 = vector.extract_strided_slice %add3A_51 {offsets = [0, 0], sizes = [128, 2], strides = [1, 1]} : vector<128x4xf32> to vector<128x2xf32>
    %slice3A_53 = vector.extract_strided_slice %add3A_51 {offsets = [0, 2], sizes = [128, 2], strides = [1, 1]} : vector<128x4xf32> to vector<128x2xf32>
    %add3A_54 = arith.addf %slice3A_52, %slice3A_53 : vector<128x2xf32>
    %slice3A_55 = vector.extract_strided_slice %add3A_54 {offsets = [0, 0], sizes = [128, 1], strides = [1, 1]} : vector<128x2xf32> to vector<128x1xf32>
    %slice3A_56 = vector.extract_strided_slice %add3A_54 {offsets = [0, 1], sizes = [128, 1], strides = [1, 1]} : vector<128x2xf32> to vector<128x1xf32>
    %add3A_57 = arith.addf %slice3A_55, %slice3A_56 : vector<128x1xf32>
    %sqrt3A = math.sqrt %add3A_57 : vector<128x1xf32>
    %max3A = arith.constant 9.99999996E-13 : f32
    %max3A_58 = vector.broadcast %max3A : f32 to vector<128x1xf32>
    %max3A_59 = arith.maximumf %sqrt3A, %max3A_58 : vector<128x1xf32>
    %div3A = vector.broadcast %max3A_59 : vector<128x1xf32> to vector<128x768xf32>
    %div3A_60 = arith.divf %get3A_3, %div3A : vector<128x768xf32>
    %mul3A_61 = arith.mulf %get3A_8, %get3A_8 : vector<128x768xf32>
    %slice3A_62 = vector.extract_strided_slice %mul3A_61 {offsets = [0, 0], sizes = [128, 128], strides = [1, 1]} : vector<128x768xf32> to vector<128x128xf32>
    %slice3A_63 = vector.extract_strided_slice %mul3A_61 {offsets = [0, 128], sizes = [128, 128], strides = [1, 1]} : vector<128x768xf32> to vector<128x128xf32>
    %add3A_64 = arith.addf %slice3A_62, %slice3A_63 : vector<128x128xf32>
    %slice3A_65 = vector.extract_strided_slice %mul3A_61 {offsets = [0, 256], sizes = [128, 128], strides = [1, 1]} : vector<128x768xf32> to vector<128x128xf32>
    %add3A_66 = arith.addf %add3A_64, %slice3A_65 : vector<128x128xf32>
    %slice3A_67 = vector.extract_strided_slice %mul3A_61 {offsets = [0, 384], sizes = [128, 128], strides = [1, 1]} : vector<128x768xf32> to vector<128x128xf32>
    %add3A_68 = arith.addf %add3A_66, %slice3A_67 : vector<128x128xf32>
    %slice3A_69 = vector.extract_strided_slice %mul3A_61 {offsets = [0, 512], sizes = [128, 128], strides = [1, 1]} : vector<128x768xf32> to vector<128x128xf32>
    %add3A_70 = arith.addf %add3A_68, %slice3A_69 : vector<128x128xf32>
    %slice3A_71 = vector.extract_strided_slice %mul3A_61 {offsets = [0, 640], sizes = [128, 128], strides = [1, 1]} : vector<128x768xf32> to vector<128x128xf32>
    %add3A_72 = arith.addf %add3A_70, %slice3A_71 : vector<128x128xf32>
    %slice3A_73 = vector.extract_strided_slice %add3A_72 {offsets = [0, 0], sizes = [128, 8], strides = [1, 1]} : vector<128x128xf32> to vector<128x8xf32>
    %slice3A_74 = vector.extract_strided_slice %add3A_72 {offsets = [0, 8], sizes = [128, 8], strides = [1, 1]} : vector<128x128xf32> to vector<128x8xf32>
    %add3A_75 = arith.addf %slice3A_73, %slice3A_74 : vector<128x8xf32>
    %slice3A_76 = vector.extract_strided_slice %add3A_72 {offsets = [0, 16], sizes = [128, 8], strides = [1, 1]} : vector<128x128xf32> to vector<128x8xf32>
    %add3A_77 = arith.addf %add3A_75, %slice3A_76 : vector<128x8xf32>
    %slice3A_78 = vector.extract_strided_slice %add3A_72 {offsets = [0, 24], sizes = [128, 8], strides = [1, 1]} : vector<128x128xf32> to vector<128x8xf32>
    %add3A_79 = arith.addf %add3A_77, %slice3A_78 : vector<128x8xf32>
    %slice3A_80 = vector.extract_strided_slice %add3A_72 {offsets = [0, 32], sizes = [128, 8], strides = [1, 1]} : vector<128x128xf32> to vector<128x8xf32>
    %add3A_81 = arith.addf %add3A_79, %slice3A_80 : vector<128x8xf32>
    %slice3A_82 = vector.extract_strided_slice %add3A_72 {offsets = [0, 40], sizes = [128, 8], strides = [1, 1]} : vector<128x128xf32> to vector<128x8xf32>
    %add3A_83 = arith.addf %add3A_81, %slice3A_82 : vector<128x8xf32>
    %slice3A_84 = vector.extract_strided_slice %add3A_72 {offsets = [0, 48], sizes = [128, 8], strides = [1, 1]} : vector<128x128xf32> to vector<128x8xf32>
    %add3A_85 = arith.addf %add3A_83, %slice3A_84 : vector<128x8xf32>
    %slice3A_86 = vector.extract_strided_slice %add3A_72 {offsets = [0, 56], sizes = [128, 8], strides = [1, 1]} : vector<128x128xf32> to vector<128x8xf32>
    %add3A_87 = arith.addf %add3A_85, %slice3A_86 : vector<128x8xf32>
    %slice3A_88 = vector.extract_strided_slice %add3A_72 {offsets = [0, 64], sizes = [128, 8], strides = [1, 1]} : vector<128x128xf32> to vector<128x8xf32>
    %add3A_89 = arith.addf %add3A_87, %slice3A_88 : vector<128x8xf32>
    %slice3A_90 = vector.extract_strided_slice %add3A_72 {offsets = [0, 72], sizes = [128, 8], strides = [1, 1]} : vector<128x128xf32> to vector<128x8xf32>
    %add3A_91 = arith.addf %add3A_89, %slice3A_90 : vector<128x8xf32>
    %slice3A_92 = vector.extract_strided_slice %add3A_72 {offsets = [0, 80], sizes = [128, 8], strides = [1, 1]} : vector<128x128xf32> to vector<128x8xf32>
    %add3A_93 = arith.addf %add3A_91, %slice3A_92 : vector<128x8xf32>
    %slice3A_94 = vector.extract_strided_slice %add3A_72 {offsets = [0, 88], sizes = [128, 8], strides = [1, 1]} : vector<128x128xf32> to vector<128x8xf32>
    %add3A_95 = arith.addf %add3A_93, %slice3A_94 : vector<128x8xf32>
    %slice3A_96 = vector.extract_strided_slice %add3A_72 {offsets = [0, 96], sizes = [128, 8], strides = [1, 1]} : vector<128x128xf32> to vector<128x8xf32>
    %add3A_97 = arith.addf %add3A_95, %slice3A_96 : vector<128x8xf32>
    %slice3A_98 = vector.extract_strided_slice %add3A_72 {offsets = [0, 104], sizes = [128, 8], strides = [1, 1]} : vector<128x128xf32> to vector<128x8xf32>
    %add3A_99 = arith.addf %add3A_97, %slice3A_98 : vector<128x8xf32>
    %slice3A_100 = vector.extract_strided_slice %add3A_72 {offsets = [0, 112], sizes = [128, 8], strides = [1, 1]} : vector<128x128xf32> to vector<128x8xf32>
    %add3A_101 = arith.addf %add3A_99, %slice3A_100 : vector<128x8xf32>
    %slice3A_102 = vector.extract_strided_slice %add3A_72 {offsets = [0, 120], sizes = [128, 8], strides = [1, 1]} : vector<128x128xf32> to vector<128x8xf32>
    %add3A_103 = arith.addf %add3A_101, %slice3A_102 : vector<128x8xf32>
    %slice3A_104 = vector.extract_strided_slice %add3A_103 {offsets = [0, 0], sizes = [128, 4], strides = [1, 1]} : vector<128x8xf32> to vector<128x4xf32>
    %slice3A_105 = vector.extract_strided_slice %add3A_103 {offsets = [0, 4], sizes = [128, 4], strides = [1, 1]} : vector<128x8xf32> to vector<128x4xf32>
    %add3A_106 = arith.addf %slice3A_104, %slice3A_105 : vector<128x4xf32>
    %slice3A_107 = vector.extract_strided_slice %add3A_106 {offsets = [0, 0], sizes = [128, 2], strides = [1, 1]} : vector<128x4xf32> to vector<128x2xf32>
    %slice3A_108 = vector.extract_strided_slice %add3A_106 {offsets = [0, 2], sizes = [128, 2], strides = [1, 1]} : vector<128x4xf32> to vector<128x2xf32>
    %add3A_109 = arith.addf %slice3A_107, %slice3A_108 : vector<128x2xf32>
    %slice3A_110 = vector.extract_strided_slice %add3A_109 {offsets = [0, 0], sizes = [128, 1], strides = [1, 1]} : vector<128x2xf32> to vector<128x1xf32>
    %slice3A_111 = vector.extract_strided_slice %add3A_109 {offsets = [0, 1], sizes = [128, 1], strides = [1, 1]} : vector<128x2xf32> to vector<128x1xf32>
    %add3A_112 = arith.addf %slice3A_110, %slice3A_111 : vector<128x1xf32>
    %sqrt3A_113 = math.sqrt %add3A_112 : vector<128x1xf32>
    %max3A_114 = arith.constant 9.99999996E-13 : f32
    %max3A_115 = vector.broadcast %max3A_114 : f32 to vector<128x1xf32>
    %max3A_116 = arith.maximumf %sqrt3A_113, %max3A_115 : vector<128x1xf32>
    %div3A_117 = vector.broadcast %max3A_116 : vector<128x1xf32> to vector<128x768xf32>
    %div3A_118 = arith.divf %get3A_8, %div3A_117 : vector<128x768xf32>
    %dot_general3A = arith.constant dense<0.000000e+00> : vector<128x128xf32>
    %dot_general3A_119 = tpu.matmul %div3A_60, %div3A_118, %dot_general3A {dimension_numbers = #tpu.dot_dimension_numbers<[1], [1], [0], [0], [0, 0, 1, 0], [], []>, transpose_lhs_hint = false} : vector<128x768xf32>, vector<128x768xf32>, vector<128x128xf32> -> vector<128x128xf32>
    %reshape3A = vector.shape_cast %dot_general3A_119 : vector<128x128xf32> to vector<1x16384xf32>
    %swap3A = arith.constant 0 : index
    %swap3A_120 = arith.constant 0 : index
    %swap3A_121 = vector.load %arg2[%swap3A, %swap3A_120] : memref<8x16384xf32, #tpu.memory_space<vmem>>, vector<1x16384xf32>
    tpu.vector_store %arg2[%swap3A, %swap3A_120], %reshape3A {strides = array<i32>} : memref<8x16384xf32, #tpu.memory_space<vmem>>, vector<1x16384xf32>,
    %get3A_122 = arith.constant 1 : index
    %get3A_123 = arith.constant 0 : index
    %get3A_124 = arith.constant 0 : index
    %get3A_125 = vector.load %arg0[%get3A_122, %get3A_123, %get3A_124] : memref<8x128x768xf32, #tpu.memory_space<vmem>>, vector<1x128x768xf32>
    %get3A_126 = vector.shape_cast %get3A_125 : vector<1x128x768xf32> to vector<128x768xf32>
    %get3A_127 = arith.constant 1 : index
    %get3A_128 = arith.constant 0 : index
    %get3A_129 = arith.constant 0 : index
    %get3A_130 = vector.load %arg1[%get3A_127, %get3A_128, %get3A_129] : memref<8x128x768xf32, #tpu.memory_space<vmem>>, vector<1x128x768xf32>
    %get3A_131 = vector.shape_cast %get3A_130 : vector<1x128x768xf32> to vector<128x768xf32>
    %mul3A_132 = arith.mulf %get3A_126, %get3A_126 : vector<128x768xf32>
    %slice3A_133 = vector.extract_strided_slice %mul3A_132 {offsets = [0, 0], sizes = [128, 128], strides = [1, 1]} : vector<128x768xf32> to vector<128x128xf32>
    %slice3A_134 = vector.extract_strided_slice %mul3A_132 {offsets = [0, 128], sizes = [128, 128], strides = [1, 1]} : vector<128x768xf32> to vector<128x128xf32>
    %add3A_135 = arith.addf %slice3A_133, %slice3A_134 : vector<128x128xf32>
    %slice3A_136 = vector.extract_strided_slice %mul3A_132 {offsets = [0, 256], sizes = [128, 128], strides = [1, 1]} : vector<128x768xf32> to vector<128x128xf32>
    %add3A_137 = arith.addf %add3A_135, %slice3A_136 : vector<128x128xf32>
    %slice3A_138 = vector.extract_strided_slice %mul3A_132 {offsets = [0, 384], sizes = [128, 128], strides = [1, 1]} : vector<128x768xf32> to vector<128x128xf32>
    %add3A_139 = arith.addf %add3A_137, %slice3A_138 : vector<128x128xf32>
    %slice3A_140 = vector.extract_strided_slice %mul3A_132 {offsets = [0, 512], sizes = [128, 128], strides = [1, 1]} : vector<128x768xf32> to vector<128x128xf32>
    %add3A_141 = arith.addf %add3A_139, %slice3A_140 : vector<128x128xf32>
    %slice3A_142 = vector.extract_strided_slice %mul3A_132 {offsets = [0, 640], sizes = [128, 128], strides = [1, 1]} : vector<128x768xf32> to vector<128x128xf32>
    %add3A_143 = arith.addf %add3A_141, %slice3A_142 : vector<128x128xf32>
    %slice3A_144 = vector.extract_strided_slice %add3A_143 {offsets = [0, 0], sizes = [128, 8], strides = [1, 1]} : vector<128x128xf32> to vector<128x8xf32>
    %slice3A_145 = vector.extract_strided_slice %add3A_143 {offsets = [0, 8], sizes = [128, 8], strides = [1, 1]} : vector<128x128xf32> to vector<128x8xf32>
    %add3A_146 = arith.addf %slice3A_144, %slice3A_145 : vector<128x8xf32>
    %slice3A_147 = vector.extract_strided_slice %add3A_143 {offsets = [0, 16], sizes = [128, 8], strides = [1, 1]} : vector<128x128xf32> to vector<128x8xf32>
    %add3A_148 = arith.addf %add3A_146, %slice3A_147 : vector<128x8xf32>
    %slice3A_149 = vector.extract_strided_slice %add3A_143 {offsets = [0, 24], sizes = [128, 8], strides = [1, 1]} : vector<128x128xf32> to vector<128x8xf32>
    %add3A_150 = arith.addf %add3A_148, %slice3A_149 : vector<128x8xf32>
    %slice3A_151 = vector.extract_strided_slice %add3A_143 {offsets = [0, 32], sizes = [128, 8], strides = [1, 1]} : vector<128x128xf32> to vector<128x8xf32>
    %add3A_152 = arith.addf %add3A_150, %slice3A_151 : vector<128x8xf32>
    %slice3A_153 = vector.extract_strided_slice %add3A_143 {offsets = [0, 40], sizes = [128, 8], strides = [1, 1]} : vector<128x128xf32> to vector<128x8xf32>
    %add3A_154 = arith.addf %add3A_152, %slice3A_153 : vector<128x8xf32>
    %slice3A_155 = vector.extract_strided_slice %add3A_143 {offsets = [0, 48], sizes = [128, 8], strides = [1, 1]} : vector<128x128xf32> to vector<128x8xf32>
    %add3A_156 = arith.addf %add3A_154, %slice3A_155 : vector<128x8xf32>
    %slice3A_157 = vector.extract_strided_slice %add3A_143 {offsets = [0, 56], sizes = [128, 8], strides = [1, 1]} : vector<128x128xf32> to vector<128x8xf32>
    %add3A_158 = arith.addf %add3A_156, %slice3A_157 : vector<128x8xf32>
    %slice3A_159 = vector.extract_strided_slice %add3A_143 {offsets = [0, 64], sizes = [128, 8], strides = [1, 1]} : vector<128x128xf32> to vector<128x8xf32>
    %add3A_160 = arith.addf %add3A_158, %slice3A_159 : vector<128x8xf32>
    %slice3A_161 = vector.extract_strided_slice %add3A_143 {offsets = [0, 72], sizes = [128, 8], strides = [1, 1]} : vector<128x128xf32> to vector<128x8xf32>
    %add3A_162 = arith.addf %add3A_160, %slice3A_161 : vector<128x8xf32>
    %slice3A_163 = vector.extract_strided_slice %add3A_143 {offsets = [0, 80], sizes = [128, 8], strides = [1, 1]} : vector<128x128xf32> to vector<128x8xf32>
    %add3A_164 = arith.addf %add3A_162, %slice3A_163 : vector<128x8xf32>
    %slice3A_165 = vector.extract_strided_slice %add3A_143 {offsets = [0, 88], sizes = [128, 8], strides = [1, 1]} : vector<128x128xf32> to vector<128x8xf32>
    %add3A_166 = arith.addf %add3A_164, %slice3A_165 : vector<128x8xf32>
    %slice3A_167 = vector.extract_strided_slice %add3A_143 {offsets = [0, 96], sizes = [128, 8], strides = [1, 1]} : vector<128x128xf32> to vector<128x8xf32>
    %add3A_168 = arith.addf %add3A_166, %slice3A_167 : vector<128x8xf32>
    %slice3A_169 = vector.extract_strided_slice %add3A_143 {offsets = [0, 104], sizes = [128, 8], strides = [1, 1]} : vector<128x128xf32> to vector<128x8xf32>
    %add3A_170 = arith.addf %add3A_168, %slice3A_169 : vector<128x8xf32>
    %slice3A_171 = vector.extract_strided_slice %add3A_143 {offsets = [0, 112], sizes = [128, 8], strides = [1, 1]} : vector<128x128xf32> to vector<128x8xf32>
    %add3A_172 = arith.addf %add3A_170, %slice3A_171 : vector<128x8xf32>
    %slice3A_173 = vector.extract_strided_slice %add3A_143 {offsets = [0, 120], sizes = [128, 8], strides = [1, 1]} : vector<128x128xf32> to vector<128x8xf32>
    %add3A_174 = arith.addf %add3A_172, %slice3A_173 : vector<128x8xf32>
    %slice3A_175 = vector.extract_strided_slice %add3A_174 {offsets = [0, 0], sizes = [128, 4], strides = [1, 1]} : vector<128x8xf32> to vector<128x4xf32>
    %slice3A_176 = vector.extract_strided_slice %add3A_174 {offsets = [0, 4], sizes = [128, 4], strides = [1, 1]} : vector<128x8xf32> to vector<128x4xf32>
    %add3A_177 = arith.addf %slice3A_175, %slice3A_176 : vector<128x4xf32>
    %slice3A_178 = vector.extract_strided_slice %add3A_177 {offsets = [0, 0], sizes = [128, 2], strides = [1, 1]} : vector<128x4xf32> to vector<128x2xf32>
    %slice3A_179 = vector.extract_strided_slice %add3A_177 {offsets = [0, 2], sizes = [128, 2], strides = [1, 1]} : vector<128x4xf32> to vector<128x2xf32>
    %add3A_180 = arith.addf %slice3A_178, %slice3A_179 : vector<128x2xf32>
    %slice3A_181 = vector.extract_strided_slice %add3A_180 {offsets = [0, 0], sizes = [128, 1], strides = [1, 1]} : vector<128x2xf32> to vector<128x1xf32>
    %slice3A_182 = vector.extract_strided_slice %add3A_180 {offsets = [0, 1], sizes = [128, 1], strides = [1, 1]} : vector<128x2xf32> to vector<128x1xf32>
    %add3A_183 = arith.addf %slice3A_181, %slice3A_182 : vector<128x1xf32>
    %sqrt3A_184 = math.sqrt %add3A_183 : vector<128x1xf32>
    %max3A_185 = arith.constant 9.99999996E-13 : f32
    %max3A_186 = vector.broadcast %max3A_185 : f32 to vector<128x1xf32>
    %max3A_187 = arith.maximumf %sqrt3A_184, %max3A_186 : vector<128x1xf32>
    %div3A_188 = vector.broadcast %max3A_187 : vector<128x1xf32> to vector<128x768xf32>
    %div3A_189 = arith.divf %get3A_126, %div3A_188 : vector<128x768xf32>
    %mul3A_190 = arith.mulf %get3A_131, %get3A_131 : vector<128x768xf32>
    %slice3A_191 = vector.extract_strided_slice %mul3A_190 {offsets = [0, 0], sizes = [128, 128], strides = [1, 1]} : vector<128x768xf32> to vector<128x128xf32>
    %slice3A_192 = vector.extract_strided_slice %mul3A_190 {offsets = [0, 128], sizes = [128, 128], strides = [1, 1]} : vector<128x768xf32> to vector<128x128xf32>
    %add3A_193 = arith.addf %slice3A_191, %slice3A_192 : vector<128x128xf32>
    %slice3A_194 = vector.extract_strided_slice %mul3A_190 {offsets = [0, 256], sizes = [128, 128], strides = [1, 1]} : vector<128x768xf32> to vector<128x128xf32>
    %add3A_195 = arith.addf %add3A_193, %slice3A_194 : vector<128x128xf32>
    %slice3A_196 = vector.extract_strided_slice %mul3A_190 {offsets = [0, 384], sizes = [128, 128], strides = [1, 1]} : vector<128x768xf32> to vector<128x128xf32>
    %add3A_197 = arith.addf %add3A_195, %slice3A_196 : vector<128x128xf32>
    %slice3A_198 = vector.extract_strided_slice %mul3A_190 {offsets = [0, 512], sizes = [128, 128], strides = [1, 1]} : vector<128x768xf32> to vector<128x128xf32>
    %add3A_199 = arith.addf %add3A_197, %slice3A_198 : vector<128x128xf32>
    %slice3A_200 = vector.extract_strided_slice %mul3A_190 {offsets = [0, 640], sizes = [128, 128], strides = [1, 1]} : vector<128x768xf32> to vector<128x128xf32>
    %add3A_201 = arith.addf %add3A_199, %slice3A_200 : vector<128x128xf32>
    %slice3A_202 = vector.extract_strided_slice %add3A_201 {offsets = [0, 0], sizes = [128, 8], strides = [1, 1]} : vector<128x128xf32> to vector<128x8xf32>
    %slice3A_203 = vector.extract_strided_slice %add3A_201 {offsets = [0, 8], sizes = [128, 8], strides = [1, 1]} : vector<128x128xf32> to vector<128x8xf32>
    %add3A_204 = arith.addf %slice3A_202, %slice3A_203 : vector<128x8xf32>
    %slice3A_205 = vector.extract_strided_slice %add3A_201 {offsets = [0, 16], sizes = [128, 8], strides = [1, 1]} : vector<128x128xf32> to vector<128x8xf32>
    %add3A_206 = arith.addf %add3A_204, %slice3A_205 : vector<128x8xf32>
    %slice3A_207 = vector.extract_strided_slice %add3A_201 {offsets = [0, 24], sizes = [128, 8], strides = [1, 1]} : vector<128x128xf32> to vector<128x8xf32>
    %add3A_208 = arith.addf %add3A_206, %slice3A_207 : vector<128x8xf32>
    %slice3A_209 = vector.extract_strided_slice %add3A_201 {offsets = [0, 32], sizes = [128, 8], strides = [1, 1]} : vector<128x128xf32> to vector<128x8xf32>
    %add3A_210 = arith.addf %add3A_208, %slice3A_209 : vector<128x8xf32>
    %slice3A_211 = vector.extract_strided_slice %add3A_201 {offsets = [0, 40], sizes = [128, 8], strides = [1, 1]} : vector<128x128xf32> to vector<128x8xf32>
    %add3A_212 = arith.addf %add3A_210, %slice3A_211 : vector<128x8xf32>
    %slice3A_213 = vector.extract_strided_slice %add3A_201 {offsets = [0, 48], sizes = [128, 8], strides = [1, 1]} : vector<128x128xf32> to vector<128x8xf32>
    %add3A_214 = arith.addf %add3A_212, %slice3A_213 : vector<128x8xf32>
    %slice3A_215 = vector.extract_strided_slice %add3A_201 {offsets = [0, 56], sizes = [128, 8], strides = [1, 1]} : vector<128x128xf32> to vector<128x8xf32>
    %add3A_216 = arith.addf %add3A_214, %slice3A_215 : vector<128x8xf32>
    %slice3A_217 = vector.extract_strided_slice %add3A_201 {offsets = [0, 64], sizes = [128, 8], strides = [1, 1]} : vector<128x128xf32> to vector<128x8xf32>
    %add3A_218 = arith.addf %add3A_216, %slice3A_217 : vector<128x8xf32>
    %slice3A_219 = vector.extract_strided_slice %add3A_201 {offsets = [0, 72], sizes = [128, 8], strides = [1, 1]} : vector<128x128xf32> to vector<128x8xf32>
    %add3A_220 = arith.addf %add3A_218, %slice3A_219 : vector<128x8xf32>
    %slice3A_221 = vector.extract_strided_slice %add3A_201 {offsets = [0, 80], sizes = [128, 8], strides = [1, 1]} : vector<128x128xf32> to vector<128x8xf32>
    %add3A_222 = arith.addf %add3A_220, %slice3A_221 : vector<128x8xf32>
    %slice3A_223 = vector.extract_strided_slice %add3A_201 {offsets = [0, 88], sizes = [128, 8], strides = [1, 1]} : vector<128x128xf32> to vector<128x8xf32>
    %add3A_224 = arith.addf %add3A_222, %slice3A_223 : vector<128x8xf32>
    %slice3A_225 = vector.extract_strided_slice %add3A_201 {offsets = [0, 96], sizes = [128, 8], strides = [1, 1]} : vector<128x128xf32> to vector<128x8xf32>
    %add3A_226 = arith.addf %add3A_224, %slice3A_225 : vector<128x8xf32>
    %slice3A_227 = vector.extract_strided_slice %add3A_201 {offsets = [0, 104], sizes = [128, 8], strides = [1, 1]} : vector<128x128xf32> to vector<128x8xf32>
    %add3A_228 = arith.addf %add3A_226, %slice3A_227 : vector<128x8xf32>
    %slice3A_229 = vector.extract_strided_slice %add3A_201 {offsets = [0, 112], sizes = [128, 8], strides = [1, 1]} : vector<128x128xf32> to vector<128x8xf32>
    %add3A_230 = arith.addf %add3A_228, %slice3A_229 : vector<128x8xf32>
    %slice3A_231 = vector.extract_strided_slice %add3A_201 {offsets = [0, 120], sizes = [128, 8], strides = [1, 1]} : vector<128x128xf32> to vector<128x8xf32>
    %add3A_232 = arith.addf %add3A_230, %slice3A_231 : vector<128x8xf32>
    %slice3A_233 = vector.extract_strided_slice %add3A_232 {offsets = [0, 0], sizes = [128, 4], strides = [1, 1]} : vector<128x8xf32> to vector<128x4xf32>
    %slice3A_234 = vector.extract_strided_slice %add3A_232 {offsets = [0, 4], sizes = [128, 4], strides = [1, 1]} : vector<128x8xf32> to vector<128x4xf32>
    %add3A_235 = arith.addf %slice3A_233, %slice3A_234 : vector<128x4xf32>
    %slice3A_236 = vector.extract_strided_slice %add3A_235 {offsets = [0, 0], sizes = [128, 2], strides = [1, 1]} : vector<128x4xf32> to vector<128x2xf32>
    %slice3A_237 = vector.extract_strided_slice %add3A_235 {offsets = [0, 2], sizes = [128, 2], strides = [1, 1]} : vector<128x4xf32> to vector<128x2xf32>
    %add3A_238 = arith.addf %slice3A_236, %slice3A_237 : vector<128x2xf32>
    %slice3A_239 = vector.extract_strided_slice %add3A_238 {offsets = [0, 0], sizes = [128, 1], strides = [1, 1]} : vector<128x2xf32> to vector<128x1xf32>
    %slice3A_240 = vector.extract_strided_slice %add3A_238 {offsets = [0, 1], sizes = [128, 1], strides = [1, 1]} : vector<128x2xf32> to vector<128x1xf32>
    %add3A_241 = arith.addf %slice3A_239, %slice3A_240 : vector<128x1xf32>
    %sqrt3A_242 = math.sqrt %add3A_241 : vector<128x1xf32>
    %max3A_243 = arith.constant 9.99999996E-13 : f32
    %max3A_244 = vector.broadcast %max3A_243 : f32 to vector<128x1xf32>
    %max3A_245 = arith.maximumf %sqrt3A_242, %max3A_244 : vector<128x1xf32>
    %div3A_246 = vector.broadcast %max3A_245 : vector<128x1xf32> to vector<128x768xf32>
    %div3A_247 = arith.divf %get3A_131, %div3A_246 : vector<128x768xf32>
    %dot_general3A_248 = arith.constant dense<0.000000e+00> : vector<128x128xf32>
    %dot_general3A_249 = tpu.matmul %div3A_189, %div3A_247, %dot_general3A_248 {dimension_numbers = #tpu.dot_dimension_numbers<[1], [1], [0], [0], [0, 0, 1, 0], [], []>, transpose_lhs_hint = false} : vector<128x768xf32>, vector<128x768xf32>, vector<128x128xf32> -> vector<128x128xf32>
    %reshape3A_250 = vector.shape_cast %dot_general3A_249 : vector<128x128xf32> to vector<1x16384xf32>
    %swap3A_251 = arith.constant 1 : index
    %swap3A_252 = arith.constant 0 : index
    %swap3A_253 = vector.load %arg2[%swap3A_251, %swap3A_252] : memref<8x16384xf32, #tpu.memory_space<vmem>>, vector<1x16384xf32>
    tpu.vector_store %arg2[%swap3A_251, %swap3A_252], %reshape3A_250 {strides = array<i32>} : memref<8x16384xf32, #tpu.memory_space<vmem>>, vector<1x16384xf32>,
    %get3A_254 = arith.constant 2 : index
    %get3A_255 = arith.constant 0 : index
    %get3A_256 = arith.constant 0 : index
    %get3A_257 = vector.load %arg0[%get3A_254, %get3A_255, %get3A_256] : memref<8x128x768xf32, #tpu.memory_space<vmem>>, vector<1x128x768xf32>
    %get3A_258 = vector.shape_cast %get3A_257 : vector<1x128x768xf32> to vector<128x768xf32>
    %get3A_259 = arith.constant 2 : index
    %get3A_260 = arith.constant 0 : index
    %get3A_261 = arith.constant 0 : index
    %get3A_262 = vector.load %arg1[%get3A_259, %get3A_260, %get3A_261] : memref<8x128x768xf32, #tpu.memory_space<vmem>>, vector<1x128x768xf32>
    %get3A_263 = vector.shape_cast %get3A_262 : vector<1x128x768xf32> to vector<128x768xf32>
    %mul3A_264 = arith.mulf %get3A_258, %get3A_258 : vector<128x768xf32>
    %slice3A_265 = vector.extract_strided_slice %mul3A_264 {offsets = [0, 0], sizes = [128, 128], strides = [1, 1]} : vector<128x768xf32> to vector<128x128xf32>
    %slice3A_266 = vector.extract_strided_slice %mul3A_264 {offsets = [0, 128], sizes = [128, 128], strides = [1, 1]} : vector<128x768xf32> to vector<128x128xf32>
    %add3A_267 = arith.addf %slice3A_265, %slice3A_266 : vector<128x128xf32>
    %slice3A_268 = vector.extract_strided_slice %mul3A_264 {offsets = [0, 256], sizes = [128, 128], strides = [1, 1]} : vector<128x768xf32> to vector<128x128xf32>
    %add3A_269 = arith.addf %add3A_267, %slice3A_268 : vector<128x128xf32>
    %slice3A_270 = vector.extract_strided_slice %mul3A_264 {offsets = [0, 384], sizes = [128, 128], strides = [1, 1]} : vector<128x768xf32> to vector<128x128xf32>
    %add3A_271 = arith.addf %add3A_269, %slice3A_270 : vector<128x128xf32>
    %slice3A_272 = vector.extract_strided_slice %mul3A_264 {offsets = [0, 512], sizes = [128, 128], strides = [1, 1]} : vector<128x768xf32> to vector<128x128xf32>
    %add3A_273 = arith.addf %add3A_271, %slice3A_272 : vector<128x128xf32>
    %slice3A_274 = vector.extract_strided_slice %mul3A_264 {offsets = [0, 640], sizes = [128, 128], strides = [1, 1]} : vector<128x768xf32> to vector<128x128xf32>
    %add3A_275 = arith.addf %add3A_273, %slice3A_274 : vector<128x128xf32>
    %slice3A_276 = vector.extract_strided_slice %add3A_275 {offsets = [0, 0], sizes = [128, 8], strides = [1, 1]} : vector<128x128xf32> to vector<128x8xf32>
    %slice3A_277 = vector.extract_strided_slice %add3A_275 {offsets = [0, 8], sizes = [128, 8], strides = [1, 1]} : vector<128x128xf32> to vector<128x8xf32>
    %add3A_278 = arith.addf %slice3A_276, %slice3A_277 : vector<128x8xf32>
    %slice3A_279 = vector.extract_strided_slice %add3A_275 {offsets = [0, 16], sizes = [128, 8], strides = [1, 1]} : vector<128x128xf32> to vector<128x8xf32>
    %add3A_280 = arith.addf %add3A_278, %slice3A_279 : vector<128x8xf32>
    %slice3A_281 = vector.extract_strided_slice %add3A_275 {offsets = [0, 24], sizes = [128, 8], strides = [1, 1]} : vector<128x128xf32> to vector<128x8xf32>
    %add3A_282 = arith.addf %add3A_280, %slice3A_281 : vector<128x8xf32>
    %slice3A_283 = vector.extract_strided_slice %add3A_275 {offsets = [0, 32], sizes = [128, 8], strides = [1, 1]} : vector<128x128xf32> to vector<128x8xf32>
    %add3A_284 = arith.addf %add3A_282, %slice3A_283 : vector<128x8xf32>
    %slice3A_285 = vector.extract_strided_slice %add3A_275 {offsets = [0, 40], sizes = [128, 8], strides = [1, 1]} : vector<128x128xf32> to vector<128x8xf32>
    %add3A_286 = arith.addf %add3A_284, %slice3A_285 : vector<128x8xf32>
    %slice3A_287 = vector.extract_strided_slice %add3A_275 {offsets = [0, 48], sizes = [128, 8], strides = [1, 1]} : vector<128x128xf32> to vector<128x8xf32>
    %add3A_288 = arith.addf %add3A_286, %slice3A_287 : vector<128x8xf32>
    %slice3A_289 = vector.extract_strided_slice %add3A_275 {offsets = [0, 56], sizes = [128, 8], strides = [1, 1]} : vector<128x128xf32> to vector<128x8xf32>
    %add3A_290 = arith.addf %add3A_288, %slice3A_289 : vector<128x8xf32>
    %slice3A_291 = vector.extract_strided_slice %add3A_275 {offsets = [0, 64], sizes = [128, 8], strides = [1, 1]} : vector<128x128xf32> to vector<128x8xf32>
    %add3A_292 = arith.addf %add3A_290, %slice3A_291 : vector<128x8xf32>
    %slice3A_293 = vector.extract_strided_slice %add3A_275 {offsets = [0, 72], sizes = [128, 8], strides = [1, 1]} : vector<128x128xf32> to vector<128x8xf32>
    %add3A_294 = arith.addf %add3A_292, %slice3A_293 : vector<128x8xf32>
    %slice3A_295 = vector.extract_strided_slice %add3A_275 {offsets = [0, 80], sizes = [128, 8], strides = [1, 1]} : vector<128x128xf32> to vector<128x8xf32>
    %add3A_296 = arith.addf %add3A_294, %slice3A_295 : vector<128x8xf32>
    %slice3A_297 = vector.extract_strided_slice %add3A_275 {offsets = [0, 88], sizes = [128, 8], strides = [1, 1]} : vector<128x128xf32> to vector<128x8xf32>
    %add3A_298 = arith.addf %add3A_296, %slice3A_297 : vector<128x8xf32>
    %slice3A_299 = vector.extract_strided_slice %add3A_275 {offsets = [0, 96], sizes = [128, 8], strides = [1, 1]} : vector<128x128xf32> to vector<128x8xf32>
    %add3A_300 = arith.addf %add3A_298, %slice3A_299 : vector<128x8xf32>
    %slice3A_301 = vector.extract_strided_slice %add3A_275 {offsets = [0, 104], sizes = [128, 8], strides = [1, 1]} : vector<128x128xf32> to vector<128x8xf32>
    %add3A_302 = arith.addf %add3A_300, %slice3A_301 : vector<128x8xf32>
    %slice3A_303 = vector.extract_strided_slice %add3A_275 {offsets = [0, 112], sizes = [128, 8], strides = [1, 1]} : vector<128x128xf32> to vector<128x8xf32>
    %add3A_304 = arith.addf %add3A_302, %slice3A_303 : vector<128x8xf32>
    %slice3A_305 = vector.extract_strided_slice %add3A_275 {offsets = [0, 120], sizes = [128, 8], strides = [1, 1]} : vector<128x128xf32> to vector<128x8xf32>
    %add3A_306 = arith.addf %add3A_304, %slice3A_305 : vector<128x8xf32>
    %slice3A_307 = vector.extract_strided_slice %add3A_306 {offsets = [0, 0], sizes = [128, 4], strides = [1, 1]} : vector<128x8xf32> to vector<128x4xf32>
    %slice3A_308 = vector.extract_strided_slice %add3A_306 {offsets = [0, 4], sizes = [128, 4], strides = [1, 1]} : vector<128x8xf32> to vector<128x4xf32>
    %add3A_309 = arith.addf %slice3A_307, %slice3A_308 : vector<128x4xf32>
    %slice3A_310 = vector.extract_strided_slice %add3A_309 {offsets = [0, 0], sizes = [128, 2], strides = [1, 1]} : vector<128x4xf32> to vector<128x2xf32>
    %slice3A_311 = vector.extract_strided_slice %add3A_309 {offsets = [0, 2], sizes = [128, 2], strides = [1, 1]} : vector<128x4xf32> to vector<128x2xf32>
    %add3A_312 = arith.addf %slice3A_310, %slice3A_311 : vector<128x2xf32>
    %slice3A_313 = vector.extract_strided_slice %add3A_312 {offsets = [0, 0], sizes = [128, 1], strides = [1, 1]} : vector<128x2xf32> to vector<128x1xf32>
    %slice3A_314 = vector.extract_strided_slice %add3A_312 {offsets = [0, 1], sizes = [128, 1], strides = [1, 1]} : vector<128x2xf32> to vector<128x1xf32>
    %add3A_315 = arith.addf %slice3A_313, %slice3A_314 : vector<128x1xf32>
    %sqrt3A_316 = math.sqrt %add3A_315 : vector<128x1xf32>
    %max3A_317 = arith.constant 9.99999996E-13 : f32
    %max3A_318 = vector.broadcast %max3A_317 : f32 to vector<128x1xf32>
    %max3A_319 = arith.maximumf %sqrt3A_316, %max3A_318 : vector<128x1xf32>
    %div3A_320 = vector.broadcast %max3A_319 : vector<128x1xf32> to vector<128x768xf32>
    %div3A_321 = arith.divf %get3A_258, %div3A_320 : vector<128x768xf32>
    %mul3A_322 = arith.mulf %get3A_263, %get3A_263 : vector<128x768xf32>
    %slice3A_323 = vector.extract_strided_slice %mul3A_322 {offsets = [0, 0], sizes = [128, 128], strides = [1, 1]} : vector<128x768xf32> to vector<128x128xf32>
    %slice3A_324 = vector.extract_strided_slice %mul3A_322 {offsets = [0, 128], sizes = [128, 128], strides = [1, 1]} : vector<128x768xf32> to vector<128x128xf32>
    %add3A_325 = arith.addf %slice3A_323, %slice3A_324 : vector<128x128xf32>
    %slice3A_326 = vector.extract_strided_slice %mul3A_322 {offsets = [0, 256], sizes = [128, 128], strides = [1, 1]} : vector<128x768xf32> to vector<128x128xf32>
    %add3A_327 = arith.addf %add3A_325, %slice3A_326 : vector<128x128xf32>
    %slice3A_328 = vector.extract_strided_slice %mul3A_322 {offsets = [0, 384], sizes = [128, 128], strides = [1, 1]} : vector<128x768xf32> to vector<128x128xf32>
    %add3A_329 = arith.addf %add3A_327, %slice3A_328 : vector<128x128xf32>
    %slice3A_330 = vector.extract_strided_slice %mul3A_322 {offsets = [0, 512], sizes = [128, 128], strides = [1, 1]} : vector<128x768xf32> to vector<128x128xf32>
    %add3A_331 = arith.addf %add3A_329, %slice3A_330 : vector<128x128xf32>
    %slice3A_332 = vector.extract_strided_slice %mul3A_322 {offsets = [0, 640], sizes = [128, 128], strides = [1, 1]} : vector<128x768xf32> to vector<128x128xf32>
    %add3A_333 = arith.addf %add3A_331, %slice3A_332 : vector<128x128xf32>
    %slice3A_334 = vector.extract_strided_slice %add3A_333 {offsets = [0, 0], sizes = [128, 8], strides = [1, 1]} : vector<128x128xf32> to vector<128x8xf32>
    %slice3A_335 = vector.extract_strided_slice %add3A_333 {offsets = [0, 8], sizes = [128, 8], strides = [1, 1]} : vector<128x128xf32> to vector<128x8xf32>
    %add3A_336 = arith.addf %slice3A_334, %slice3A_335 : vector<128x8xf32>
    %slice3A_337 = vector.extract_strided_slice %add3A_333 {offsets = [0, 16], sizes = [128, 8], strides = [1, 1]} : vector<128x128xf32> to vector<128x8xf32>
    %add3A_338 = arith.addf %add3A_336, %slice3A_337 : vector<128x8xf32>
    %slice3A_339 = vector.extract_strided_slice %add3A_333 {offsets = [0, 24], sizes = [128, 8], strides = [1, 1]} : vector<128x128xf32> to vector<128x8xf32>
    %add3A_340 = arith.addf %add3A_338, %slice3A_339 : vector<128x8xf32>
    %slice3A_341 = vector.extract_strided_slice %add3A_333 {offsets = [0, 32], sizes = [128, 8], strides = [1, 1]} : vector<128x128xf32> to vector<128x8xf32>
    %add3A_342 = arith.addf %add3A_340, %slice3A_341 : vector<128x8xf32>
    %slice3A_343 = vector.extract_strided_slice %add3A_333 {offsets = [0, 40], sizes = [128, 8], strides = [1, 1]} : vector<128x128xf32> to vector<128x8xf32>
    %add3A_344 = arith.addf %add3A_342, %slice3A_343 : vector<128x8xf32>
    %slice3A_345 = vector.extract_strided_slice %add3A_333 {offsets = [0, 48], sizes = [128, 8], strides = [1, 1]} : vector<128x128xf32> to vector<128x8xf32>
    %add3A_346 = arith.addf %add3A_344, %slice3A_345 : vector<128x8xf32>
    %slice3A_347 = vector.extract_strided_slice %add3A_333 {offsets = [0, 56], sizes = [128, 8], strides = [1, 1]} : vector<128x128xf32> to vector<128x8xf32>
    %add3A_348 = arith.addf %add3A_346, %slice3A_347 : vector<128x8xf32>
    %slice3A_349 = vector.extract_strided_slice %add3A_333 {offsets = [0, 64], sizes = [128, 8], strides = [1, 1]} : vector<128x128xf32> to vector<128x8xf32>
    %add3A_350 = arith.addf %add3A_348, %slice3A_349 : vector<128x8xf32>
    %slice3A_351 = vector.extract_strided_slice %add3A_333 {offsets = [0, 72], sizes = [128, 8], strides = [1, 1]} : vector<128x128xf32> to vector<128x8xf32>
    %add3A_352 = arith.addf %add3A_350, %slice3A_351 : vector<128x8xf32>
    %slice3A_353 = vector.extract_strided_slice %add3A_333 {offsets = [0, 80], sizes = [128, 8], strides = [1, 1]} : vector<128x128xf32> to vector<128x8xf32>
    %add3A_354 = arith.addf %add3A_352, %slice3A_353 : vector<128x8xf32>
    %slice3A_355 = vector.extract_strided_slice %add3A_333 {offsets = [0, 88], sizes = [128, 8], strides = [1, 1]} : vector<128x128xf32> to vector<128x8xf32>
    %add3A_356 = arith.addf %add3A_354, %slice3A_355 : vector<128x8xf32>
    %slice3A_357 = vector.extract_strided_slice %add3A_333 {offsets = [0, 96], sizes = [128, 8], strides = [1, 1]} : vector<128x128xf32> to vector<128x8xf32>
    %add3A_358 = arith.addf %add3A_356, %slice3A_357 : vector<128x8xf32>
    %slice3A_359 = vector.extract_strided_slice %add3A_333 {offsets = [0, 104], sizes = [128, 8], strides = [1, 1]} : vector<128x128xf32> to vector<128x8xf32>
    %add3A_360 = arith.addf %add3A_358, %slice3A_359 : vector<128x8xf32>
    %slice3A_361 = vector.extract_strided_slice %add3A_333 {offsets = [0, 112], sizes = [128, 8], strides = [1, 1]} : vector<128x128xf32> to vector<128x8xf32>
    %add3A_362 = arith.addf %add3A_360, %slice3A_361 : vector<128x8xf32>
    %slice3A_363 = vector.extract_strided_slice %add3A_333 {offsets = [0, 120], sizes = [128, 8], strides = [1, 1]} : vector<128x128xf32> to vector<128x8xf32>
    %add3A_364 = arith.addf %add3A_362, %slice3A_363 : vector<128x8xf32>
    %slice3A_365 = vector.extract_strided_slice %add3A_364 {offsets = [0, 0], sizes = [128, 4], strides = [1, 1]} : vector<128x8xf32> to vector<128x4xf32>
    %slice3A_366 = vector.extract_strided_slice %add3A_364 {offsets = [0, 4], sizes = [128, 4], strides = [1, 1]} : vector<128x8xf32> to vector<128x4xf32>
    %add3A_367 = arith.addf %slice3A_365, %slice3A_366 : vector<128x4xf32>
    %slice3A_368 = vector.extract_strided_slice %add3A_367 {offsets = [0, 0], sizes = [128, 2], strides = [1, 1]} : vector<128x4xf32> to vector<128x2xf32>
    %slice3A_369 = vector.extract_strided_slice %add3A_367 {offsets = [0, 2], sizes = [128, 2], strides = [1, 1]} : vector<128x4xf32> to vector<128x2xf32>
    %add3A_370 = arith.addf %slice3A_368, %slice3A_369 : vector<128x2xf32>
    %slice3A_371 = vector.extract_strided_slice %add3A_370 {offsets = [0, 0], sizes = [128, 1], strides = [1, 1]} : vector<128x2xf32> to vector<128x1xf32>
    %slice3A_372 = vector.extract_strided_slice %add3A_370 {offsets = [0, 1], sizes = [128, 1], strides = [1, 1]} : vector<128x2xf32> to vector<128x1xf32>
    %add3A_373 = arith.addf %slice3A_371, %slice3A_372 : vector<128x1xf32>
    %sqrt3A_374 = math.sqrt %add3A_373 : vector<128x1xf32>
    %max3A_375 = arith.constant 9.99999996E-13 : f32
    %max3A_376 = vector.broadcast %max3A_375 : f32 to vector<128x1xf32>
    %max3A_377 = arith.maximumf %sqrt3A_374, %max3A_376 : vector<128x1xf32>
    %div3A_378 = vector.broadcast %max3A_377 : vector<128x1xf32> to vector<128x768xf32>
    %div3A_379 = arith.divf %get3A_263, %div3A_378 : vector<128x768xf32>
    %dot_general3A_380 = arith.constant dense<0.000000e+00> : vector<128x128xf32>
    %dot_general3A_381 = tpu.matmul %div3A_321, %div3A_379, %dot_general3A_380 {dimension_numbers = #tpu.dot_dimension_numbers<[1], [1], [0], [0], [0, 0, 1, 0], [], []>, transpose_lhs_hint = false} : vector<128x768xf32>, vector<128x768xf32>, vector<128x128xf32> -> vector<128x128xf32>
    %reshape3A_382 = vector.shape_cast %dot_general3A_381 : vector<128x128xf32> to vector<1x16384xf32>
    %swap3A_383 = arith.constant 2 : index
    %swap3A_384 = arith.constant 0 : index
    %swap3A_385 = vector.load %arg2[%swap3A_383, %swap3A_384] : memref<8x16384xf32, #tpu.memory_space<vmem>>, vector<1x16384xf32>
    tpu.vector_store %arg2[%swap3A_383, %swap3A_384], %reshape3A_382 {strides = array<i32>} : memref<8x16384xf32, #tpu.memory_space<vmem>>, vector<1x16384xf32>,
    %get3A_386 = arith.constant 3 : index
    %get3A_387 = arith.constant 0 : index
    %get3A_388 = arith.constant 0 : index
    %get3A_389 = vector.load %arg0[%get3A_386, %get3A_387, %get3A_388] : memref<8x128x768xf32, #tpu.memory_space<vmem>>, vector<1x128x768xf32>
    %get3A_390 = vector.shape_cast %get3A_389 : vector<1x128x768xf32> to vector<128x768xf32>
    %get3A_391 = arith.constant 3 : index
    %get3A_392 = arith.constant 0 : index
    %get3A_393 = arith.constant 0 : index
    %get3A_394 = vector.load %arg1[%get3A_391, %get3A_392, %get3A_393] : memref<8x128x768xf32, #tpu.memory_space<vmem>>, vector<1x128x768xf32>
    %get3A_395 = vector.shape_cast %get3A_394 : vector<1x128x768xf32> to vector<128x768xf32>
    %mul3A_396 = arith.mulf %get3A_390, %get3A_390 : vector<128x768xf32>
    %slice3A_397 = vector.extract_strided_slice %mul3A_396 {offsets = [0, 0], sizes = [128, 128], strides = [1, 1]} : vector<128x768xf32> to vector<128x128xf32>
    %slice3A_398 = vector.extract_strided_slice %mul3A_396 {offsets = [0, 128], sizes = [128, 128], strides = [1, 1]} : vector<128x768xf32> to vector<128x128xf32>
    %add3A_399 = arith.addf %slice3A_397, %slice3A_398 : vector<128x128xf32>
    %slice3A_400 = vector.extract_strided_slice %mul3A_396 {offsets = [0, 256], sizes = [128, 128], strides = [1, 1]} : vector<128x768xf32> to vector<128x128xf32>
    %add3A_401 = arith.addf %add3A_399, %slice3A_400 : vector<128x128xf32>
    %slice3A_402 = vector.extract_strided_slice %mul3A_396 {offsets = [0, 384], sizes = [128, 128], strides = [1, 1]} : vector<128x768xf32> to vector<128x128xf32>
    %add3A_403 = arith.addf %add3A_401, %slice3A_402 : vector<128x128xf32>
    %slice3A_404 = vector.extract_strided_slice %mul3A_396 {offsets = [0, 512], sizes = [128, 128], strides = [1, 1]} : vector<128x768xf32> to vector<128x128xf32>
    %add3A_405 = arith.addf %add3A_403, %slice3A_404 : vector<128x128xf32>
    %slice3A_406 = vector.extract_strided_slice %mul3A_396 {offsets = [0, 640], sizes = [128, 128], strides = [1, 1]} : vector<128x768xf32> to vector<128x128xf32>
    %add3A_407 = arith.addf %add3A_405, %slice3A_406 : vector<128x128xf32>
    %slice3A_408 = vector.extract_strided_slice %add3A_407 {offsets = [0, 0], sizes = [128, 8], strides = [1, 1]} : vector<128x128xf32> to vector<128x8xf32>
    %slice3A_409 = vector.extract_strided_slice %add3A_407 {offsets = [0, 8], sizes = [128, 8], strides = [1, 1]} : vector<128x128xf32> to vector<128x8xf32>
    %add3A_410 = arith.addf %slice3A_408, %slice3A_409 : vector<128x8xf32>
    %slice3A_411 = vector.extract_strided_slice %add3A_407 {offsets = [0, 16], sizes = [128, 8], strides = [1, 1]} : vector<128x128xf32> to vector<128x8xf32>
    %add3A_412 = arith.addf %add3A_410, %slice3A_411 : vector<128x8xf32>
    %slice3A_413 = vector.extract_strided_slice %add3A_407 {offsets = [0, 24], sizes = [128, 8], strides = [1, 1]} : vector<128x128xf32> to vector<128x8xf32>
    %add3A_414 = arith.addf %add3A_412, %slice3A_413 : vector<128x8xf32>
    %slice3A_415 = vector.extract_strided_slice %add3A_407 {offsets = [0, 32], sizes = [128, 8], strides = [1, 1]} : vector<128x128xf32> to vector<128x8xf32>
    %add3A_416 = arith.addf %add3A_414, %slice3A_415 : vector<128x8xf32>
    %slice3A_417 = vector.extract_strided_slice %add3A_407 {offsets = [0, 40], sizes = [128, 8], strides = [1, 1]} : vector<128x128xf32> to vector<128x8xf32>
    %add3A_418 = arith.addf %add3A_416, %slice3A_417 : vector<128x8xf32>
    %slice3A_419 = vector.extract_strided_slice %add3A_407 {offsets = [0, 48], sizes = [128, 8], strides = [1, 1]} : vector<128x128xf32> to vector<128x8xf32>
    %add3A_420 = arith.addf %add3A_418, %slice3A_419 : vector<128x8xf32>
    %slice3A_421 = vector.extract_strided_slice %add3A_407 {offsets = [0, 56], sizes = [128, 8], strides = [1, 1]} : vector<128x128xf32> to vector<128x8xf32>
    %add3A_422 = arith.addf %add3A_420, %slice3A_421 : vector<128x8xf32>
    %slice3A_423 = vector.extract_strided_slice %add3A_407 {offsets = [0, 64], sizes = [128, 8], strides = [1, 1]} : vector<128x128xf32> to vector<128x8xf32>
    %add3A_424 = arith.addf %add3A_422, %slice3A_423 : vector<128x8xf32>
    %slice3A_425 = vector.extract_strided_slice %add3A_407 {offsets = [0, 72], sizes = [128, 8], strides = [1, 1]} : vector<128x128xf32> to vector<128x8xf32>
    %add3A_426 = arith.addf %add3A_424, %slice3A_425 : vector<128x8xf32>
    %slice3A_427 = vector.extract_strided_slice %add3A_407 {offsets = [0, 80], sizes = [128, 8], strides = [1, 1]} : vector<128x128xf32> to vector<128x8xf32>
    %add3A_428 = arith.addf %add3A_426, %slice3A_427 : vector<128x8xf32>
    %slice3A_429 = vector.extract_strided_slice %add3A_407 {offsets = [0, 88], sizes = [128, 8], strides = [1, 1]} : vector<128x128xf32> to vector<128x8xf32>
    %add3A_430 = arith.addf %add3A_428, %slice3A_429 : vector<128x8xf32>
    %slice3A_431 = vector.extract_strided_slice %add3A_407 {offsets = [0, 96], sizes = [128, 8], strides = [1, 1]} : vector<128x128xf32> to vector<128x8xf32>
    %add3A_432 = arith.addf %add3A_430, %slice3A_431 : vector<128x8xf32>
    %slice3A_433 = vector.extract_strided_slice %add3A_407 {offsets = [0, 104], sizes = [128, 8], strides = [1, 1]} : vector<128x128xf32> to vector<128x8xf32>
    %add3A_434 = arith.addf %add3A_432, %slice3A_433 : vector<128x8xf32>
    %slice3A_435 = vector.extract_strided_slice %add3A_407 {offsets = [0, 112], sizes = [128, 8], strides = [1, 1]} : vector<128x128xf32> to vector<128x8xf32>
    %add3A_436 = arith.addf %add3A_434, %slice3A_435 : vector<128x8xf32>
    %slice3A_437 = vector.extract_strided_slice %add3A_407 {offsets = [0, 120], sizes = [128, 8], strides = [1, 1]} : vector<128x128xf32> to vector<128x8xf32>
    %add3A_438 = arith.addf %add3A_436, %slice3A_437 : vector<128x8xf32>
    %slice3A_439 = vector.extract_strided_slice %add3A_438 {offsets = [0, 0], sizes = [128, 4], strides = [1, 1]} : vector<128x8xf32> to vector<128x4xf32>
    %slice3A_440 = vector.extract_strided_slice %add3A_438 {offsets = [0, 4], sizes = [128, 4], strides = [1, 1]} : vector<128x8xf32> to vector<128x4xf32>
    %add3A_441 = arith.addf %slice3A_439, %slice3A_440 : vector<128x4xf32>
    %slice3A_442 = vector.extract_strided_slice %add3A_441 {offsets = [0, 0], sizes = [128, 2], strides = [1, 1]} : vector<128x4xf32> to vector<128x2xf32>
    %slice3A_443 = vector.extract_strided_slice %add3A_441 {offsets = [0, 2], sizes = [128, 2], strides = [1, 1]} : vector<128x4xf32> to vector<128x2xf32>
    %add3A_444 = arith.addf %slice3A_442, %slice3A_443 : vector<128x2xf32>
    %slice3A_445 = vector.extract_strided_slice %add3A_444 {offsets = [0, 0], sizes = [128, 1], strides = [1, 1]} : vector<128x2xf32> to vector<128x1xf32>
    %slice3A_446 = vector.extract_strided_slice %add3A_444 {offsets = [0, 1], sizes = [128, 1], strides = [1, 1]} : vector<128x2xf32> to vector<128x1xf32>
    %add3A_447 = arith.addf %slice3A_445, %slice3A_446 : vector<128x1xf32>
    %sqrt3A_448 = math.sqrt %add3A_447 : vector<128x1xf32>
    %max3A_449 = arith.constant 9.99999996E-13 : f32
    %max3A_450 = vector.broadcast %max3A_449 : f32 to vector<128x1xf32>
    %max3A_451 = arith.maximumf %sqrt3A_448, %max3A_450 : vector<128x1xf32>
    %div3A_452 = vector.broadcast %max3A_451 : vector<128x1xf32> to vector<128x768xf32>
    %div3A_453 = arith.divf %get3A_390, %div3A_452 : vector<128x768xf32>
    %mul3A_454 = arith.mulf %get3A_395, %get3A_395 : vector<128x768xf32>
    %slice3A_455 = vector.extract_strided_slice %mul3A_454 {offsets = [0, 0], sizes = [128, 128], strides = [1, 1]} : vector<128x768xf32> to vector<128x128xf32>
    %slice3A_456 = vector.extract_strided_slice %mul3A_454 {offsets = [0, 128], sizes = [128, 128], strides = [1, 1]} : vector<128x768xf32> to vector<128x128xf32>
    %add3A_457 = arith.addf %slice3A_455, %slice3A_456 : vector<128x128xf32>
    %slice3A_458 = vector.extract_strided_slice %mul3A_454 {offsets = [0, 256], sizes = [128, 128], strides = [1, 1]} : vector<128x768xf32> to vector<128x128xf32>
    %add3A_459 = arith.addf %add3A_457, %slice3A_458 : vector<128x128xf32>
    %slice3A_460 = vector.extract_strided_slice %mul3A_454 {offsets = [0, 384], sizes = [128, 128], strides = [1, 1]} : vector<128x768xf32> to vector<128x128xf32>
    %add3A_461 = arith.addf %add3A_459, %slice3A_460 : vector<128x128xf32>
    %slice3A_462 = vector.extract_strided_slice %mul3A_454 {offsets = [0, 512], sizes = [128, 128], strides = [1, 1]} : vector<128x768xf32> to vector<128x128xf32>
    %add3A_463 = arith.addf %add3A_461, %slice3A_462 : vector<128x128xf32>
    %slice3A_464 = vector.extract_strided_slice %mul3A_454 {offsets = [0, 640], sizes = [128, 128], strides = [1, 1]} : vector<128x768xf32> to vector<128x128xf32>
    %add3A_465 = arith.addf %add3A_463, %slice3A_464 : vector<128x128xf32>
    %slice3A_466 = vector.extract_strided_slice %add3A_465 {offsets = [0, 0], sizes = [128, 8], strides = [1, 1]} : vector<128x128xf32> to vector<128x8xf32>
    %slice3A_467 = vector.extract_strided_slice %add3A_465 {offsets = [0, 8], sizes = [128, 8], strides = [1, 1]} : vector<128x128xf32> to vector<128x8xf32>
    %add3A_468 = arith.addf %slice3A_466, %slice3A_467 : vector<128x8xf32>
    %slice3A_469 = vector.extract_strided_slice %add3A_465 {offsets = [0, 16], sizes = [128, 8], strides = [1, 1]} : vector<128x128xf32> to vector<128x8xf32>
    %add3A_470 = arith.addf %add3A_468, %slice3A_469 : vector<128x8xf32>
    %slice3A_471 = vector.extract_strided_slice %add3A_465 {offsets = [0, 24], sizes = [128, 8], strides = [1, 1]} : vector<128x128xf32> to vector<128x8xf32>
    %add3A_472 = arith.addf %add3A_470, %slice3A_471 : vector<128x8xf32>
    %slice3A_473 = vector.extract_strided_slice %add3A_465 {offsets = [0, 32], sizes = [128, 8], strides = [1, 1]} : vector<128x128xf32> to vector<128x8xf32>
    %add3A_474 = arith.addf %add3A_472, %slice3A_473 : vector<128x8xf32>
    %slice3A_475 = vector.extract_strided_slice %add3A_465 {offsets = [0, 40], sizes = [128, 8], strides = [1, 1]} : vector<128x128xf32> to vector<128x8xf32>
    %add3A_476 = arith.addf %add3A_474, %slice3A_475 : vector<128x8xf32>
    %slice3A_477 = vector.extract_strided_slice %add3A_465 {offsets = [0, 48], sizes = [128, 8], strides = [1, 1]} : vector<128x128xf32> to vector<128x8xf32>
    %add3A_478 = arith.addf %add3A_476, %slice3A_477 : vector<128x8xf32>
    %slice3A_479 = vector.extract_strided_slice %add3A_465 {offsets = [0, 56], sizes = [128, 8], strides = [1, 1]} : vector<128x128xf32> to vector<128x8xf32>
    %add3A_480 = arith.addf %add3A_478, %slice3A_479 : vector<128x8xf32>
    %slice3A_481 = vector.extract_strided_slice %add3A_465 {offsets = [0, 64], sizes = [128, 8], strides = [1, 1]} : vector<128x128xf32> to vector<128x8xf32>
    %add3A_482 = arith.addf %add3A_480, %slice3A_481 : vector<128x8xf32>
    %slice3A_483 = vector.extract_strided_slice %add3A_465 {offsets = [0, 72], sizes = [128, 8], strides = [1, 1]} : vector<128x128xf32> to vector<128x8xf32>
    %add3A_484 = arith.addf %add3A_482, %slice3A_483 : vector<128x8xf32>
    %slice3A_485 = vector.extract_strided_slice %add3A_465 {offsets = [0, 80], sizes = [128, 8], strides = [1, 1]} : vector<128x128xf32> to vector<128x8xf32>
    %add3A_486 = arith.addf %add3A_484, %slice3A_485 : vector<128x8xf32>
    %slice3A_487 = vector.extract_strided_slice %add3A_465 {offsets = [0, 88], sizes = [128, 8], strides = [1, 1]} : vector<128x128xf32> to vector<128x8xf32>
    %add3A_488 = arith.addf %add3A_486, %slice3A_487 : vector<128x8xf32>
    %slice3A_489 = vector.extract_strided_slice %add3A_465 {offsets = [0, 96], sizes = [128, 8], strides = [1, 1]} : vector<128x128xf32> to vector<128x8xf32>
    %add3A_490 = arith.addf %add3A_488, %slice3A_489 : vector<128x8xf32>
    %slice3A_491 = vector.extract_strided_slice %add3A_465 {offsets = [0, 104], sizes = [128, 8], strides = [1, 1]} : vector<128x128xf32> to vector<128x8xf32>
    %add3A_492 = arith.addf %add3A_490, %slice3A_491 : vector<128x8xf32>
    %slice3A_493 = vector.extract_strided_slice %add3A_465 {offsets = [0, 112], sizes = [128, 8], strides = [1, 1]} : vector<128x128xf32> to vector<128x8xf32>
    %add3A_494 = arith.addf %add3A_492, %slice3A_493 : vector<128x8xf32>
    %slice3A_495 = vector.extract_strided_slice %add3A_465 {offsets = [0, 120], sizes = [128, 8], strides = [1, 1]} : vector<128x128xf32> to vector<128x8xf32>
    %add3A_496 = arith.addf %add3A_494, %slice3A_495 : vector<128x8xf32>
    %slice3A_497 = vector.extract_strided_slice %add3A_496 {offsets = [0, 0], sizes = [128, 4], strides = [1, 1]} : vector<128x8xf32> to vector<128x4xf32>
    %slice3A_498 = vector.extract_strided_slice %add3A_496 {offsets = [0, 4], sizes = [128, 4], strides = [1, 1]} : vector<128x8xf32> to vector<128x4xf32>
    %add3A_499 = arith.addf %slice3A_497, %slice3A_498 : vector<128x4xf32>
    %slice3A_500 = vector.extract_strided_slice %add3A_499 {offsets = [0, 0], sizes = [128, 2], strides = [1, 1]} : vector<128x4xf32> to vector<128x2xf32>
    %slice3A_501 = vector.extract_strided_slice %add3A_499 {offsets = [0, 2], sizes = [128, 2], strides = [1, 1]} : vector<128x4xf32> to vector<128x2xf32>
    %add3A_502 = arith.addf %slice3A_500, %slice3A_501 : vector<128x2xf32>
    %slice3A_503 = vector.extract_strided_slice %add3A_502 {offsets = [0, 0], sizes = [128, 1], strides = [1, 1]} : vector<128x2xf32> to vector<128x1xf32>
    %slice3A_504 = vector.extract_strided_slice %add3A_502 {offsets = [0, 1], sizes = [128, 1], strides = [1, 1]} : vector<128x2xf32> to vector<128x1xf32>
    %add3A_505 = arith.addf %slice3A_503, %slice3A_504 : vector<128x1xf32>
    %sqrt3A_506 = math.sqrt %add3A_505 : vector<128x1xf32>
    %max3A_507 = arith.constant 9.99999996E-13 : f32
    %max3A_508 = vector.broadcast %max3A_507 : f32 to vector<128x1xf32>
    %max3A_509 = arith.maximumf %sqrt3A_506, %max3A_508 : vector<128x1xf32>
    %div3A_510 = vector.broadcast %max3A_509 : vector<128x1xf32> to vector<128x768xf32>
    %div3A_511 = arith.divf %get3A_395, %div3A_510 : vector<128x768xf32>
    %dot_general3A_512 = arith.constant dense<0.000000e+00> : vector<128x128xf32>
    %dot_general3A_513 = tpu.matmul %div3A_453, %div3A_511, %dot_general3A_512 {dimension_numbers = #tpu.dot_dimension_numbers<[1], [1], [0], [0], [0, 0, 1, 0], [], []>, transpose_lhs_hint = false} : vector<128x768xf32>, vector<128x768xf32>, vector<128x128xf32> -> vector<128x128xf32>
    %reshape3A_514 = vector.shape_cast %dot_general3A_513 : vector<128x128xf32> to vector<1x16384xf32>
    %swap3A_515 = arith.constant 3 : index
    %swap3A_516 = arith.constant 0 : index
    %swap3A_517 = vector.load %arg2[%swap3A_515, %swap3A_516] : memref<8x16384xf32, #tpu.memory_space<vmem>>, vector<1x16384xf32>
    tpu.vector_store %arg2[%swap3A_515, %swap3A_516], %reshape3A_514 {strides = array<i32>} : memref<8x16384xf32, #tpu.memory_space<vmem>>, vector<1x16384xf32>,
    %get3A_518 = arith.constant 4 : index
    %get3A_519 = arith.constant 0 : index
    %get3A_520 = arith.constant 0 : index
    %get3A_521 = vector.load %arg0[%get3A_518, %get3A_519, %get3A_520] : memref<8x128x768xf32, #tpu.memory_space<vmem>>, vector<1x128x768xf32>
    %get3A_522 = vector.shape_cast %get3A_521 : vector<1x128x768xf32> to vector<128x768xf32>
    %get3A_523 = arith.constant 4 : index
    %get3A_524 = arith.constant 0 : index
    %get3A_525 = arith.constant 0 : index
    %get3A_526 = vector.load %arg1[%get3A_523, %get3A_524, %get3A_525] : memref<8x128x768xf32, #tpu.memory_space<vmem>>, vector<1x128x768xf32>
    %get3A_527 = vector.shape_cast %get3A_526 : vector<1x128x768xf32> to vector<128x768xf32>
    %mul3A_528 = arith.mulf %get3A_522, %get3A_522 : vector<128x768xf32>
    %slice3A_529 = vector.extract_strided_slice %mul3A_528 {offsets = [0, 0], sizes = [128, 128], strides = [1, 1]} : vector<128x768xf32> to vector<128x128xf32>
    %slice3A_530 = vector.extract_strided_slice %mul3A_528 {offsets = [0, 128], sizes = [128, 128], strides = [1, 1]} : vector<128x768xf32> to vector<128x128xf32>
    %add3A_531 = arith.addf %slice3A_529, %slice3A_530 : vector<128x128xf32>
    %slice3A_532 = vector.extract_strided_slice %mul3A_528 {offsets = [0, 256], sizes = [128, 128], strides = [1, 1]} : vector<128x768xf32> to vector<128x128xf32>
    %add3A_533 = arith.addf %add3A_531, %slice3A_532 : vector<128x128xf32>
    %slice3A_534 = vector.extract_strided_slice %mul3A_528 {offsets = [0, 384], sizes = [128, 128], strides = [1, 1]} : vector<128x768xf32> to vector<128x128xf32>
    %add3A_535 = arith.addf %add3A_533, %slice3A_534 : vector<128x128xf32>
    %slice3A_536 = vector.extract_strided_slice %mul3A_528 {offsets = [0, 512], sizes = [128, 128], strides = [1, 1]} : vector<128x768xf32> to vector<128x128xf32>
    %add3A_537 = arith.addf %add3A_535, %slice3A_536 : vector<128x128xf32>
    %slice3A_538 = vector.extract_strided_slice %mul3A_528 {offsets = [0, 640], sizes = [128, 128], strides = [1, 1]} : vector<128x768xf32> to vector<128x128xf32>
    %add3A_539 = arith.addf %add3A_537, %slice3A_538 : vector<128x128xf32>
    %slice3A_540 = vector.extract_strided_slice %add3A_539 {offsets = [0, 0], sizes = [128, 8], strides = [1, 1]} : vector<128x128xf32> to vector<128x8xf32>
    %slice3A_541 = vector.extract_strided_slice %add3A_539 {offsets = [0, 8], sizes = [128, 8], strides = [1, 1]} : vector<128x128xf32> to vector<128x8xf32>
    %add3A_542 = arith.addf %slice3A_540, %slice3A_541 : vector<128x8xf32>
    %slice3A_543 = vector.extract_strided_slice %add3A_539 {offsets = [0, 16], sizes = [128, 8], strides = [1, 1]} : vector<128x128xf32> to vector<128x8xf32>
    %add3A_544 = arith.addf %add3A_542, %slice3A_543 : vector<128x8xf32>
    %slice3A_545 = vector.extract_strided_slice %add3A_539 {offsets = [0, 24], sizes = [128, 8], strides = [1, 1]} : vector<128x128xf32> to vector<128x8xf32>
    %add3A_546 = arith.addf %add3A_544, %slice3A_545 : vector<128x8xf32>
    %slice3A_547 = vector.extract_strided_slice %add3A_539 {offsets = [0, 32], sizes = [128, 8], strides = [1, 1]} : vector<128x128xf32> to vector<128x8xf32>
    %add3A_548 = arith.addf %add3A_546, %slice3A_547 : vector<128x8xf32>
    %slice3A_549 = vector.extract_strided_slice %add3A_539 {offsets = [0, 40], sizes = [128, 8], strides = [1, 1]} : vector<128x128xf32> to vector<128x8xf32>
    %add3A_550 = arith.addf %add3A_548, %slice3A_549 : vector<128x8xf32>
    %slice3A_551 = vector.extract_strided_slice %add3A_539 {offsets = [0, 48], sizes = [128, 8], strides = [1, 1]} : vector<128x128xf32> to vector<128x8xf32>
    %add3A_552 = arith.addf %add3A_550, %slice3A_551 : vector<128x8xf32>
    %slice3A_553 = vector.extract_strided_slice %add3A_539 {offsets = [0, 56], sizes = [128, 8], strides = [1, 1]} : vector<128x128xf32> to vector<128x8xf32>
    %add3A_554 = arith.addf %add3A_552, %slice3A_553 : vector<128x8xf32>
    %slice3A_555 = vector.extract_strided_slice %add3A_539 {offsets = [0, 64], sizes = [128, 8], strides = [1, 1]} : vector<128x128xf32> to vector<128x8xf32>
    %add3A_556 = arith.addf %add3A_554, %slice3A_555 : vector<128x8xf32>
    %slice3A_557 = vector.extract_strided_slice %add3A_539 {offsets = [0, 72], sizes = [128, 8], strides = [1, 1]} : vector<128x128xf32> to vector<128x8xf32>
    %add3A_558 = arith.addf %add3A_556, %slice3A_557 : vector<128x8xf32>
    %slice3A_559 = vector.extract_strided_slice %add3A_539 {offsets = [0, 80], sizes = [128, 8], strides = [1, 1]} : vector<128x128xf32> to vector<128x8xf32>
    %add3A_560 = arith.addf %add3A_558, %slice3A_559 : vector<128x8xf32>
    %slice3A_561 = vector.extract_strided_slice %add3A_539 {offsets = [0, 88], sizes = [128, 8], strides = [1, 1]} : vector<128x128xf32> to vector<128x8xf32>
    %add3A_562 = arith.addf %add3A_560, %slice3A_561 : vector<128x8xf32>
    %slice3A_563 = vector.extract_strided_slice %add3A_539 {offsets = [0, 96], sizes = [128, 8], strides = [1, 1]} : vector<128x128xf32> to vector<128x8xf32>
    %add3A_564 = arith.addf %add3A_562, %slice3A_563 : vector<128x8xf32>
    %slice3A_565 = vector.extract_strided_slice %add3A_539 {offsets = [0, 104], sizes = [128, 8], strides = [1, 1]} : vector<128x128xf32> to vector<128x8xf32>
    %add3A_566 = arith.addf %add3A_564, %slice3A_565 : vector<128x8xf32>
    %slice3A_567 = vector.extract_strided_slice %add3A_539 {offsets = [0, 112], sizes = [128, 8], strides = [1, 1]} : vector<128x128xf32> to vector<128x8xf32>
    %add3A_568 = arith.addf %add3A_566, %slice3A_567 : vector<128x8xf32>
    %slice3A_569 = vector.extract_strided_slice %add3A_539 {offsets = [0, 120], sizes = [128, 8], strides = [1, 1]} : vector<128x128xf32> to vector<128x8xf32>
    %add3A_570 = arith.addf %add3A_568, %slice3A_569 : vector<128x8xf32>
    %slice3A_571 = vector.extract_strided_slice %add3A_570 {offsets = [0, 0], sizes = [128, 4], strides = [1, 1]} : vector<128x8xf32> to vector<128x4xf32>
    %slice3A_572 = vector.extract_strided_slice %add3A_570 {offsets = [0, 4], sizes = [128, 4], strides = [1, 1]} : vector<128x8xf32> to vector<128x4xf32>
    %add3A_573 = arith.addf %slice3A_571, %slice3A_572 : vector<128x4xf32>
    %slice3A_574 = vector.extract_strided_slice %add3A_573 {offsets = [0, 0], sizes = [128, 2], strides = [1, 1]} : vector<128x4xf32> to vector<128x2xf32>
    %slice3A_575 = vector.extract_strided_slice %add3A_573 {offsets = [0, 2], sizes = [128, 2], strides = [1, 1]} : vector<128x4xf32> to vector<128x2xf32>
    %add3A_576 = arith.addf %slice3A_574, %slice3A_575 : vector<128x2xf32>
    %slice3A_577 = vector.extract_strided_slice %add3A_576 {offsets = [0, 0], sizes = [128, 1], strides = [1, 1]} : vector<128x2xf32> to vector<128x1xf32>
    %slice3A_578 = vector.extract_strided_slice %add3A_576 {offsets = [0, 1], sizes = [128, 1], strides = [1, 1]} : vector<128x2xf32> to vector<128x1xf32>
    %add3A_579 = arith.addf %slice3A_577, %slice3A_578 : vector<128x1xf32>
    %sqrt3A_580 = math.sqrt %add3A_579 : vector<128x1xf32>
    %max3A_581 = arith.constant 9.99999996E-13 : f32
    %max3A_582 = vector.broadcast %max3A_581 : f32 to vector<128x1xf32>
    %max3A_583 = arith.maximumf %sqrt3A_580, %max3A_582 : vector<128x1xf32>
    %div3A_584 = vector.broadcast %max3A_583 : vector<128x1xf32> to vector<128x768xf32>
    %div3A_585 = arith.divf %get3A_522, %div3A_584 : vector<128x768xf32>
    %mul3A_586 = arith.mulf %get3A_527, %get3A_527 : vector<128x768xf32>
    %slice3A_587 = vector.extract_strided_slice %mul3A_586 {offsets = [0, 0], sizes = [128, 128], strides = [1, 1]} : vector<128x768xf32> to vector<128x128xf32>
    %slice3A_588 = vector.extract_strided_slice %mul3A_586 {offsets = [0, 128], sizes = [128, 128], strides = [1, 1]} : vector<128x768xf32> to vector<128x128xf32>
    %add3A_589 = arith.addf %slice3A_587, %slice3A_588 : vector<128x128xf32>
    %slice3A_590 = vector.extract_strided_slice %mul3A_586 {offsets = [0, 256], sizes = [128, 128], strides = [1, 1]} : vector<128x768xf32> to vector<128x128xf32>
    %add3A_591 = arith.addf %add3A_589, %slice3A_590 : vector<128x128xf32>
    %slice3A_592 = vector.extract_strided_slice %mul3A_586 {offsets = [0, 384], sizes = [128, 128], strides = [1, 1]} : vector<128x768xf32> to vector<128x128xf32>
    %add3A_593 = arith.addf %add3A_591, %slice3A_592 : vector<128x128xf32>
    %slice3A_594 = vector.extract_strided_slice %mul3A_586 {offsets = [0, 512], sizes = [128, 128], strides = [1, 1]} : vector<128x768xf32> to vector<128x128xf32>
    %add3A_595 = arith.addf %add3A_593, %slice3A_594 : vector<128x128xf32>
    %slice3A_596 = vector.extract_strided_slice %mul3A_586 {offsets = [0, 640], sizes = [128, 128], strides = [1, 1]} : vector<128x768xf32> to vector<128x128xf32>
    %add3A_597 = arith.addf %add3A_595, %slice3A_596 : vector<128x128xf32>
    %slice3A_598 = vector.extract_strided_slice %add3A_597 {offsets = [0, 0], sizes = [128, 8], strides = [1, 1]} : vector<128x128xf32> to vector<128x8xf32>
    %slice3A_599 = vector.extract_strided_slice %add3A_597 {offsets = [0, 8], sizes = [128, 8], strides = [1, 1]} : vector<128x128xf32> to vector<128x8xf32>
    %add3A_600 = arith.addf %slice3A_598, %slice3A_599 : vector<128x8xf32>
    %slice3A_601 = vector.extract_strided_slice %add3A_597 {offsets = [0, 16], sizes = [128, 8], strides = [1, 1]} : vector<128x128xf32> to vector<128x8xf32>
    %add3A_602 = arith.addf %add3A_600, %slice3A_601 : vector<128x8xf32>
    %slice3A_603 = vector.extract_strided_slice %add3A_597 {offsets = [0, 24], sizes = [128, 8], strides = [1, 1]} : vector<128x128xf32> to vector<128x8xf32>
    %add3A_604 = arith.addf %add3A_602, %slice3A_603 : vector<128x8xf32>
    %slice3A_605 = vector.extract_strided_slice %add3A_597 {offsets = [0, 32], sizes = [128, 8], strides = [1, 1]} : vector<128x128xf32> to vector<128x8xf32>
    %add3A_606 = arith.addf %add3A_604, %slice3A_605 : vector<128x8xf32>
    %slice3A_607 = vector.extract_strided_slice %add3A_597 {offsets = [0, 40], sizes = [128, 8], strides = [1, 1]} : vector<128x128xf32> to vector<128x8xf32>
    %add3A_608 = arith.addf %add3A_606, %slice3A_607 : vector<128x8xf32>
    %slice3A_609 = vector.extract_strided_slice %add3A_597 {offsets = [0, 48], sizes = [128, 8], strides = [1, 1]} : vector<128x128xf32> to vector<128x8xf32>
    %add3A_610 = arith.addf %add3A_608, %slice3A_609 : vector<128x8xf32>
    %slice3A_611 = vector.extract_strided_slice %add3A_597 {offsets = [0, 56], sizes = [128, 8], strides = [1, 1]} : vector<128x128xf32> to vector<128x8xf32>
    %add3A_612 = arith.addf %add3A_610, %slice3A_611 : vector<128x8xf32>
    %slice3A_613 = vector.extract_strided_slice %add3A_597 {offsets = [0, 64], sizes = [128, 8], strides = [1, 1]} : vector<128x128xf32> to vector<128x8xf32>
    %add3A_614 = arith.addf %add3A_612, %slice3A_613 : vector<128x8xf32>
    %slice3A_615 = vector.extract_strided_slice %add3A_597 {offsets = [0, 72], sizes = [128, 8], strides = [1, 1]} : vector<128x128xf32> to vector<128x8xf32>
    %add3A_616 = arith.addf %add3A_614, %slice3A_615 : vector<128x8xf32>
    %slice3A_617 = vector.extract_strided_slice %add3A_597 {offsets = [0, 80], sizes = [128, 8], strides = [1, 1]} : vector<128x128xf32> to vector<128x8xf32>
    %add3A_618 = arith.addf %add3A_616, %slice3A_617 : vector<128x8xf32>
    %slice3A_619 = vector.extract_strided_slice %add3A_597 {offsets = [0, 88], sizes = [128, 8], strides = [1, 1]} : vector<128x128xf32> to vector<128x8xf32>
    %add3A_620 = arith.addf %add3A_618, %slice3A_619 : vector<128x8xf32>
    %slice3A_621 = vector.extract_strided_slice %add3A_597 {offsets = [0, 96], sizes = [128, 8], strides = [1, 1]} : vector<128x128xf32> to vector<128x8xf32>
    %add3A_622 = arith.addf %add3A_620, %slice3A_621 : vector<128x8xf32>
    %slice3A_623 = vector.extract_strided_slice %add3A_597 {offsets = [0, 104], sizes = [128, 8], strides = [1, 1]} : vector<128x128xf32> to vector<128x8xf32>
    %add3A_624 = arith.addf %add3A_622, %slice3A_623 : vector<128x8xf32>
    %slice3A_625 = vector.extract_strided_slice %add3A_597 {offsets = [0, 112], sizes = [128, 8], strides = [1, 1]} : vector<128x128xf32> to vector<128x8xf32>
    %add3A_626 = arith.addf %add3A_624, %slice3A_625 : vector<128x8xf32>
    %slice3A_627 = vector.extract_strided_slice %add3A_597 {offsets = [0, 120], sizes = [128, 8], strides = [1, 1]} : vector<128x128xf32> to vector<128x8xf32>
    %add3A_628 = arith.addf %add3A_626, %slice3A_627 : vector<128x8xf32>
    %slice3A_629 = vector.extract_strided_slice %add3A_628 {offsets = [0, 0], sizes = [128, 4], strides = [1, 1]} : vector<128x8xf32> to vector<128x4xf32>
    %slice3A_630 = vector.extract_strided_slice %add3A_628 {offsets = [0, 4], sizes = [128, 4], strides = [1, 1]} : vector<128x8xf32> to vector<128x4xf32>
    %add3A_631 = arith.addf %slice3A_629, %slice3A_630 : vector<128x4xf32>
    %slice3A_632 = vector.extract_strided_slice %add3A_631 {offsets = [0, 0], sizes = [128, 2], strides = [1, 1]} : vector<128x4xf32> to vector<128x2xf32>
    %slice3A_633 = vector.extract_strided_slice %add3A_631 {offsets = [0, 2], sizes = [128, 2], strides = [1, 1]} : vector<128x4xf32> to vector<128x2xf32>
    %add3A_634 = arith.addf %slice3A_632, %slice3A_633 : vector<128x2xf32>
    %slice3A_635 = vector.extract_strided_slice %add3A_634 {offsets = [0, 0], sizes = [128, 1], strides = [1, 1]} : vector<128x2xf32> to vector<128x1xf32>
    %slice3A_636 = vector.extract_strided_slice %add3A_634 {offsets = [0, 1], sizes = [128, 1], strides = [1, 1]} : vector<128x2xf32> to vector<128x1xf32>
    %add3A_637 = arith.addf %slice3A_635, %slice3A_636 : vector<128x1xf32>
    %sqrt3A_638 = math.sqrt %add3A_637 : vector<128x1xf32>
    %max3A_639 = arith.constant 9.99999996E-13 : f32
    %max3A_640 = vector.broadcast %max3A_639 : f32 to vector<128x1xf32>
    %max3A_641 = arith.maximumf %sqrt3A_638, %max3A_640 : vector<128x1xf32>
    %div3A_642 = vector.broadcast %max3A_641 : vector<128x1xf32> to vector<128x768xf32>
    %div3A_643 = arith.divf %get3A_527, %div3A_642 : vector<128x768xf32>
    %dot_general3A_644 = arith.constant dense<0.000000e+00> : vector<128x128xf32>
    %dot_general3A_645 = tpu.matmul %div3A_585, %div3A_643, %dot_general3A_644 {dimension_numbers = #tpu.dot_dimension_numbers<[1], [1], [0], [0], [0, 0, 1, 0], [], []>, transpose_lhs_hint = false} : vector<128x768xf32>, vector<128x768xf32>, vector<128x128xf32> -> vector<128x128xf32>
    %reshape3A_646 = vector.shape_cast %dot_general3A_645 : vector<128x128xf32> to vector<1x16384xf32>
    %swap3A_647 = arith.constant 4 : index
    %swap3A_648 = arith.constant 0 : index
    %swap3A_649 = vector.load %arg2[%swap3A_647, %swap3A_648] : memref<8x16384xf32, #tpu.memory_space<vmem>>, vector<1x16384xf32>
    tpu.vector_store %arg2[%swap3A_647, %swap3A_648], %reshape3A_646 {strides = array<i32>} : memref<8x16384xf32, #tpu.memory_space<vmem>>, vector<1x16384xf32>,
    %get3A_650 = arith.constant 5 : index
    %get3A_651 = arith.constant 0 : index
    %get3A_652 = arith.constant 0 : index
    %get3A_653 = vector.load %arg0[%get3A_650, %get3A_651, %get3A_652] : memref<8x128x768xf32, #tpu.memory_space<vmem>>, vector<1x128x768xf32>
    %get3A_654 = vector.shape_cast %get3A_653 : vector<1x128x768xf32> to vector<128x768xf32>
    %get3A_655 = arith.constant 5 : index
    %get3A_656 = arith.constant 0 : index
    %get3A_657 = arith.constant 0 : index
    %get3A_658 = vector.load %arg1[%get3A_655, %get3A_656, %get3A_657] : memref<8x128x768xf32, #tpu.memory_space<vmem>>, vector<1x128x768xf32>
    %get3A_659 = vector.shape_cast %get3A_658 : vector<1x128x768xf32> to vector<128x768xf32>
    %mul3A_660 = arith.mulf %get3A_654, %get3A_654 : vector<128x768xf32>
    %slice3A_661 = vector.extract_strided_slice %mul3A_660 {offsets = [0, 0], sizes = [128, 128], strides = [1, 1]} : vector<128x768xf32> to vector<128x128xf32>
    %slice3A_662 = vector.extract_strided_slice %mul3A_660 {offsets = [0, 128], sizes = [128, 128], strides = [1, 1]} : vector<128x768xf32> to vector<128x128xf32>
    %add3A_663 = arith.addf %slice3A_661, %slice3A_662 : vector<128x128xf32>
    %slice3A_664 = vector.extract_strided_slice %mul3A_660 {offsets = [0, 256], sizes = [128, 128], strides = [1, 1]} : vector<128x768xf32> to vector<128x128xf32>
    %add3A_665 = arith.addf %add3A_663, %slice3A_664 : vector<128x128xf32>
    %slice3A_666 = vector.extract_strided_slice %mul3A_660 {offsets = [0, 384], sizes = [128, 128], strides = [1, 1]} : vector<128x768xf32> to vector<128x128xf32>
    %add3A_667 = arith.addf %add3A_665, %slice3A_666 : vector<128x128xf32>
    %slice3A_668 = vector.extract_strided_slice %mul3A_660 {offsets = [0, 512], sizes = [128, 128], strides = [1, 1]} : vector<128x768xf32> to vector<128x128xf32>
    %add3A_669 = arith.addf %add3A_667, %slice3A_668 : vector<128x128xf32>
    %slice3A_670 = vector.extract_strided_slice %mul3A_660 {offsets = [0, 640], sizes = [128, 128], strides = [1, 1]} : vector<128x768xf32> to vector<128x128xf32>
    %add3A_671 = arith.addf %add3A_669, %slice3A_670 : vector<128x128xf32>
    %slice3A_672 = vector.extract_strided_slice %add3A_671 {offsets = [0, 0], sizes = [128, 8], strides = [1, 1]} : vector<128x128xf32> to vector<128x8xf32>
    %slice3A_673 = vector.extract_strided_slice %add3A_671 {offsets = [0, 8], sizes = [128, 8], strides = [1, 1]} : vector<128x128xf32> to vector<128x8xf32>
    %add3A_674 = arith.addf %slice3A_672, %slice3A_673 : vector<128x8xf32>
    %slice3A_675 = vector.extract_strided_slice %add3A_671 {offsets = [0, 16], sizes = [128, 8], strides = [1, 1]} : vector<128x128xf32> to vector<128x8xf32>
    %add3A_676 = arith.addf %add3A_674, %slice3A_675 : vector<128x8xf32>
    %slice3A_677 = vector.extract_strided_slice %add3A_671 {offsets = [0, 24], sizes = [128, 8], strides = [1, 1]} : vector<128x128xf32> to vector<128x8xf32>
    %add3A_678 = arith.addf %add3A_676, %slice3A_677 : vector<128x8xf32>
    %slice3A_679 = vector.extract_strided_slice %add3A_671 {offsets = [0, 32], sizes = [128, 8], strides = [1, 1]} : vector<128x128xf32> to vector<128x8xf32>
    %add3A_680 = arith.addf %add3A_678, %slice3A_679 : vector<128x8xf32>
    %slice3A_681 = vector.extract_strided_slice %add3A_671 {offsets = [0, 40], sizes = [128, 8], strides = [1, 1]} : vector<128x128xf32> to vector<128x8xf32>
    %add3A_682 = arith.addf %add3A_680, %slice3A_681 : vector<128x8xf32>
    %slice3A_683 = vector.extract_strided_slice %add3A_671 {offsets = [0, 48], sizes = [128, 8], strides = [1, 1]} : vector<128x128xf32> to vector<128x8xf32>
    %add3A_684 = arith.addf %add3A_682, %slice3A_683 : vector<128x8xf32>
    %slice3A_685 = vector.extract_strided_slice %add3A_671 {offsets = [0, 56], sizes = [128, 8], strides = [1, 1]} : vector<128x128xf32> to vector<128x8xf32>
    %add3A_686 = arith.addf %add3A_684, %slice3A_685 : vector<128x8xf32>
    %slice3A_687 = vector.extract_strided_slice %add3A_671 {offsets = [0, 64], sizes = [128, 8], strides = [1, 1]} : vector<128x128xf32> to vector<128x8xf32>
    %add3A_688 = arith.addf %add3A_686, %slice3A_687 : vector<128x8xf32>
    %slice3A_689 = vector.extract_strided_slice %add3A_671 {offsets = [0, 72], sizes = [128, 8], strides = [1, 1]} : vector<128x128xf32> to vector<128x8xf32>
    %add3A_690 = arith.addf %add3A_688, %slice3A_689 : vector<128x8xf32>
    %slice3A_691 = vector.extract_strided_slice %add3A_671 {offsets = [0, 80], sizes = [128, 8], strides = [1, 1]} : vector<128x128xf32> to vector<128x8xf32>
    %add3A_692 = arith.addf %add3A_690, %slice3A_691 : vector<128x8xf32>
    %slice3A_693 = vector.extract_strided_slice %add3A_671 {offsets = [0, 88], sizes = [128, 8], strides = [1, 1]} : vector<128x128xf32> to vector<128x8xf32>
    %add3A_694 = arith.addf %add3A_692, %slice3A_693 : vector<128x8xf32>
    %slice3A_695 = vector.extract_strided_slice %add3A_671 {offsets = [0, 96], sizes = [128, 8], strides = [1, 1]} : vector<128x128xf32> to vector<128x8xf32>
    %add3A_696 = arith.addf %add3A_694, %slice3A_695 : vector<128x8xf32>
    %slice3A_697 = vector.extract_strided_slice %add3A_671 {offsets = [0, 104], sizes = [128, 8], strides = [1, 1]} : vector<128x128xf32> to vector<128x8xf32>
    %add3A_698 = arith.addf %add3A_696, %slice3A_697 : vector<128x8xf32>
    %slice3A_699 = vector.extract_strided_slice %add3A_671 {offsets = [0, 112], sizes = [128, 8], strides = [1, 1]} : vector<128x128xf32> to vector<128x8xf32>
    %add3A_700 = arith.addf %add3A_698, %slice3A_699 : vector<128x8xf32>
    %slice3A_701 = vector.extract_strided_slice %add3A_671 {offsets = [0, 120], sizes = [128, 8], strides = [1, 1]} : vector<128x128xf32> to vector<128x8xf32>
    %add3A_702 = arith.addf %add3A_700, %slice3A_701 : vector<128x8xf32>
    %slice3A_703 = vector.extract_strided_slice %add3A_702 {offsets = [0, 0], sizes = [128, 4], strides = [1, 1]} : vector<128x8xf32> to vector<128x4xf32>
    %slice3A_704 = vector.extract_strided_slice %add3A_702 {offsets = [0, 4], sizes = [128, 4], strides = [1, 1]} : vector<128x8xf32> to vector<128x4xf32>
    %add3A_705 = arith.addf %slice3A_703, %slice3A_704 : vector<128x4xf32>
    %slice3A_706 = vector.extract_strided_slice %add3A_705 {offsets = [0, 0], sizes = [128, 2], strides = [1, 1]} : vector<128x4xf32> to vector<128x2xf32>
    %slice3A_707 = vector.extract_strided_slice %add3A_705 {offsets = [0, 2], sizes = [128, 2], strides = [1, 1]} : vector<128x4xf32> to vector<128x2xf32>
    %add3A_708 = arith.addf %slice3A_706, %slice3A_707 : vector<128x2xf32>
    %slice3A_709 = vector.extract_strided_slice %add3A_708 {offsets = [0, 0], sizes = [128, 1], strides = [1, 1]} : vector<128x2xf32> to vector<128x1xf32>
    %slice3A_710 = vector.extract_strided_slice %add3A_708 {offsets = [0, 1], sizes = [128, 1], strides = [1, 1]} : vector<128x2xf32> to vector<128x1xf32>
    %add3A_711 = arith.addf %slice3A_709, %slice3A_710 : vector<128x1xf32>
    %sqrt3A_712 = math.sqrt %add3A_711 : vector<128x1xf32>
    %max3A_713 = arith.constant 9.99999996E-13 : f32
    %max3A_714 = vector.broadcast %max3A_713 : f32 to vector<128x1xf32>
    %max3A_715 = arith.maximumf %sqrt3A_712, %max3A_714 : vector<128x1xf32>
    %div3A_716 = vector.broadcast %max3A_715 : vector<128x1xf32> to vector<128x768xf32>
    %div3A_717 = arith.divf %get3A_654, %div3A_716 : vector<128x768xf32>
    %mul3A_718 = arith.mulf %get3A_659, %get3A_659 : vector<128x768xf32>
    %slice3A_719 = vector.extract_strided_slice %mul3A_718 {offsets = [0, 0], sizes = [128, 128], strides = [1, 1]} : vector<128x768xf32> to vector<128x128xf32>
    %slice3A_720 = vector.extract_strided_slice %mul3A_718 {offsets = [0, 128], sizes = [128, 128], strides = [1, 1]} : vector<128x768xf32> to vector<128x128xf32>
    %add3A_721 = arith.addf %slice3A_719, %slice3A_720 : vector<128x128xf32>
    %slice3A_722 = vector.extract_strided_slice %mul3A_718 {offsets = [0, 256], sizes = [128, 128], strides = [1, 1]} : vector<128x768xf32> to vector<128x128xf32>
    %add3A_723 = arith.addf %add3A_721, %slice3A_722 : vector<128x128xf32>
    %slice3A_724 = vector.extract_strided_slice %mul3A_718 {offsets = [0, 384], sizes = [128, 128], strides = [1, 1]} : vector<128x768xf32> to vector<128x128xf32>
    %add3A_725 = arith.addf %add3A_723, %slice3A_724 : vector<128x128xf32>
    %slice3A_726 = vector.extract_strided_slice %mul3A_718 {offsets = [0, 512], sizes = [128, 128], strides = [1, 1]} : vector<128x768xf32> to vector<128x128xf32>
    %add3A_727 = arith.addf %add3A_725, %slice3A_726 : vector<128x128xf32>
    %slice3A_728 = vector.extract_strided_slice %mul3A_718 {offsets = [0, 640], sizes = [128, 128], strides = [1, 1]} : vector<128x768xf32> to vector<128x128xf32>
    %add3A_729 = arith.addf %add3A_727, %slice3A_728 : vector<128x128xf32>
    %slice3A_730 = vector.extract_strided_slice %add3A_729 {offsets = [0, 0], sizes = [128, 8], strides = [1, 1]} : vector<128x128xf32> to vector<128x8xf32>
    %slice3A_731 = vector.extract_strided_slice %add3A_729 {offsets = [0, 8], sizes = [128, 8], strides = [1, 1]} : vector<128x128xf32> to vector<128x8xf32>
    %add3A_732 = arith.addf %slice3A_730, %slice3A_731 : vector<128x8xf32>
    %slice3A_733 = vector.extract_strided_slice %add3A_729 {offsets = [0, 16], sizes = [128, 8], strides = [1, 1]} : vector<128x128xf32> to vector<128x8xf32>
    %add3A_734 = arith.addf %add3A_732, %slice3A_733 : vector<128x8xf32>
    %slice3A_735 = vector.extract_strided_slice %add3A_729 {offsets = [0, 24], sizes = [128, 8], strides = [1, 1]} : vector<128x128xf32> to vector<128x8xf32>
    %add3A_736 = arith.addf %add3A_734, %slice3A_735 : vector<128x8xf32>
    %slice3A_737 = vector.extract_strided_slice %add3A_729 {offsets = [0, 32], sizes = [128, 8], strides = [1, 1]} : vector<128x128xf32> to vector<128x8xf32>
    %add3A_738 = arith.addf %add3A_736, %slice3A_737 : vector<128x8xf32>
    %slice3A_739 = vector.extract_strided_slice %add3A_729 {offsets = [0, 40], sizes = [128, 8], strides = [1, 1]} : vector<128x128xf32> to vector<128x8xf32>
    %add3A_740 = arith.addf %add3A_738, %slice3A_739 : vector<128x8xf32>
    %slice3A_741 = vector.extract_strided_slice %add3A_729 {offsets = [0, 48], sizes = [128, 8], strides = [1, 1]} : vector<128x128xf32> to vector<128x8xf32>
    %add3A_742 = arith.addf %add3A_740, %slice3A_741 : vector<128x8xf32>
    %slice3A_743 = vector.extract_strided_slice %add3A_729 {offsets = [0, 56], sizes = [128, 8], strides = [1, 1]} : vector<128x128xf32> to vector<128x8xf32>
    %add3A_744 = arith.addf %add3A_742, %slice3A_743 : vector<128x8xf32>
    %slice3A_745 = vector.extract_strided_slice %add3A_729 {offsets = [0, 64], sizes = [128, 8], strides = [1, 1]} : vector<128x128xf32> to vector<128x8xf32>
    %add3A_746 = arith.addf %add3A_744, %slice3A_745 : vector<128x8xf32>
    %slice3A_747 = vector.extract_strided_slice %add3A_729 {offsets = [0, 72], sizes = [128, 8], strides = [1, 1]} : vector<128x128xf32> to vector<128x8xf32>
    %add3A_748 = arith.addf %add3A_746, %slice3A_747 : vector<128x8xf32>
    %slice3A_749 = vector.extract_strided_slice %add3A_729 {offsets = [0, 80], sizes = [128, 8], strides = [1, 1]} : vector<128x128xf32> to vector<128x8xf32>
    %add3A_750 = arith.addf %add3A_748, %slice3A_749 : vector<128x8xf32>
    %slice3A_751 = vector.extract_strided_slice %add3A_729 {offsets = [0, 88], sizes = [128, 8], strides = [1, 1]} : vector<128x128xf32> to vector<128x8xf32>
    %add3A_752 = arith.addf %add3A_750, %slice3A_751 : vector<128x8xf32>
    %slice3A_753 = vector.extract_strided_slice %add3A_729 {offsets = [0, 96], sizes = [128, 8], strides = [1, 1]} : vector<128x128xf32> to vector<128x8xf32>
    %add3A_754 = arith.addf %add3A_752, %slice3A_753 : vector<128x8xf32>
    %slice3A_755 = vector.extract_strided_slice %add3A_729 {offsets = [0, 104], sizes = [128, 8], strides = [1, 1]} : vector<128x128xf32> to vector<128x8xf32>
    %add3A_756 = arith.addf %add3A_754, %slice3A_755 : vector<128x8xf32>
    %slice3A_757 = vector.extract_strided_slice %add3A_729 {offsets = [0, 112], sizes = [128, 8], strides = [1, 1]} : vector<128x128xf32> to vector<128x8xf32>
    %add3A_758 = arith.addf %add3A_756, %slice3A_757 : vector<128x8xf32>
    %slice3A_759 = vector.extract_strided_slice %add3A_729 {offsets = [0, 120], sizes = [128, 8], strides = [1, 1]} : vector<128x128xf32> to vector<128x8xf32>
    %add3A_760 = arith.addf %add3A_758, %slice3A_759 : vector<128x8xf32>
    %slice3A_761 = vector.extract_strided_slice %add3A_760 {offsets = [0, 0], sizes = [128, 4], strides = [1, 1]} : vector<128x8xf32> to vector<128x4xf32>
    %slice3A_762 = vector.extract_strided_slice %add3A_760 {offsets = [0, 4], sizes = [128, 4], strides = [1, 1]} : vector<128x8xf32> to vector<128x4xf32>
    %add3A_763 = arith.addf %slice3A_761, %slice3A_762 : vector<128x4xf32>
    %slice3A_764 = vector.extract_strided_slice %add3A_763 {offsets = [0, 0], sizes = [128, 2], strides = [1, 1]} : vector<128x4xf32> to vector<128x2xf32>
    %slice3A_765 = vector.extract_strided_slice %add3A_763 {offsets = [0, 2], sizes = [128, 2], strides = [1, 1]} : vector<128x4xf32> to vector<128x2xf32>
    %add3A_766 = arith.addf %slice3A_764, %slice3A_765 : vector<128x2xf32>
    %slice3A_767 = vector.extract_strided_slice %add3A_766 {offsets = [0, 0], sizes = [128, 1], strides = [1, 1]} : vector<128x2xf32> to vector<128x1xf32>
    %slice3A_768 = vector.extract_strided_slice %add3A_766 {offsets = [0, 1], sizes = [128, 1], strides = [1, 1]} : vector<128x2xf32> to vector<128x1xf32>
    %add3A_769 = arith.addf %slice3A_767, %slice3A_768 : vector<128x1xf32>
    %sqrt3A_770 = math.sqrt %add3A_769 : vector<128x1xf32>
    %max3A_771 = arith.constant 9.99999996E-13 : f32
    %max3A_772 = vector.broadcast %max3A_771 : f32 to vector<128x1xf32>
    %max3A_773 = arith.maximumf %sqrt3A_770, %max3A_772 : vector<128x1xf32>
    %div3A_774 = vector.broadcast %max3A_773 : vector<128x1xf32> to vector<128x768xf32>
    %div3A_775 = arith.divf %get3A_659, %div3A_774 : vector<128x768xf32>
    %dot_general3A_776 = arith.constant dense<0.000000e+00> : vector<128x128xf32>
    %dot_general3A_777 = tpu.matmul %div3A_717, %div3A_775, %dot_general3A_776 {dimension_numbers = #tpu.dot_dimension_numbers<[1], [1], [0], [0], [0, 0, 1, 0], [], []>, transpose_lhs_hint = false} : vector<128x768xf32>, vector<128x768xf32>, vector<128x128xf32> -> vector<128x128xf32>
    %reshape3A_778 = vector.shape_cast %dot_general3A_777 : vector<128x128xf32> to vector<1x16384xf32>
    %swap3A_779 = arith.constant 5 : index
    %swap3A_780 = arith.constant 0 : index
    %swap3A_781 = vector.load %arg2[%swap3A_779, %swap3A_780] : memref<8x16384xf32, #tpu.memory_space<vmem>>, vector<1x16384xf32>
    tpu.vector_store %arg2[%swap3A_779, %swap3A_780], %reshape3A_778 {strides = array<i32>} : memref<8x16384xf32, #tpu.memory_space<vmem>>, vector<1x16384xf32>,
    %get3A_782 = arith.constant 6 : index
    %get3A_783 = arith.constant 0 : index
    %get3A_784 = arith.constant 0 : index
    %get3A_785 = vector.load %arg0[%get3A_782, %get3A_783, %get3A_784] : memref<8x128x768xf32, #tpu.memory_space<vmem>>, vector<1x128x768xf32>
    %get3A_786 = vector.shape_cast %get3A_785 : vector<1x128x768xf32> to vector<128x768xf32>
    %get3A_787 = arith.constant 6 : index
    %get3A_788 = arith.constant 0 : index
    %get3A_789 = arith.constant 0 : index
    %get3A_790 = vector.load %arg1[%get3A_787, %get3A_788, %get3A_789] : memref<8x128x768xf32, #tpu.memory_space<vmem>>, vector<1x128x768xf32>
    %get3A_791 = vector.shape_cast %get3A_790 : vector<1x128x768xf32> to vector<128x768xf32>
    %mul3A_792 = arith.mulf %get3A_786, %get3A_786 : vector<128x768xf32>
    %slice3A_793 = vector.extract_strided_slice %mul3A_792 {offsets = [0, 0], sizes = [128, 128], strides = [1, 1]} : vector<128x768xf32> to vector<128x128xf32>
    %slice3A_794 = vector.extract_strided_slice %mul3A_792 {offsets = [0, 128], sizes = [128, 128], strides = [1, 1]} : vector<128x768xf32> to vector<128x128xf32>
    %add3A_795 = arith.addf %slice3A_793, %slice3A_794 : vector<128x128xf32>
    %slice3A_796 = vector.extract_strided_slice %mul3A_792 {offsets = [0, 256], sizes = [128, 128], strides = [1, 1]} : vector<128x768xf32> to vector<128x128xf32>
    %add3A_797 = arith.addf %add3A_795, %slice3A_796 : vector<128x128xf32>
    %slice3A_798 = vector.extract_strided_slice %mul3A_792 {offsets = [0, 384], sizes = [128, 128], strides = [1, 1]} : vector<128x768xf32> to vector<128x128xf32>
    %add3A_799 = arith.addf %add3A_797, %slice3A_798 : vector<128x128xf32>
    %slice3A_800 = vector.extract_strided_slice %mul3A_792 {offsets = [0, 512], sizes = [128, 128], strides = [1, 1]} : vector<128x768xf32> to vector<128x128xf32>
    %add3A_801 = arith.addf %add3A_799, %slice3A_800 : vector<128x128xf32>
    %slice3A_802 = vector.extract_strided_slice %mul3A_792 {offsets = [0, 640], sizes = [128, 128], strides = [1, 1]} : vector<128x768xf32> to vector<128x128xf32>
    %add3A_803 = arith.addf %add3A_801, %slice3A_802 : vector<128x128xf32>
    %slice3A_804 = vector.extract_strided_slice %add3A_803 {offsets = [0, 0], sizes = [128, 8], strides = [1, 1]} : vector<128x128xf32> to vector<128x8xf32>
    %slice3A_805 = vector.extract_strided_slice %add3A_803 {offsets = [0, 8], sizes = [128, 8], strides = [1, 1]} : vector<128x128xf32> to vector<128x8xf32>
    %add3A_806 = arith.addf %slice3A_804, %slice3A_805 : vector<128x8xf32>
    %slice3A_807 = vector.extract_strided_slice %add3A_803 {offsets = [0, 16], sizes = [128, 8], strides = [1, 1]} : vector<128x128xf32> to vector<128x8xf32>
    %add3A_808 = arith.addf %add3A_806, %slice3A_807 : vector<128x8xf32>
    %slice3A_809 = vector.extract_strided_slice %add3A_803 {offsets = [0, 24], sizes = [128, 8], strides = [1, 1]} : vector<128x128xf32> to vector<128x8xf32>
    %add3A_810 = arith.addf %add3A_808, %slice3A_809 : vector<128x8xf32>
    %slice3A_811 = vector.extract_strided_slice %add3A_803 {offsets = [0, 32], sizes = [128, 8], strides = [1, 1]} : vector<128x128xf32> to vector<128x8xf32>
    %add3A_812 = arith.addf %add3A_810, %slice3A_811 : vector<128x8xf32>
    %slice3A_813 = vector.extract_strided_slice %add3A_803 {offsets = [0, 40], sizes = [128, 8], strides = [1, 1]} : vector<128x128xf32> to vector<128x8xf32>
    %add3A_814 = arith.addf %add3A_812, %slice3A_813 : vector<128x8xf32>
    %slice3A_815 = vector.extract_strided_slice %add3A_803 {offsets = [0, 48], sizes = [128, 8], strides = [1, 1]} : vector<128x128xf32> to vector<128x8xf32>
    %add3A_816 = arith.addf %add3A_814, %slice3A_815 : vector<128x8xf32>
    %slice3A_817 = vector.extract_strided_slice %add3A_803 {offsets = [0, 56], sizes = [128, 8], strides = [1, 1]} : vector<128x128xf32> to vector<128x8xf32>
    %add3A_818 = arith.addf %add3A_816, %slice3A_817 : vector<128x8xf32>
    %slice3A_819 = vector.extract_strided_slice %add3A_803 {offsets = [0, 64], sizes = [128, 8], strides = [1, 1]} : vector<128x128xf32> to vector<128x8xf32>
    %add3A_820 = arith.addf %add3A_818, %slice3A_819 : vector<128x8xf32>
    %slice3A_821 = vector.extract_strided_slice %add3A_803 {offsets = [0, 72], sizes = [128, 8], strides = [1, 1]} : vector<128x128xf32> to vector<128x8xf32>
    %add3A_822 = arith.addf %add3A_820, %slice3A_821 : vector<128x8xf32>
    %slice3A_823 = vector.extract_strided_slice %add3A_803 {offsets = [0, 80], sizes = [128, 8], strides = [1, 1]} : vector<128x128xf32> to vector<128x8xf32>
    %add3A_824 = arith.addf %add3A_822, %slice3A_823 : vector<128x8xf32>
    %slice3A_825 = vector.extract_strided_slice %add3A_803 {offsets = [0, 88], sizes = [128, 8], strides = [1, 1]} : vector<128x128xf32> to vector<128x8xf32>
    %add3A_826 = arith.addf %add3A_824, %slice3A_825 : vector<128x8xf32>
    %slice3A_827 = vector.extract_strided_slice %add3A_803 {offsets = [0, 96], sizes = [128, 8], strides = [1, 1]} : vector<128x128xf32> to vector<128x8xf32>
    %add3A_828 = arith.addf %add3A_826, %slice3A_827 : vector<128x8xf32>
    %slice3A_829 = vector.extract_strided_slice %add3A_803 {offsets = [0, 104], sizes = [128, 8], strides = [1, 1]} : vector<128x128xf32> to vector<128x8xf32>
    %add3A_830 = arith.addf %add3A_828, %slice3A_829 : vector<128x8xf32>
    %slice3A_831 = vector.extract_strided_slice %add3A_803 {offsets = [0, 112], sizes = [128, 8], strides = [1, 1]} : vector<128x128xf32> to vector<128x8xf32>
    %add3A_832 = arith.addf %add3A_830, %slice3A_831 : vector<128x8xf32>
    %slice3A_833 = vector.extract_strided_slice %add3A_803 {offsets = [0, 120], sizes = [128, 8], strides = [1, 1]} : vector<128x128xf32> to vector<128x8xf32>
    %add3A_834 = arith.addf %add3A_832, %slice3A_833 : vector<128x8xf32>
    %slice3A_835 = vector.extract_strided_slice %add3A_834 {offsets = [0, 0], sizes = [128, 4], strides = [1, 1]} : vector<128x8xf32> to vector<128x4xf32>
    %slice3A_836 = vector.extract_strided_slice %add3A_834 {offsets = [0, 4], sizes = [128, 4], strides = [1, 1]} : vector<128x8xf32> to vector<128x4xf32>
    %add3A_837 = arith.addf %slice3A_835, %slice3A_836 : vector<128x4xf32>
    %slice3A_838 = vector.extract_strided_slice %add3A_837 {offsets = [0, 0], sizes = [128, 2], strides = [1, 1]} : vector<128x4xf32> to vector<128x2xf32>
    %slice3A_839 = vector.extract_strided_slice %add3A_837 {offsets = [0, 2], sizes = [128, 2], strides = [1, 1]} : vector<128x4xf32> to vector<128x2xf32>
    %add3A_840 = arith.addf %slice3A_838, %slice3A_839 : vector<128x2xf32>
    %slice3A_841 = vector.extract_strided_slice %add3A_840 {offsets = [0, 0], sizes = [128, 1], strides = [1, 1]} : vector<128x2xf32> to vector<128x1xf32>
    %slice3A_842 = vector.extract_strided_slice %add3A_840 {offsets = [0, 1], sizes = [128, 1], strides = [1, 1]} : vector<128x2xf32> to vector<128x1xf32>
    %add3A_843 = arith.addf %slice3A_841, %slice3A_842 : vector<128x1xf32>
    %sqrt3A_844 = math.sqrt %add3A_843 : vector<128x1xf32>
    %max3A_845 = arith.constant 9.99999996E-13 : f32
    %max3A_846 = vector.broadcast %max3A_845 : f32 to vector<128x1xf32>
    %max3A_847 = arith.maximumf %sqrt3A_844, %max3A_846 : vector<128x1xf32>
    %div3A_848 = vector.broadcast %max3A_847 : vector<128x1xf32> to vector<128x768xf32>
    %div3A_849 = arith.divf %get3A_786, %div3A_848 : vector<128x768xf32>
    %mul3A_850 = arith.mulf %get3A_791, %get3A_791 : vector<128x768xf32>
    %slice3A_851 = vector.extract_strided_slice %mul3A_850 {offsets = [0, 0], sizes = [128, 128], strides = [1, 1]} : vector<128x768xf32> to vector<128x128xf32>
    %slice3A_852 = vector.extract_strided_slice %mul3A_850 {offsets = [0, 128], sizes = [128, 128], strides = [1, 1]} : vector<128x768xf32> to vector<128x128xf32>
    %add3A_853 = arith.addf %slice3A_851, %slice3A_852 : vector<128x128xf32>
    %slice3A_854 = vector.extract_strided_slice %mul3A_850 {offsets = [0, 256], sizes = [128, 128], strides = [1, 1]} : vector<128x768xf32> to vector<128x128xf32>
    %add3A_855 = arith.addf %add3A_853, %slice3A_854 : vector<128x128xf32>
    %slice3A_856 = vector.extract_strided_slice %mul3A_850 {offsets = [0, 384], sizes = [128, 128], strides = [1, 1]} : vector<128x768xf32> to vector<128x128xf32>
    %add3A_857 = arith.addf %add3A_855, %slice3A_856 : vector<128x128xf32>
    %slice3A_858 = vector.extract_strided_slice %mul3A_850 {offsets = [0, 512], sizes = [128, 128], strides = [1, 1]} : vector<128x768xf32> to vector<128x128xf32>
    %add3A_859 = arith.addf %add3A_857, %slice3A_858 : vector<128x128xf32>
    %slice3A_860 = vector.extract_strided_slice %mul3A_850 {offsets = [0, 640], sizes = [128, 128], strides = [1, 1]} : vector<128x768xf32> to vector<128x128xf32>
    %add3A_861 = arith.addf %add3A_859, %slice3A_860 : vector<128x128xf32>
    %slice3A_862 = vector.extract_strided_slice %add3A_861 {offsets = [0, 0], sizes = [128, 8], strides = [1, 1]} : vector<128x128xf32> to vector<128x8xf32>
    %slice3A_863 = vector.extract_strided_slice %add3A_861 {offsets = [0, 8], sizes = [128, 8], strides = [1, 1]} : vector<128x128xf32> to vector<128x8xf32>
    %add3A_864 = arith.addf %slice3A_862, %slice3A_863 : vector<128x8xf32>
    %slice3A_865 = vector.extract_strided_slice %add3A_861 {offsets = [0, 16], sizes = [128, 8], strides = [1, 1]} : vector<128x128xf32> to vector<128x8xf32>
    %add3A_866 = arith.addf %add3A_864, %slice3A_865 : vector<128x8xf32>
    %slice3A_867 = vector.extract_strided_slice %add3A_861 {offsets = [0, 24], sizes = [128, 8], strides = [1, 1]} : vector<128x128xf32> to vector<128x8xf32>
    %add3A_868 = arith.addf %add3A_866, %slice3A_867 : vector<128x8xf32>
    %slice3A_869 = vector.extract_strided_slice %add3A_861 {offsets = [0, 32], sizes = [128, 8], strides = [1, 1]} : vector<128x128xf32> to vector<128x8xf32>
    %add3A_870 = arith.addf %add3A_868, %slice3A_869 : vector<128x8xf32>
    %slice3A_871 = vector.extract_strided_slice %add3A_861 {offsets = [0, 40], sizes = [128, 8], strides = [1, 1]} : vector<128x128xf32> to vector<128x8xf32>
    %add3A_872 = arith.addf %add3A_870, %slice3A_871 : vector<128x8xf32>
    %slice3A_873 = vector.extract_strided_slice %add3A_861 {offsets = [0, 48], sizes = [128, 8], strides = [1, 1]} : vector<128x128xf32> to vector<128x8xf32>
    %add3A_874 = arith.addf %add3A_872, %slice3A_873 : vector<128x8xf32>
    %slice3A_875 = vector.extract_strided_slice %add3A_861 {offsets = [0, 56], sizes = [128, 8], strides = [1, 1]} : vector<128x128xf32> to vector<128x8xf32>
    %add3A_876 = arith.addf %add3A_874, %slice3A_875 : vector<128x8xf32>
    %slice3A_877 = vector.extract_strided_slice %add3A_861 {offsets = [0, 64], sizes = [128, 8], strides = [1, 1]} : vector<128x128xf32> to vector<128x8xf32>
    %add3A_878 = arith.addf %add3A_876, %slice3A_877 : vector<128x8xf32>
    %slice3A_879 = vector.extract_strided_slice %add3A_861 {offsets = [0, 72], sizes = [128, 8], strides = [1, 1]} : vector<128x128xf32> to vector<128x8xf32>
    %add3A_880 = arith.addf %add3A_878, %slice3A_879 : vector<128x8xf32>
    %slice3A_881 = vector.extract_strided_slice %add3A_861 {offsets = [0, 80], sizes = [128, 8], strides = [1, 1]} : vector<128x128xf32> to vector<128x8xf32>
    %add3A_882 = arith.addf %add3A_880, %slice3A_881 : vector<128x8xf32>
    %slice3A_883 = vector.extract_strided_slice %add3A_861 {offsets = [0, 88], sizes = [128, 8], strides = [1, 1]} : vector<128x128xf32> to vector<128x8xf32>
    %add3A_884 = arith.addf %add3A_882, %slice3A_883 : vector<128x8xf32>
    %slice3A_885 = vector.extract_strided_slice %add3A_861 {offsets = [0, 96], sizes = [128, 8], strides = [1, 1]} : vector<128x128xf32> to vector<128x8xf32>
    %add3A_886 = arith.addf %add3A_884, %slice3A_885 : vector<128x8xf32>
    %slice3A_887 = vector.extract_strided_slice %add3A_861 {offsets = [0, 104], sizes = [128, 8], strides = [1, 1]} : vector<128x128xf32> to vector<128x8xf32>
    %add3A_888 = arith.addf %add3A_886, %slice3A_887 : vector<128x8xf32>
    %slice3A_889 = vector.extract_strided_slice %add3A_861 {offsets = [0, 112], sizes = [128, 8], strides = [1, 1]} : vector<128x128xf32> to vector<128x8xf32>
    %add3A_890 = arith.addf %add3A_888, %slice3A_889 : vector<128x8xf32>
    %slice3A_891 = vector.extract_strided_slice %add3A_861 {offsets = [0, 120], sizes = [128, 8], strides = [1, 1]} : vector<128x128xf32> to vector<128x8xf32>
    %add3A_892 = arith.addf %add3A_890, %slice3A_891 : vector<128x8xf32>
    %slice3A_893 = vector.extract_strided_slice %add3A_892 {offsets = [0, 0], sizes = [128, 4], strides = [1, 1]} : vector<128x8xf32> to vector<128x4xf32>
    %slice3A_894 = vector.extract_strided_slice %add3A_892 {offsets = [0, 4], sizes = [128, 4], strides = [1, 1]} : vector<128x8xf32> to vector<128x4xf32>
    %add3A_895 = arith.addf %slice3A_893, %slice3A_894 : vector<128x4xf32>
    %slice3A_896 = vector.extract_strided_slice %add3A_895 {offsets = [0, 0], sizes = [128, 2], strides = [1, 1]} : vector<128x4xf32> to vector<128x2xf32>
    %slice3A_897 = vector.extract_strided_slice %add3A_895 {offsets = [0, 2], sizes = [128, 2], strides = [1, 1]} : vector<128x4xf32> to vector<128x2xf32>
    %add3A_898 = arith.addf %slice3A_896, %slice3A_897 : vector<128x2xf32>
    %slice3A_899 = vector.extract_strided_slice %add3A_898 {offsets = [0, 0], sizes = [128, 1], strides = [1, 1]} : vector<128x2xf32> to vector<128x1xf32>
    %slice3A_900 = vector.extract_strided_slice %add3A_898 {offsets = [0, 1], sizes = [128, 1], strides = [1, 1]} : vector<128x2xf32> to vector<128x1xf32>
    %add3A_901 = arith.addf %slice3A_899, %slice3A_900 : vector<128x1xf32>
    %sqrt3A_902 = math.sqrt %add3A_901 : vector<128x1xf32>
    %max3A_903 = arith.constant 9.99999996E-13 : f32
    %max3A_904 = vector.broadcast %max3A_903 : f32 to vector<128x1xf32>
    %max3A_905 = arith.maximumf %sqrt3A_902, %max3A_904 : vector<128x1xf32>
    %div3A_906 = vector.broadcast %max3A_905 : vector<128x1xf32> to vector<128x768xf32>
    %div3A_907 = arith.divf %get3A_791, %div3A_906 : vector<128x768xf32>
    %dot_general3A_908 = arith.constant dense<0.000000e+00> : vector<128x128xf32>
    %dot_general3A_909 = tpu.matmul %div3A_849, %div3A_907, %dot_general3A_908 {dimension_numbers = #tpu.dot_dimension_numbers<[1], [1], [0], [0], [0, 0, 1, 0], [], []>, transpose_lhs_hint = false} : vector<128x768xf32>, vector<128x768xf32>, vector<128x128xf32> -> vector<128x128xf32>
    %reshape3A_910 = vector.shape_cast %dot_general3A_909 : vector<128x128xf32> to vector<1x16384xf32>
    %swap3A_911 = arith.constant 6 : index
    %swap3A_912 = arith.constant 0 : index
    %swap3A_913 = vector.load %arg2[%swap3A_911, %swap3A_912] : memref<8x16384xf32, #tpu.memory_space<vmem>>, vector<1x16384xf32>
    tpu.vector_store %arg2[%swap3A_911, %swap3A_912], %reshape3A_910 {strides = array<i32>} : memref<8x16384xf32, #tpu.memory_space<vmem>>, vector<1x16384xf32>,
    %get3A_914 = arith.constant 7 : index
    %get3A_915 = arith.constant 0 : index
    %get3A_916 = arith.constant 0 : index
    %get3A_917 = vector.load %arg0[%get3A_914, %get3A_915, %get3A_916] : memref<8x128x768xf32, #tpu.memory_space<vmem>>, vector<1x128x768xf32>
    %get3A_918 = vector.shape_cast %get3A_917 : vector<1x128x768xf32> to vector<128x768xf32>
    %get3A_919 = arith.constant 7 : index
    %get3A_920 = arith.constant 0 : index
    %get3A_921 = arith.constant 0 : index
    %get3A_922 = vector.load %arg1[%get3A_919, %get3A_920, %get3A_921] : memref<8x128x768xf32, #tpu.memory_space<vmem>>, vector<1x128x768xf32>
    %get3A_923 = vector.shape_cast %get3A_922 : vector<1x128x768xf32> to vector<128x768xf32>
    %mul3A_924 = arith.mulf %get3A_918, %get3A_918 : vector<128x768xf32>
    %slice3A_925 = vector.extract_strided_slice %mul3A_924 {offsets = [0, 0], sizes = [128, 128], strides = [1, 1]} : vector<128x768xf32> to vector<128x128xf32>
    %slice3A_926 = vector.extract_strided_slice %mul3A_924 {offsets = [0, 128], sizes = [128, 128], strides = [1, 1]} : vector<128x768xf32> to vector<128x128xf32>
    %add3A_927 = arith.addf %slice3A_925, %slice3A_926 : vector<128x128xf32>
    %slice3A_928 = vector.extract_strided_slice %mul3A_924 {offsets = [0, 256], sizes = [128, 128], strides = [1, 1]} : vector<128x768xf32> to vector<128x128xf32>
    %add3A_929 = arith.addf %add3A_927, %slice3A_928 : vector<128x128xf32>
    %slice3A_930 = vector.extract_strided_slice %mul3A_924 {offsets = [0, 384], sizes = [128, 128], strides = [1, 1]} : vector<128x768xf32> to vector<128x128xf32>
    %add3A_931 = arith.addf %add3A_929, %slice3A_930 : vector<128x128xf32>
    %slice3A_932 = vector.extract_strided_slice %mul3A_924 {offsets = [0, 512], sizes = [128, 128], strides = [1, 1]} : vector<128x768xf32> to vector<128x128xf32>
    %add3A_933 = arith.addf %add3A_931, %slice3A_932 : vector<128x128xf32>
    %slice3A_934 = vector.extract_strided_slice %mul3A_924 {offsets = [0, 640], sizes = [128, 128], strides = [1, 1]} : vector<128x768xf32> to vector<128x128xf32>
    %add3A_935 = arith.addf %add3A_933, %slice3A_934 : vector<128x128xf32>
    %slice3A_936 = vector.extract_strided_slice %add3A_935 {offsets = [0, 0], sizes = [128, 8], strides = [1, 1]} : vector<128x128xf32> to vector<128x8xf32>
    %slice3A_937 = vector.extract_strided_slice %add3A_935 {offsets = [0, 8], sizes = [128, 8], strides = [1, 1]} : vector<128x128xf32> to vector<128x8xf32>
    %add3A_938 = arith.addf %slice3A_936, %slice3A_937 : vector<128x8xf32>
    %slice3A_939 = vector.extract_strided_slice %add3A_935 {offsets = [0, 16], sizes = [128, 8], strides = [1, 1]} : vector<128x128xf32> to vector<128x8xf32>
    %add3A_940 = arith.addf %add3A_938, %slice3A_939 : vector<128x8xf32>
    %slice3A_941 = vector.extract_strided_slice %add3A_935 {offsets = [0, 24], sizes = [128, 8], strides = [1, 1]} : vector<128x128xf32> to vector<128x8xf32>
    %add3A_942 = arith.addf %add3A_940, %slice3A_941 : vector<128x8xf32>
    %slice3A_943 = vector.extract_strided_slice %add3A_935 {offsets = [0, 32], sizes = [128, 8], strides = [1, 1]} : vector<128x128xf32> to vector<128x8xf32>
    %add3A_944 = arith.addf %add3A_942, %slice3A_943 : vector<128x8xf32>
    %slice3A_945 = vector.extract_strided_slice %add3A_935 {offsets = [0, 40], sizes = [128, 8], strides = [1, 1]} : vector<128x128xf32> to vector<128x8xf32>
    %add3A_946 = arith.addf %add3A_944, %slice3A_945 : vector<128x8xf32>
    %slice3A_947 = vector.extract_strided_slice %add3A_935 {offsets = [0, 48], sizes = [128, 8], strides = [1, 1]} : vector<128x128xf32> to vector<128x8xf32>
    %add3A_948 = arith.addf %add3A_946, %slice3A_947 : vector<128x8xf32>
    %slice3A_949 = vector.extract_strided_slice %add3A_935 {offsets = [0, 56], sizes = [128, 8], strides = [1, 1]} : vector<128x128xf32> to vector<128x8xf32>
    %add3A_950 = arith.addf %add3A_948, %slice3A_949 : vector<128x8xf32>
    %slice3A_951 = vector.extract_strided_slice %add3A_935 {offsets = [0, 64], sizes = [128, 8], strides = [1, 1]} : vector<128x128xf32> to vector<128x8xf32>
    %add3A_952 = arith.addf %add3A_950, %slice3A_951 : vector<128x8xf32>
    %slice3A_953 = vector.extract_strided_slice %add3A_935 {offsets = [0, 72], sizes = [128, 8], strides = [1, 1]} : vector<128x128xf32> to vector<128x8xf32>
    %add3A_954 = arith.addf %add3A_952, %slice3A_953 : vector<128x8xf32>
    %slice3A_955 = vector.extract_strided_slice %add3A_935 {offsets = [0, 80], sizes = [128, 8], strides = [1, 1]} : vector<128x128xf32> to vector<128x8xf32>
    %add3A_956 = arith.addf %add3A_954, %slice3A_955 : vector<128x8xf32>
    %slice3A_957 = vector.extract_strided_slice %add3A_935 {offsets = [0, 88], sizes = [128, 8], strides = [1, 1]} : vector<128x128xf32> to vector<128x8xf32>
    %add3A_958 = arith.addf %add3A_956, %slice3A_957 : vector<128x8xf32>
    %slice3A_959 = vector.extract_strided_slice %add3A_935 {offsets = [0, 96], sizes = [128, 8], strides = [1, 1]} : vector<128x128xf32> to vector<128x8xf32>
    %add3A_960 = arith.addf %add3A_958, %slice3A_959 : vector<128x8xf32>
    %slice3A_961 = vector.extract_strided_slice %add3A_935 {offsets = [0, 104], sizes = [128, 8], strides = [1, 1]} : vector<128x128xf32> to vector<128x8xf32>
    %add3A_962 = arith.addf %add3A_960, %slice3A_961 : vector<128x8xf32>
    %slice3A_963 = vector.extract_strided_slice %add3A_935 {offsets = [0, 112], sizes = [128, 8], strides = [1, 1]} : vector<128x128xf32> to vector<128x8xf32>
    %add3A_964 = arith.addf %add3A_962, %slice3A_963 : vector<128x8xf32>
    %slice3A_965 = vector.extract_strided_slice %add3A_935 {offsets = [0, 120], sizes = [128, 8], strides = [1, 1]} : vector<128x128xf32> to vector<128x8xf32>
    %add3A_966 = arith.addf %add3A_964, %slice3A_965 : vector<128x8xf32>
    %slice3A_967 = vector.extract_strided_slice %add3A_966 {offsets = [0, 0], sizes = [128, 4], strides = [1, 1]} : vector<128x8xf32> to vector<128x4xf32>
    %slice3A_968 = vector.extract_strided_slice %add3A_966 {offsets = [0, 4], sizes = [128, 4], strides = [1, 1]} : vector<128x8xf32> to vector<128x4xf32>
    %add3A_969 = arith.addf %slice3A_967, %slice3A_968 : vector<128x4xf32>
    %slice3A_970 = vector.extract_strided_slice %add3A_969 {offsets = [0, 0], sizes = [128, 2], strides = [1, 1]} : vector<128x4xf32> to vector<128x2xf32>
    %slice3A_971 = vector.extract_strided_slice %add3A_969 {offsets = [0, 2], sizes = [128, 2], strides = [1, 1]} : vector<128x4xf32> to vector<128x2xf32>
    %add3A_972 = arith.addf %slice3A_970, %slice3A_971 : vector<128x2xf32>
    %slice3A_973 = vector.extract_strided_slice %add3A_972 {offsets = [0, 0], sizes = [128, 1], strides = [1, 1]} : vector<128x2xf32> to vector<128x1xf32>
    %slice3A_974 = vector.extract_strided_slice %add3A_972 {offsets = [0, 1], sizes = [128, 1], strides = [1, 1]} : vector<128x2xf32> to vector<128x1xf32>
    %add3A_975 = arith.addf %slice3A_973, %slice3A_974 : vector<128x1xf32>
    %sqrt3A_976 = math.sqrt %add3A_975 : vector<128x1xf32>
    %max3A_977 = arith.constant 9.99999996E-13 : f32
    %max3A_978 = vector.broadcast %max3A_977 : f32 to vector<128x1xf32>
    %max3A_979 = arith.maximumf %sqrt3A_976, %max3A_978 : vector<128x1xf32>
    %div3A_980 = vector.broadcast %max3A_979 : vector<128x1xf32> to vector<128x768xf32>
    %div3A_981 = arith.divf %get3A_918, %div3A_980 : vector<128x768xf32>
    %mul3A_982 = arith.mulf %get3A_923, %get3A_923 : vector<128x768xf32>
    %slice3A_983 = vector.extract_strided_slice %mul3A_982 {offsets = [0, 0], sizes = [128, 128], strides = [1, 1]} : vector<128x768xf32> to vector<128x128xf32>
    %slice3A_984 = vector.extract_strided_slice %mul3A_982 {offsets = [0, 128], sizes = [128, 128], strides = [1, 1]} : vector<128x768xf32> to vector<128x128xf32>
    %add3A_985 = arith.addf %slice3A_983, %slice3A_984 : vector<128x128xf32>
    %slice3A_986 = vector.extract_strided_slice %mul3A_982 {offsets = [0, 256], sizes = [128, 128], strides = [1, 1]} : vector<128x768xf32> to vector<128x128xf32>
    %add3A_987 = arith.addf %add3A_985, %slice3A_986 : vector<128x128xf32>
    %slice3A_988 = vector.extract_strided_slice %mul3A_982 {offsets = [0, 384], sizes = [128, 128], strides = [1, 1]} : vector<128x768xf32> to vector<128x128xf32>
    %add3A_989 = arith.addf %add3A_987, %slice3A_988 : vector<128x128xf32>
    %slice3A_990 = vector.extract_strided_slice %mul3A_982 {offsets = [0, 512], sizes = [128, 128], strides = [1, 1]} : vector<128x768xf32> to vector<128x128xf32>
    %add3A_991 = arith.addf %add3A_989, %slice3A_990 : vector<128x128xf32>
    %slice3A_992 = vector.extract_strided_slice %mul3A_982 {offsets = [0, 640], sizes = [128, 128], strides = [1, 1]} : vector<128x768xf32> to vector<128x128xf32>
    %add3A_993 = arith.addf %add3A_991, %slice3A_992 : vector<128x128xf32>
    %slice3A_994 = vector.extract_strided_slice %add3A_993 {offsets = [0, 0], sizes = [128, 8], strides = [1, 1]} : vector<128x128xf32> to vector<128x8xf32>
    %slice3A_995 = vector.extract_strided_slice %add3A_993 {offsets = [0, 8], sizes = [128, 8], strides = [1, 1]} : vector<128x128xf32> to vector<128x8xf32>
    %add3A_996 = arith.addf %slice3A_994, %slice3A_995 : vector<128x8xf32>
    %slice3A_997 = vector.extract_strided_slice %add3A_993 {offsets = [0, 16], sizes = [128, 8], strides = [1, 1]} : vector<128x128xf32> to vector<128x8xf32>
    %add3A_998 = arith.addf %add3A_996, %slice3A_997 : vector<128x8xf32>
    %slice3A_999 = vector.extract_strided_slice %add3A_993 {offsets = [0, 24], sizes = [128, 8], strides = [1, 1]} : vector<128x128xf32> to vector<128x8xf32>
    %add3A_1000 = arith.addf %add3A_998, %slice3A_999 : vector<128x8xf32>
    %slice3A_1001 = vector.extract_strided_slice %add3A_993 {offsets = [0, 32], sizes = [128, 8], strides = [1, 1]} : vector<128x128xf32> to vector<128x8xf32>
    %add3A_1002 = arith.addf %add3A_1000, %slice3A_1001 : vector<128x8xf32>
    %slice3A_1003 = vector.extract_strided_slice %add3A_993 {offsets = [0, 40], sizes = [128, 8], strides = [1, 1]} : vector<128x128xf32> to vector<128x8xf32>
    %add3A_1004 = arith.addf %add3A_1002, %slice3A_1003 : vector<128x8xf32>
    %slice3A_1005 = vector.extract_strided_slice %add3A_993 {offsets = [0, 48], sizes = [128, 8], strides = [1, 1]} : vector<128x128xf32> to vector<128x8xf32>
    %add3A_1006 = arith.addf %add3A_1004, %slice3A_1005 : vector<128x8xf32>
    %slice3A_1007 = vector.extract_strided_slice %add3A_993 {offsets = [0, 56], sizes = [128, 8], strides = [1, 1]} : vector<128x128xf32> to vector<128x8xf32>
    %add3A_1008 = arith.addf %add3A_1006, %slice3A_1007 : vector<128x8xf32>
    %slice3A_1009 = vector.extract_strided_slice %add3A_993 {offsets = [0, 64], sizes = [128, 8], strides = [1, 1]} : vector<128x128xf32> to vector<128x8xf32>
    %add3A_1010 = arith.addf %add3A_1008, %slice3A_1009 : vector<128x8xf32>
    %slice3A_1011 = vector.extract_strided_slice %add3A_993 {offsets = [0, 72], sizes = [128, 8], strides = [1, 1]} : vector<128x128xf32> to vector<128x8xf32>
    %add3A_1012 = arith.addf %add3A_1010, %slice3A_1011 : vector<128x8xf32>
    %slice3A_1013 = vector.extract_strided_slice %add3A_993 {offsets = [0, 80], sizes = [128, 8], strides = [1, 1]} : vector<128x128xf32> to vector<128x8xf32>
    %add3A_1014 = arith.addf %add3A_1012, %slice3A_1013 : vector<128x8xf32>
    %slice3A_1015 = vector.extract_strided_slice %add3A_993 {offsets = [0, 88], sizes = [128, 8], strides = [1, 1]} : vector<128x128xf32> to vector<128x8xf32>
    %add3A_1016 = arith.addf %add3A_1014, %slice3A_1015 : vector<128x8xf32>
    %slice3A_1017 = vector.extract_strided_slice %add3A_993 {offsets = [0, 96], sizes = [128, 8], strides = [1, 1]} : vector<128x128xf32> to vector<128x8xf32>
    %add3A_1018 = arith.addf %add3A_1016, %slice3A_1017 : vector<128x8xf32>
    %slice3A_1019 = vector.extract_strided_slice %add3A_993 {offsets = [0, 104], sizes = [128, 8], strides = [1, 1]} : vector<128x128xf32> to vector<128x8xf32>
    %add3A_1020 = arith.addf %add3A_1018, %slice3A_1019 : vector<128x8xf32>
    %slice3A_1021 = vector.extract_strided_slice %add3A_993 {offsets = [0, 112], sizes = [128, 8], strides = [1, 1]} : vector<128x128xf32> to vector<128x8xf32>
    %add3A_1022 = arith.addf %add3A_1020, %slice3A_1021 : vector<128x8xf32>
    %slice3A_1023 = vector.extract_strided_slice %add3A_993 {offsets = [0, 120], sizes = [128, 8], strides = [1, 1]} : vector<128x128xf32> to vector<128x8xf32>
    %add3A_1024 = arith.addf %add3A_1022, %slice3A_1023 : vector<128x8xf32>
    %slice3A_1025 = vector.extract_strided_slice %add3A_1024 {offsets = [0, 0], sizes = [128, 4], strides = [1, 1]} : vector<128x8xf32> to vector<128x4xf32>
    %slice3A_1026 = vector.extract_strided_slice %add3A_1024 {offsets = [0, 4], sizes = [128, 4], strides = [1, 1]} : vector<128x8xf32> to vector<128x4xf32>
    %add3A_1027 = arith.addf %slice3A_1025, %slice3A_1026 : vector<128x4xf32>
    %slice3A_1028 = vector.extract_strided_slice %add3A_1027 {offsets = [0, 0], sizes = [128, 2], strides = [1, 1]} : vector<128x4xf32> to vector<128x2xf32>
    %slice3A_1029 = vector.extract_strided_slice %add3A_1027 {offsets = [0, 2], sizes = [128, 2], strides = [1, 1]} : vector<128x4xf32> to vector<128x2xf32>
    %add3A_1030 = arith.addf %slice3A_1028, %slice3A_1029 : vector<128x2xf32>
    %slice3A_1031 = vector.extract_strided_slice %add3A_1030 {offsets = [0, 0], sizes = [128, 1], strides = [1, 1]} : vector<128x2xf32> to vector<128x1xf32>
    %slice3A_1032 = vector.extract_strided_slice %add3A_1030 {offsets = [0, 1], sizes = [128, 1], strides = [1, 1]} : vector<128x2xf32> to vector<128x1xf32>
    %add3A_1033 = arith.addf %slice3A_1031, %slice3A_1032 : vector<128x1xf32>
    %sqrt3A_1034 = math.sqrt %add3A_1033 : vector<128x1xf32>
    %max3A_1035 = arith.constant 9.99999996E-13 : f32
    %max3A_1036 = vector.broadcast %max3A_1035 : f32 to vector<128x1xf32>
    %max3A_1037 = arith.maximumf %sqrt3A_1034, %max3A_1036 : vector<128x1xf32>
    %div3A_1038 = vector.broadcast %max3A_1037 : vector<128x1xf32> to vector<128x768xf32>
    %div3A_1039 = arith.divf %get3A_923, %div3A_1038 : vector<128x768xf32>
    %dot_general3A_1040 = arith.constant dense<0.000000e+00> : vector<128x128xf32>
    %dot_general3A_1041 = tpu.matmul %div3A_981, %div3A_1039, %dot_general3A_1040 {dimension_numbers = #tpu.dot_dimension_numbers<[1], [1], [0], [0], [0, 0, 1, 0], [], []>, transpose_lhs_hint = false} : vector<128x768xf32>, vector<128x768xf32>, vector<128x128xf32> -> vector<128x128xf32>
    %reshape3A_1042 = vector.shape_cast %dot_general3A_1041 : vector<128x128xf32> to vector<1x16384xf32>
    %swap3A_1043 = arith.constant 7 : index
    %swap3A_1044 = arith.constant 0 : index
    %swap3A_1045 = vector.load %arg2[%swap3A_1043, %swap3A_1044] : memref<8x16384xf32, #tpu.memory_space<vmem>>, vector<1x16384xf32>
    tpu.vector_store %arg2[%swap3A_1043, %swap3A_1044], %reshape3A_1042 {strides = array<i32>} : memref<8x16384xf32, #tpu.memory_space<vmem>>, vector<1x16384xf32>,
    return
  }
}

module attributes {stable_mosaic.version = 14 : i64} {
  func.func @_gather_body(%arg0: memref<8x128x768xf32, #tpu.memory_space<vmem>>, %arg1: memref<8x128x768xf32, #tpu.memory_space<vmem>>, %arg2: memref<8x128xi32, #tpu.memory_space<vmem>>, %arg3: memref<8x128x768xf32, #tpu.memory_space<vmem>>) attributes {dimension_semantics = [], scalar_prefetch = 0 : i64, scratch_operands = 0 : i64, tpu.core_type = #tpu.core_type<tc>} {
    %iota3A = tpu.iota {dimensions = array<i32: 0>} : vector<128x128xi32>
    %get3A = arith.constant 0 : index
    %get3A_0 = arith.constant 0 : index
    %get3A_1 = vector.load %arg2[%get3A, %get3A_0] : memref<8x128xi32, #tpu.memory_space<vmem>>, vector<8x128xi32>
    %jit3A = arith.constant 128 : i32
    %div3A = vector.broadcast %jit3A : i32 to vector<8x128xi32>
    %div3A_2 = arith.divsi %get3A_1, %div3A : vector<8x128xi32>
    %sign3A = arith.constant 0 : i32
    %sign3A_3 = vector.broadcast %sign3A : i32 to vector<8x128xi32>
    %sign3A_4 = arith.cmpi sgt, %get3A_1, %sign3A_3 : vector<8x128xi32>
    %sign3A_5 = arith.extui %sign3A_4 : vector<8x128xi1> to vector<8x128xi32>
    %sign3A_6 = arith.constant 0 : i32
    %sign3A_7 = vector.broadcast %sign3A_6 : i32 to vector<8x128xi32>
    %sign3A_8 = arith.cmpi slt, %get3A_1, %sign3A_7 : vector<8x128xi32>
    %sign3A_9 = arith.extui %sign3A_8 : vector<8x128xi1> to vector<8x128xi32>
    %sign3A_10 = arith.subi %sign3A_5, %sign3A_9 : vector<8x128xi32>
    %sign3A_11 = arith.constant 0 : i32
    %sign3A_12 = arith.cmpi sgt, %jit3A, %sign3A_11 : i32
    %sign3A_13 = arith.extui %sign3A_12 : i1 to i32
    %sign3A_14 = arith.constant 0 : i32
    %sign3A_15 = arith.cmpi slt, %jit3A, %sign3A_14 : i32
    %sign3A_16 = arith.extui %sign3A_15 : i1 to i32
    %sign3A_17 = arith.subi %sign3A_13, %sign3A_16 : i32
    %ne3A = vector.broadcast %sign3A_17 : i32 to vector<8x128xi32>
    %ne3A_18 = arith.cmpi ne, %sign3A_10, %ne3A : vector<8x128xi32>
    %rem3A = vector.broadcast %jit3A : i32 to vector<8x128xi32>
    %rem3A_19 = arith.remsi %get3A_1, %rem3A : vector<8x128xi32>
    %ne3A_20 = arith.constant 0 : i32
    %ne3A_21 = vector.broadcast %ne3A_20 : i32 to vector<8x128xi32>
    %ne3A_22 = arith.cmpi ne, %rem3A_19, %ne3A_21 : vector<8x128xi32>
    %and3A = arith.andi %ne3A_18, %ne3A_22 : vector<8x128xi1>
    %sub3A = arith.constant 1 : i32
    %sub3A_23 = vector.broadcast %sub3A : i32 to vector<8x128xi32>
    %sub3A_24 = arith.subi %div3A_2, %sub3A_23 : vector<8x128xi32>
    %select_n3A = arith.select %and3A, %sub3A_24, %div3A_2 : vector<8x128xi1>, vector<8x128xi32>
    %jit3A_25 = arith.constant 128 : i32
    %eq3A = arith.constant 0 : i32
    %eq3A_26 = arith.cmpi eq, %jit3A_25, %eq3A : i32
    %jit3A_27 = arith.constant 1 : i32
    %select_n3A_28 = arith.select %eq3A_26, %jit3A_27, %jit3A_25 : i32
    %rem3A_29 = vector.broadcast %select_n3A_28 : i32 to vector<8x128xi32>
    %rem3A_30 = arith.remsi %get3A_1, %rem3A_29 : vector<8x128xi32>
    %ne3A_31 = arith.constant 0 : i32
    %ne3A_32 = vector.broadcast %ne3A_31 : i32 to vector<8x128xi32>
    %ne3A_33 = arith.cmpi ne, %rem3A_30, %ne3A_32 : vector<8x128xi32>
    %lt3A = arith.constant 0 : i32
    %lt3A_34 = vector.broadcast %lt3A : i32 to vector<8x128xi32>
    %lt3A_35 = arith.cmpi slt, %rem3A_30, %lt3A_34 : vector<8x128xi32>
    %lt3A_36 = arith.constant 0 : i32
    %lt3A_37 = arith.cmpi slt, %select_n3A_28, %lt3A_36 : i32
    %ne3A_38 = vector.broadcast %lt3A_37 : i1 to vector<8x128xi1>
    %ne3A_39 = vector.broadcast %ne3A_38 : vector<8x128xi1> to vector<8x128xi1>
    %ne3A_40 = arith.xori %lt3A_35, %ne3A_39 : vector<8x128xi1>
    %and3A_41 = arith.andi %ne3A_40, %ne3A_33 : vector<8x128xi1>
    %add3A = vector.broadcast %select_n3A_28 : i32 to vector<8x128xi32>
    %add3A_42 = arith.addi %rem3A_30, %add3A : vector<8x128xi32>
    %select_n3A_43 = arith.select %and3A_41, %add3A_42, %rem3A_30 : vector<8x128xi1>, vector<8x128xi32>
    %slice3A = vector.extract_strided_slice %select_n3A {offsets = [0, 0], sizes = [1, 128], strides = [1, 1]} : vector<8x128xi32> to vector<1x128xi32>
    %eq3A_44 = vector.broadcast %slice3A : vector<1x128xi32> to vector<128x128xi32>
    %eq3A_45 = arith.cmpi eq, %iota3A, %eq3A_44 : vector<128x128xi32>
    %jit3A_46 = arith.constant 5.000000e-01 : f32
    %jit3A_47 = arith.constant 0.000000e+00 : f32
    %broadcast_in_dim3A = vector.broadcast %jit3A_46 : f32 to vector<128x128xf32>
    %broadcast_in_dim3A_48 = vector.broadcast %jit3A_47 : f32 to vector<128x128xf32>
    %select_n3A_49 = arith.select %eq3A_45, %broadcast_in_dim3A, %broadcast_in_dim3A_48 : vector<128x128xi1>, vector<128x128xf32>
    %slice3A_50 = vector.extract_strided_slice %select_n3A_43 {offsets = [0, 0], sizes = [1, 128], strides = [1, 1]} : vector<8x128xi32> to vector<1x128xi32>
    %eq3A_51 = vector.broadcast %slice3A_50 : vector<1x128xi32> to vector<128x128xi32>
    %eq3A_52 = arith.cmpi eq, %iota3A, %eq3A_51 : vector<128x128xi32>
    %jit3A_53 = arith.constant 5.000000e-01 : f32
    %jit3A_54 = arith.constant 0.000000e+00 : f32
    %broadcast_in_dim3A_55 = vector.broadcast %jit3A_53 : f32 to vector<128x128xf32>
    %broadcast_in_dim3A_56 = vector.broadcast %jit3A_54 : f32 to vector<128x128xf32>
    %select_n3A_57 = arith.select %eq3A_52, %broadcast_in_dim3A_55, %broadcast_in_dim3A_56 : vector<128x128xi1>, vector<128x128xf32>
    %get3A_58 = arith.constant 0 : index
    %get3A_59 = arith.constant 0 : index
    %get3A_60 = arith.constant 0 : index
    %get3A_61 = vector.load %arg0[%get3A_58, %get3A_59, %get3A_60] : memref<8x128x768xf32, #tpu.memory_space<vmem>>, vector<1x128x768xf32>
    %get3A_62 = vector.shape_cast %get3A_61 : vector<1x128x768xf32> to vector<128x768xf32>
    %dot_general3A = arith.constant dense<0.000000e+00> : vector<128x768xf32>
    %dot_general3A_63 = tpu.matmul %select_n3A_49, %get3A_62, %dot_general3A {dimension_numbers = #tpu.dot_dimension_numbers<[0], [0], [1], [1], [0, 1, 1, 1], [], []>, precision = #tpu.contract_precision<fp32>, transpose_lhs_hint = false} : vector<128x128xf32>, vector<128x768xf32>, vector<128x768xf32> -> vector<128x768xf32>
    %get3A_64 = arith.constant 0 : index
    %get3A_65 = arith.constant 0 : index
    %get3A_66 = arith.constant 0 : index
    %get3A_67 = vector.load %arg1[%get3A_64, %get3A_65, %get3A_66] : memref<8x128x768xf32, #tpu.memory_space<vmem>>, vector<1x128x768xf32>
    %get3A_68 = vector.shape_cast %get3A_67 : vector<1x128x768xf32> to vector<128x768xf32>
    %dot_general3A_69 = arith.constant dense<0.000000e+00> : vector<128x768xf32>
    %dot_general3A_70 = tpu.matmul %select_n3A_57, %get3A_68, %dot_general3A_69 {dimension_numbers = #tpu.dot_dimension_numbers<[0], [0], [1], [1], [0, 1, 1, 1], [], []>, precision = #tpu.contract_precision<fp32>, transpose_lhs_hint = false} : vector<128x128xf32>, vector<128x768xf32>, vector<128x768xf32> -> vector<128x768xf32>
    %add3A_71 = arith.addf %dot_general3A_63, %dot_general3A_70 : vector<128x768xf32>
    %swap3A = arith.constant 0 : index
    %swap3A_72 = arith.constant 0 : index
    %swap3A_73 = arith.constant 0 : index
    %swap3A_74 = vector.load %arg3[%swap3A, %swap3A_72, %swap3A_73] : memref<8x128x768xf32, #tpu.memory_space<vmem>>, vector<1x128x768xf32>
    %swap3A_75 = vector.shape_cast %swap3A_74 : vector<1x128x768xf32> to vector<128x768xf32>
    %swap3A_76 = vector.shape_cast %add3A_71 : vector<128x768xf32> to vector<1x128x768xf32>
    tpu.vector_store %arg3[%swap3A, %swap3A_72, %swap3A_73], %swap3A_76 {strides = array<i32>} : memref<8x128x768xf32, #tpu.memory_space<vmem>>, vector<1x128x768xf32>,
    %slice3A_77 = vector.extract_strided_slice %select_n3A {offsets = [1, 0], sizes = [1, 128], strides = [1, 1]} : vector<8x128xi32> to vector<1x128xi32>
    %eq3A_78 = vector.broadcast %slice3A_77 : vector<1x128xi32> to vector<128x128xi32>
    %eq3A_79 = arith.cmpi eq, %iota3A, %eq3A_78 : vector<128x128xi32>
    %jit3A_80 = arith.constant 5.000000e-01 : f32
    %jit3A_81 = arith.constant 0.000000e+00 : f32
    %broadcast_in_dim3A_82 = vector.broadcast %jit3A_80 : f32 to vector<128x128xf32>
    %broadcast_in_dim3A_83 = vector.broadcast %jit3A_81 : f32 to vector<128x128xf32>
    %select_n3A_84 = arith.select %eq3A_79, %broadcast_in_dim3A_82, %broadcast_in_dim3A_83 : vector<128x128xi1>, vector<128x128xf32>
    %slice3A_85 = vector.extract_strided_slice %select_n3A_43 {offsets = [1, 0], sizes = [1, 128], strides = [1, 1]} : vector<8x128xi32> to vector<1x128xi32>
    %eq3A_86 = vector.broadcast %slice3A_85 : vector<1x128xi32> to vector<128x128xi32>
    %eq3A_87 = arith.cmpi eq, %iota3A, %eq3A_86 : vector<128x128xi32>
    %jit3A_88 = arith.constant 5.000000e-01 : f32
    %jit3A_89 = arith.constant 0.000000e+00 : f32
    %broadcast_in_dim3A_90 = vector.broadcast %jit3A_88 : f32 to vector<128x128xf32>
    %broadcast_in_dim3A_91 = vector.broadcast %jit3A_89 : f32 to vector<128x128xf32>
    %select_n3A_92 = arith.select %eq3A_87, %broadcast_in_dim3A_90, %broadcast_in_dim3A_91 : vector<128x128xi1>, vector<128x128xf32>
    %get3A_93 = arith.constant 1 : index
    %get3A_94 = arith.constant 0 : index
    %get3A_95 = arith.constant 0 : index
    %get3A_96 = vector.load %arg0[%get3A_93, %get3A_94, %get3A_95] : memref<8x128x768xf32, #tpu.memory_space<vmem>>, vector<1x128x768xf32>
    %get3A_97 = vector.shape_cast %get3A_96 : vector<1x128x768xf32> to vector<128x768xf32>
    %dot_general3A_98 = arith.constant dense<0.000000e+00> : vector<128x768xf32>
    %dot_general3A_99 = tpu.matmul %select_n3A_84, %get3A_97, %dot_general3A_98 {dimension_numbers = #tpu.dot_dimension_numbers<[0], [0], [1], [1], [0, 1, 1, 1], [], []>, precision = #tpu.contract_precision<fp32>, transpose_lhs_hint = false} : vector<128x128xf32>, vector<128x768xf32>, vector<128x768xf32> -> vector<128x768xf32>
    %get3A_100 = arith.constant 1 : index
    %get3A_101 = arith.constant 0 : index
    %get3A_102 = arith.constant 0 : index
    %get3A_103 = vector.load %arg1[%get3A_100, %get3A_101, %get3A_102] : memref<8x128x768xf32, #tpu.memory_space<vmem>>, vector<1x128x768xf32>
    %get3A_104 = vector.shape_cast %get3A_103 : vector<1x128x768xf32> to vector<128x768xf32>
    %dot_general3A_105 = arith.constant dense<0.000000e+00> : vector<128x768xf32>
    %dot_general3A_106 = tpu.matmul %select_n3A_92, %get3A_104, %dot_general3A_105 {dimension_numbers = #tpu.dot_dimension_numbers<[0], [0], [1], [1], [0, 1, 1, 1], [], []>, precision = #tpu.contract_precision<fp32>, transpose_lhs_hint = false} : vector<128x128xf32>, vector<128x768xf32>, vector<128x768xf32> -> vector<128x768xf32>
    %add3A_107 = arith.addf %dot_general3A_99, %dot_general3A_106 : vector<128x768xf32>
    %swap3A_108 = arith.constant 1 : index
    %swap3A_109 = arith.constant 0 : index
    %swap3A_110 = arith.constant 0 : index
    %swap3A_111 = vector.load %arg3[%swap3A_108, %swap3A_109, %swap3A_110] : memref<8x128x768xf32, #tpu.memory_space<vmem>>, vector<1x128x768xf32>
    %swap3A_112 = vector.shape_cast %swap3A_111 : vector<1x128x768xf32> to vector<128x768xf32>
    %swap3A_113 = vector.shape_cast %add3A_107 : vector<128x768xf32> to vector<1x128x768xf32>
    tpu.vector_store %arg3[%swap3A_108, %swap3A_109, %swap3A_110], %swap3A_113 {strides = array<i32>} : memref<8x128x768xf32, #tpu.memory_space<vmem>>, vector<1x128x768xf32>,
    %slice3A_114 = vector.extract_strided_slice %select_n3A {offsets = [2, 0], sizes = [1, 128], strides = [1, 1]} : vector<8x128xi32> to vector<1x128xi32>
    %eq3A_115 = vector.broadcast %slice3A_114 : vector<1x128xi32> to vector<128x128xi32>
    %eq3A_116 = arith.cmpi eq, %iota3A, %eq3A_115 : vector<128x128xi32>
    %jit3A_117 = arith.constant 5.000000e-01 : f32
    %jit3A_118 = arith.constant 0.000000e+00 : f32
    %broadcast_in_dim3A_119 = vector.broadcast %jit3A_117 : f32 to vector<128x128xf32>
    %broadcast_in_dim3A_120 = vector.broadcast %jit3A_118 : f32 to vector<128x128xf32>
    %select_n3A_121 = arith.select %eq3A_116, %broadcast_in_dim3A_119, %broadcast_in_dim3A_120 : vector<128x128xi1>, vector<128x128xf32>
    %slice3A_122 = vector.extract_strided_slice %select_n3A_43 {offsets = [2, 0], sizes = [1, 128], strides = [1, 1]} : vector<8x128xi32> to vector<1x128xi32>
    %eq3A_123 = vector.broadcast %slice3A_122 : vector<1x128xi32> to vector<128x128xi32>
    %eq3A_124 = arith.cmpi eq, %iota3A, %eq3A_123 : vector<128x128xi32>
    %jit3A_125 = arith.constant 5.000000e-01 : f32
    %jit3A_126 = arith.constant 0.000000e+00 : f32
    %broadcast_in_dim3A_127 = vector.broadcast %jit3A_125 : f32 to vector<128x128xf32>
    %broadcast_in_dim3A_128 = vector.broadcast %jit3A_126 : f32 to vector<128x128xf32>
    %select_n3A_129 = arith.select %eq3A_124, %broadcast_in_dim3A_127, %broadcast_in_dim3A_128 : vector<128x128xi1>, vector<128x128xf32>
    %get3A_130 = arith.constant 2 : index
    %get3A_131 = arith.constant 0 : index
    %get3A_132 = arith.constant 0 : index
    %get3A_133 = vector.load %arg0[%get3A_130, %get3A_131, %get3A_132] : memref<8x128x768xf32, #tpu.memory_space<vmem>>, vector<1x128x768xf32>
    %get3A_134 = vector.shape_cast %get3A_133 : vector<1x128x768xf32> to vector<128x768xf32>
    %dot_general3A_135 = arith.constant dense<0.000000e+00> : vector<128x768xf32>
    %dot_general3A_136 = tpu.matmul %select_n3A_121, %get3A_134, %dot_general3A_135 {dimension_numbers = #tpu.dot_dimension_numbers<[0], [0], [1], [1], [0, 1, 1, 1], [], []>, precision = #tpu.contract_precision<fp32>, transpose_lhs_hint = false} : vector<128x128xf32>, vector<128x768xf32>, vector<128x768xf32> -> vector<128x768xf32>
    %get3A_137 = arith.constant 2 : index
    %get3A_138 = arith.constant 0 : index
    %get3A_139 = arith.constant 0 : index
    %get3A_140 = vector.load %arg1[%get3A_137, %get3A_138, %get3A_139] : memref<8x128x768xf32, #tpu.memory_space<vmem>>, vector<1x128x768xf32>
    %get3A_141 = vector.shape_cast %get3A_140 : vector<1x128x768xf32> to vector<128x768xf32>
    %dot_general3A_142 = arith.constant dense<0.000000e+00> : vector<128x768xf32>
    %dot_general3A_143 = tpu.matmul %select_n3A_129, %get3A_141, %dot_general3A_142 {dimension_numbers = #tpu.dot_dimension_numbers<[0], [0], [1], [1], [0, 1, 1, 1], [], []>, precision = #tpu.contract_precision<fp32>, transpose_lhs_hint = false} : vector<128x128xf32>, vector<128x768xf32>, vector<128x768xf32> -> vector<128x768xf32>
    %add3A_144 = arith.addf %dot_general3A_136, %dot_general3A_143 : vector<128x768xf32>
    %swap3A_145 = arith.constant 2 : index
    %swap3A_146 = arith.constant 0 : index
    %swap3A_147 = arith.constant 0 : index
    %swap3A_148 = vector.load %arg3[%swap3A_145, %swap3A_146, %swap3A_147] : memref<8x128x768xf32, #tpu.memory_space<vmem>>, vector<1x128x768xf32>
    %swap3A_149 = vector.shape_cast %swap3A_148 : vector<1x128x768xf32> to vector<128x768xf32>
    %swap3A_150 = vector.shape_cast %add3A_144 : vector<128x768xf32> to vector<1x128x768xf32>
    tpu.vector_store %arg3[%swap3A_145, %swap3A_146, %swap3A_147], %swap3A_150 {strides = array<i32>} : memref<8x128x768xf32, #tpu.memory_space<vmem>>, vector<1x128x768xf32>,
    %slice3A_151 = vector.extract_strided_slice %select_n3A {offsets = [3, 0], sizes = [1, 128], strides = [1, 1]} : vector<8x128xi32> to vector<1x128xi32>
    %eq3A_152 = vector.broadcast %slice3A_151 : vector<1x128xi32> to vector<128x128xi32>
    %eq3A_153 = arith.cmpi eq, %iota3A, %eq3A_152 : vector<128x128xi32>
    %jit3A_154 = arith.constant 5.000000e-01 : f32
    %jit3A_155 = arith.constant 0.000000e+00 : f32
    %broadcast_in_dim3A_156 = vector.broadcast %jit3A_154 : f32 to vector<128x128xf32>
    %broadcast_in_dim3A_157 = vector.broadcast %jit3A_155 : f32 to vector<128x128xf32>
    %select_n3A_158 = arith.select %eq3A_153, %broadcast_in_dim3A_156, %broadcast_in_dim3A_157 : vector<128x128xi1>, vector<128x128xf32>
    %slice3A_159 = vector.extract_strided_slice %select_n3A_43 {offsets = [3, 0], sizes = [1, 128], strides = [1, 1]} : vector<8x128xi32> to vector<1x128xi32>
    %eq3A_160 = vector.broadcast %slice3A_159 : vector<1x128xi32> to vector<128x128xi32>
    %eq3A_161 = arith.cmpi eq, %iota3A, %eq3A_160 : vector<128x128xi32>
    %jit3A_162 = arith.constant 5.000000e-01 : f32
    %jit3A_163 = arith.constant 0.000000e+00 : f32
    %broadcast_in_dim3A_164 = vector.broadcast %jit3A_162 : f32 to vector<128x128xf32>
    %broadcast_in_dim3A_165 = vector.broadcast %jit3A_163 : f32 to vector<128x128xf32>
    %select_n3A_166 = arith.select %eq3A_161, %broadcast_in_dim3A_164, %broadcast_in_dim3A_165 : vector<128x128xi1>, vector<128x128xf32>
    %get3A_167 = arith.constant 3 : index
    %get3A_168 = arith.constant 0 : index
    %get3A_169 = arith.constant 0 : index
    %get3A_170 = vector.load %arg0[%get3A_167, %get3A_168, %get3A_169] : memref<8x128x768xf32, #tpu.memory_space<vmem>>, vector<1x128x768xf32>
    %get3A_171 = vector.shape_cast %get3A_170 : vector<1x128x768xf32> to vector<128x768xf32>
    %dot_general3A_172 = arith.constant dense<0.000000e+00> : vector<128x768xf32>
    %dot_general3A_173 = tpu.matmul %select_n3A_158, %get3A_171, %dot_general3A_172 {dimension_numbers = #tpu.dot_dimension_numbers<[0], [0], [1], [1], [0, 1, 1, 1], [], []>, precision = #tpu.contract_precision<fp32>, transpose_lhs_hint = false} : vector<128x128xf32>, vector<128x768xf32>, vector<128x768xf32> -> vector<128x768xf32>
    %get3A_174 = arith.constant 3 : index
    %get3A_175 = arith.constant 0 : index
    %get3A_176 = arith.constant 0 : index
    %get3A_177 = vector.load %arg1[%get3A_174, %get3A_175, %get3A_176] : memref<8x128x768xf32, #tpu.memory_space<vmem>>, vector<1x128x768xf32>
    %get3A_178 = vector.shape_cast %get3A_177 : vector<1x128x768xf32> to vector<128x768xf32>
    %dot_general3A_179 = arith.constant dense<0.000000e+00> : vector<128x768xf32>
    %dot_general3A_180 = tpu.matmul %select_n3A_166, %get3A_178, %dot_general3A_179 {dimension_numbers = #tpu.dot_dimension_numbers<[0], [0], [1], [1], [0, 1, 1, 1], [], []>, precision = #tpu.contract_precision<fp32>, transpose_lhs_hint = false} : vector<128x128xf32>, vector<128x768xf32>, vector<128x768xf32> -> vector<128x768xf32>
    %add3A_181 = arith.addf %dot_general3A_173, %dot_general3A_180 : vector<128x768xf32>
    %swap3A_182 = arith.constant 3 : index
    %swap3A_183 = arith.constant 0 : index
    %swap3A_184 = arith.constant 0 : index
    %swap3A_185 = vector.load %arg3[%swap3A_182, %swap3A_183, %swap3A_184] : memref<8x128x768xf32, #tpu.memory_space<vmem>>, vector<1x128x768xf32>
    %swap3A_186 = vector.shape_cast %swap3A_185 : vector<1x128x768xf32> to vector<128x768xf32>
    %swap3A_187 = vector.shape_cast %add3A_181 : vector<128x768xf32> to vector<1x128x768xf32>
    tpu.vector_store %arg3[%swap3A_182, %swap3A_183, %swap3A_184], %swap3A_187 {strides = array<i32>} : memref<8x128x768xf32, #tpu.memory_space<vmem>>, vector<1x128x768xf32>,
    %slice3A_188 = vector.extract_strided_slice %select_n3A {offsets = [4, 0], sizes = [1, 128], strides = [1, 1]} : vector<8x128xi32> to vector<1x128xi32>
    %eq3A_189 = vector.broadcast %slice3A_188 : vector<1x128xi32> to vector<128x128xi32>
    %eq3A_190 = arith.cmpi eq, %iota3A, %eq3A_189 : vector<128x128xi32>
    %jit3A_191 = arith.constant 5.000000e-01 : f32
    %jit3A_192 = arith.constant 0.000000e+00 : f32
    %broadcast_in_dim3A_193 = vector.broadcast %jit3A_191 : f32 to vector<128x128xf32>
    %broadcast_in_dim3A_194 = vector.broadcast %jit3A_192 : f32 to vector<128x128xf32>
    %select_n3A_195 = arith.select %eq3A_190, %broadcast_in_dim3A_193, %broadcast_in_dim3A_194 : vector<128x128xi1>, vector<128x128xf32>
    %slice3A_196 = vector.extract_strided_slice %select_n3A_43 {offsets = [4, 0], sizes = [1, 128], strides = [1, 1]} : vector<8x128xi32> to vector<1x128xi32>
    %eq3A_197 = vector.broadcast %slice3A_196 : vector<1x128xi32> to vector<128x128xi32>
    %eq3A_198 = arith.cmpi eq, %iota3A, %eq3A_197 : vector<128x128xi32>
    %jit3A_199 = arith.constant 5.000000e-01 : f32
    %jit3A_200 = arith.constant 0.000000e+00 : f32
    %broadcast_in_dim3A_201 = vector.broadcast %jit3A_199 : f32 to vector<128x128xf32>
    %broadcast_in_dim3A_202 = vector.broadcast %jit3A_200 : f32 to vector<128x128xf32>
    %select_n3A_203 = arith.select %eq3A_198, %broadcast_in_dim3A_201, %broadcast_in_dim3A_202 : vector<128x128xi1>, vector<128x128xf32>
    %get3A_204 = arith.constant 4 : index
    %get3A_205 = arith.constant 0 : index
    %get3A_206 = arith.constant 0 : index
    %get3A_207 = vector.load %arg0[%get3A_204, %get3A_205, %get3A_206] : memref<8x128x768xf32, #tpu.memory_space<vmem>>, vector<1x128x768xf32>
    %get3A_208 = vector.shape_cast %get3A_207 : vector<1x128x768xf32> to vector<128x768xf32>
    %dot_general3A_209 = arith.constant dense<0.000000e+00> : vector<128x768xf32>
    %dot_general3A_210 = tpu.matmul %select_n3A_195, %get3A_208, %dot_general3A_209 {dimension_numbers = #tpu.dot_dimension_numbers<[0], [0], [1], [1], [0, 1, 1, 1], [], []>, precision = #tpu.contract_precision<fp32>, transpose_lhs_hint = false} : vector<128x128xf32>, vector<128x768xf32>, vector<128x768xf32> -> vector<128x768xf32>
    %get3A_211 = arith.constant 4 : index
    %get3A_212 = arith.constant 0 : index
    %get3A_213 = arith.constant 0 : index
    %get3A_214 = vector.load %arg1[%get3A_211, %get3A_212, %get3A_213] : memref<8x128x768xf32, #tpu.memory_space<vmem>>, vector<1x128x768xf32>
    %get3A_215 = vector.shape_cast %get3A_214 : vector<1x128x768xf32> to vector<128x768xf32>
    %dot_general3A_216 = arith.constant dense<0.000000e+00> : vector<128x768xf32>
    %dot_general3A_217 = tpu.matmul %select_n3A_203, %get3A_215, %dot_general3A_216 {dimension_numbers = #tpu.dot_dimension_numbers<[0], [0], [1], [1], [0, 1, 1, 1], [], []>, precision = #tpu.contract_precision<fp32>, transpose_lhs_hint = false} : vector<128x128xf32>, vector<128x768xf32>, vector<128x768xf32> -> vector<128x768xf32>
    %add3A_218 = arith.addf %dot_general3A_210, %dot_general3A_217 : vector<128x768xf32>
    %swap3A_219 = arith.constant 4 : index
    %swap3A_220 = arith.constant 0 : index
    %swap3A_221 = arith.constant 0 : index
    %swap3A_222 = vector.load %arg3[%swap3A_219, %swap3A_220, %swap3A_221] : memref<8x128x768xf32, #tpu.memory_space<vmem>>, vector<1x128x768xf32>
    %swap3A_223 = vector.shape_cast %swap3A_222 : vector<1x128x768xf32> to vector<128x768xf32>
    %swap3A_224 = vector.shape_cast %add3A_218 : vector<128x768xf32> to vector<1x128x768xf32>
    tpu.vector_store %arg3[%swap3A_219, %swap3A_220, %swap3A_221], %swap3A_224 {strides = array<i32>} : memref<8x128x768xf32, #tpu.memory_space<vmem>>, vector<1x128x768xf32>,
    %slice3A_225 = vector.extract_strided_slice %select_n3A {offsets = [5, 0], sizes = [1, 128], strides = [1, 1]} : vector<8x128xi32> to vector<1x128xi32>
    %eq3A_226 = vector.broadcast %slice3A_225 : vector<1x128xi32> to vector<128x128xi32>
    %eq3A_227 = arith.cmpi eq, %iota3A, %eq3A_226 : vector<128x128xi32>
    %jit3A_228 = arith.constant 5.000000e-01 : f32
    %jit3A_229 = arith.constant 0.000000e+00 : f32
    %broadcast_in_dim3A_230 = vector.broadcast %jit3A_228 : f32 to vector<128x128xf32>
    %broadcast_in_dim3A_231 = vector.broadcast %jit3A_229 : f32 to vector<128x128xf32>
    %select_n3A_232 = arith.select %eq3A_227, %broadcast_in_dim3A_230, %broadcast_in_dim3A_231 : vector<128x128xi1>, vector<128x128xf32>
    %slice3A_233 = vector.extract_strided_slice %select_n3A_43 {offsets = [5, 0], sizes = [1, 128], strides = [1, 1]} : vector<8x128xi32> to vector<1x128xi32>
    %eq3A_234 = vector.broadcast %slice3A_233 : vector<1x128xi32> to vector<128x128xi32>
    %eq3A_235 = arith.cmpi eq, %iota3A, %eq3A_234 : vector<128x128xi32>
    %jit3A_236 = arith.constant 5.000000e-01 : f32
    %jit3A_237 = arith.constant 0.000000e+00 : f32
    %broadcast_in_dim3A_238 = vector.broadcast %jit3A_236 : f32 to vector<128x128xf32>
    %broadcast_in_dim3A_239 = vector.broadcast %jit3A_237 : f32 to vector<128x128xf32>
    %select_n3A_240 = arith.select %eq3A_235, %broadcast_in_dim3A_238, %broadcast_in_dim3A_239 : vector<128x128xi1>, vector<128x128xf32>
    %get3A_241 = arith.constant 5 : index
    %get3A_242 = arith.constant 0 : index
    %get3A_243 = arith.constant 0 : index
    %get3A_244 = vector.load %arg0[%get3A_241, %get3A_242, %get3A_243] : memref<8x128x768xf32, #tpu.memory_space<vmem>>, vector<1x128x768xf32>
    %get3A_245 = vector.shape_cast %get3A_244 : vector<1x128x768xf32> to vector<128x768xf32>
    %dot_general3A_246 = arith.constant dense<0.000000e+00> : vector<128x768xf32>
    %dot_general3A_247 = tpu.matmul %select_n3A_232, %get3A_245, %dot_general3A_246 {dimension_numbers = #tpu.dot_dimension_numbers<[0], [0], [1], [1], [0, 1, 1, 1], [], []>, precision = #tpu.contract_precision<fp32>, transpose_lhs_hint = false} : vector<128x128xf32>, vector<128x768xf32>, vector<128x768xf32> -> vector<128x768xf32>
    %get3A_248 = arith.constant 5 : index
    %get3A_249 = arith.constant 0 : index
    %get3A_250 = arith.constant 0 : index
    %get3A_251 = vector.load %arg1[%get3A_248, %get3A_249, %get3A_250] : memref<8x128x768xf32, #tpu.memory_space<vmem>>, vector<1x128x768xf32>
    %get3A_252 = vector.shape_cast %get3A_251 : vector<1x128x768xf32> to vector<128x768xf32>
    %dot_general3A_253 = arith.constant dense<0.000000e+00> : vector<128x768xf32>
    %dot_general3A_254 = tpu.matmul %select_n3A_240, %get3A_252, %dot_general3A_253 {dimension_numbers = #tpu.dot_dimension_numbers<[0], [0], [1], [1], [0, 1, 1, 1], [], []>, precision = #tpu.contract_precision<fp32>, transpose_lhs_hint = false} : vector<128x128xf32>, vector<128x768xf32>, vector<128x768xf32> -> vector<128x768xf32>
    %add3A_255 = arith.addf %dot_general3A_247, %dot_general3A_254 : vector<128x768xf32>
    %swap3A_256 = arith.constant 5 : index
    %swap3A_257 = arith.constant 0 : index
    %swap3A_258 = arith.constant 0 : index
    %swap3A_259 = vector.load %arg3[%swap3A_256, %swap3A_257, %swap3A_258] : memref<8x128x768xf32, #tpu.memory_space<vmem>>, vector<1x128x768xf32>
    %swap3A_260 = vector.shape_cast %swap3A_259 : vector<1x128x768xf32> to vector<128x768xf32>
    %swap3A_261 = vector.shape_cast %add3A_255 : vector<128x768xf32> to vector<1x128x768xf32>
    tpu.vector_store %arg3[%swap3A_256, %swap3A_257, %swap3A_258], %swap3A_261 {strides = array<i32>} : memref<8x128x768xf32, #tpu.memory_space<vmem>>, vector<1x128x768xf32>,
    %slice3A_262 = vector.extract_strided_slice %select_n3A {offsets = [6, 0], sizes = [1, 128], strides = [1, 1]} : vector<8x128xi32> to vector<1x128xi32>
    %eq3A_263 = vector.broadcast %slice3A_262 : vector<1x128xi32> to vector<128x128xi32>
    %eq3A_264 = arith.cmpi eq, %iota3A, %eq3A_263 : vector<128x128xi32>
    %jit3A_265 = arith.constant 5.000000e-01 : f32
    %jit3A_266 = arith.constant 0.000000e+00 : f32
    %broadcast_in_dim3A_267 = vector.broadcast %jit3A_265 : f32 to vector<128x128xf32>
    %broadcast_in_dim3A_268 = vector.broadcast %jit3A_266 : f32 to vector<128x128xf32>
    %select_n3A_269 = arith.select %eq3A_264, %broadcast_in_dim3A_267, %broadcast_in_dim3A_268 : vector<128x128xi1>, vector<128x128xf32>
    %slice3A_270 = vector.extract_strided_slice %select_n3A_43 {offsets = [6, 0], sizes = [1, 128], strides = [1, 1]} : vector<8x128xi32> to vector<1x128xi32>
    %eq3A_271 = vector.broadcast %slice3A_270 : vector<1x128xi32> to vector<128x128xi32>
    %eq3A_272 = arith.cmpi eq, %iota3A, %eq3A_271 : vector<128x128xi32>
    %jit3A_273 = arith.constant 5.000000e-01 : f32
    %jit3A_274 = arith.constant 0.000000e+00 : f32
    %broadcast_in_dim3A_275 = vector.broadcast %jit3A_273 : f32 to vector<128x128xf32>
    %broadcast_in_dim3A_276 = vector.broadcast %jit3A_274 : f32 to vector<128x128xf32>
    %select_n3A_277 = arith.select %eq3A_272, %broadcast_in_dim3A_275, %broadcast_in_dim3A_276 : vector<128x128xi1>, vector<128x128xf32>
    %get3A_278 = arith.constant 6 : index
    %get3A_279 = arith.constant 0 : index
    %get3A_280 = arith.constant 0 : index
    %get3A_281 = vector.load %arg0[%get3A_278, %get3A_279, %get3A_280] : memref<8x128x768xf32, #tpu.memory_space<vmem>>, vector<1x128x768xf32>
    %get3A_282 = vector.shape_cast %get3A_281 : vector<1x128x768xf32> to vector<128x768xf32>
    %dot_general3A_283 = arith.constant dense<0.000000e+00> : vector<128x768xf32>
    %dot_general3A_284 = tpu.matmul %select_n3A_269, %get3A_282, %dot_general3A_283 {dimension_numbers = #tpu.dot_dimension_numbers<[0], [0], [1], [1], [0, 1, 1, 1], [], []>, precision = #tpu.contract_precision<fp32>, transpose_lhs_hint = false} : vector<128x128xf32>, vector<128x768xf32>, vector<128x768xf32> -> vector<128x768xf32>
    %get3A_285 = arith.constant 6 : index
    %get3A_286 = arith.constant 0 : index
    %get3A_287 = arith.constant 0 : index
    %get3A_288 = vector.load %arg1[%get3A_285, %get3A_286, %get3A_287] : memref<8x128x768xf32, #tpu.memory_space<vmem>>, vector<1x128x768xf32>
    %get3A_289 = vector.shape_cast %get3A_288 : vector<1x128x768xf32> to vector<128x768xf32>
    %dot_general3A_290 = arith.constant dense<0.000000e+00> : vector<128x768xf32>
    %dot_general3A_291 = tpu.matmul %select_n3A_277, %get3A_289, %dot_general3A_290 {dimension_numbers = #tpu.dot_dimension_numbers<[0], [0], [1], [1], [0, 1, 1, 1], [], []>, precision = #tpu.contract_precision<fp32>, transpose_lhs_hint = false} : vector<128x128xf32>, vector<128x768xf32>, vector<128x768xf32> -> vector<128x768xf32>
    %add3A_292 = arith.addf %dot_general3A_284, %dot_general3A_291 : vector<128x768xf32>
    %swap3A_293 = arith.constant 6 : index
    %swap3A_294 = arith.constant 0 : index
    %swap3A_295 = arith.constant 0 : index
    %swap3A_296 = vector.load %arg3[%swap3A_293, %swap3A_294, %swap3A_295] : memref<8x128x768xf32, #tpu.memory_space<vmem>>, vector<1x128x768xf32>
    %swap3A_297 = vector.shape_cast %swap3A_296 : vector<1x128x768xf32> to vector<128x768xf32>
    %swap3A_298 = vector.shape_cast %add3A_292 : vector<128x768xf32> to vector<1x128x768xf32>
    tpu.vector_store %arg3[%swap3A_293, %swap3A_294, %swap3A_295], %swap3A_298 {strides = array<i32>} : memref<8x128x768xf32, #tpu.memory_space<vmem>>, vector<1x128x768xf32>,
    %slice3A_299 = vector.extract_strided_slice %select_n3A {offsets = [7, 0], sizes = [1, 128], strides = [1, 1]} : vector<8x128xi32> to vector<1x128xi32>
    %eq3A_300 = vector.broadcast %slice3A_299 : vector<1x128xi32> to vector<128x128xi32>
    %eq3A_301 = arith.cmpi eq, %iota3A, %eq3A_300 : vector<128x128xi32>
    %jit3A_302 = arith.constant 5.000000e-01 : f32
    %jit3A_303 = arith.constant 0.000000e+00 : f32
    %broadcast_in_dim3A_304 = vector.broadcast %jit3A_302 : f32 to vector<128x128xf32>
    %broadcast_in_dim3A_305 = vector.broadcast %jit3A_303 : f32 to vector<128x128xf32>
    %select_n3A_306 = arith.select %eq3A_301, %broadcast_in_dim3A_304, %broadcast_in_dim3A_305 : vector<128x128xi1>, vector<128x128xf32>
    %slice3A_307 = vector.extract_strided_slice %select_n3A_43 {offsets = [7, 0], sizes = [1, 128], strides = [1, 1]} : vector<8x128xi32> to vector<1x128xi32>
    %eq3A_308 = vector.broadcast %slice3A_307 : vector<1x128xi32> to vector<128x128xi32>
    %eq3A_309 = arith.cmpi eq, %iota3A, %eq3A_308 : vector<128x128xi32>
    %jit3A_310 = arith.constant 5.000000e-01 : f32
    %jit3A_311 = arith.constant 0.000000e+00 : f32
    %broadcast_in_dim3A_312 = vector.broadcast %jit3A_310 : f32 to vector<128x128xf32>
    %broadcast_in_dim3A_313 = vector.broadcast %jit3A_311 : f32 to vector<128x128xf32>
    %select_n3A_314 = arith.select %eq3A_309, %broadcast_in_dim3A_312, %broadcast_in_dim3A_313 : vector<128x128xi1>, vector<128x128xf32>
    %get3A_315 = arith.constant 7 : index
    %get3A_316 = arith.constant 0 : index
    %get3A_317 = arith.constant 0 : index
    %get3A_318 = vector.load %arg0[%get3A_315, %get3A_316, %get3A_317] : memref<8x128x768xf32, #tpu.memory_space<vmem>>, vector<1x128x768xf32>
    %get3A_319 = vector.shape_cast %get3A_318 : vector<1x128x768xf32> to vector<128x768xf32>
    %dot_general3A_320 = arith.constant dense<0.000000e+00> : vector<128x768xf32>
    %dot_general3A_321 = tpu.matmul %select_n3A_306, %get3A_319, %dot_general3A_320 {dimension_numbers = #tpu.dot_dimension_numbers<[0], [0], [1], [1], [0, 1, 1, 1], [], []>, precision = #tpu.contract_precision<fp32>, transpose_lhs_hint = false} : vector<128x128xf32>, vector<128x768xf32>, vector<128x768xf32> -> vector<128x768xf32>
    %get3A_322 = arith.constant 7 : index
    %get3A_323 = arith.constant 0 : index
    %get3A_324 = arith.constant 0 : index
    %get3A_325 = vector.load %arg1[%get3A_322, %get3A_323, %get3A_324] : memref<8x128x768xf32, #tpu.memory_space<vmem>>, vector<1x128x768xf32>
    %get3A_326 = vector.shape_cast %get3A_325 : vector<1x128x768xf32> to vector<128x768xf32>
    %dot_general3A_327 = arith.constant dense<0.000000e+00> : vector<128x768xf32>
    %dot_general3A_328 = tpu.matmul %select_n3A_314, %get3A_326, %dot_general3A_327 {dimension_numbers = #tpu.dot_dimension_numbers<[0], [0], [1], [1], [0, 1, 1, 1], [], []>, precision = #tpu.contract_precision<fp32>, transpose_lhs_hint = false} : vector<128x128xf32>, vector<128x768xf32>, vector<128x768xf32> -> vector<128x768xf32>
    %add3A_329 = arith.addf %dot_general3A_321, %dot_general3A_328 : vector<128x768xf32>
    %swap3A_330 = arith.constant 7 : index
    %swap3A_331 = arith.constant 0 : index
    %swap3A_332 = arith.constant 0 : index
    %swap3A_333 = vector.load %arg3[%swap3A_330, %swap3A_331, %swap3A_332] : memref<8x128x768xf32, #tpu.memory_space<vmem>>, vector<1x128x768xf32>
    %swap3A_334 = vector.shape_cast %swap3A_333 : vector<1x128x768xf32> to vector<128x768xf32>
    %swap3A_335 = vector.shape_cast %add3A_329 : vector<128x768xf32> to vector<1x128x768xf32>
    tpu.vector_store %arg3[%swap3A_330, %swap3A_331, %swap3A_332], %swap3A_335 {strides = array<i32>} : memref<8x128x768xf32, #tpu.memory_space<vmem>>, vector<1x128x768xf32>,
    return
  }
}

</mosaic_0001>

<sc_bundles>
// kernel: kernel.5.cloned.1.call-start
scs
__scs_entry_jumppad:
0x0: {  	(pc) =	sbr.rel $0x88, $3  }
0x1: {  	(tag) =	ssettag $0x0;
	lr =	simm.s32 $0x1  }
0x2: {  	[smem:$0x3FA0] =	sst lr;
	_ =	strace $0xD0000000  }
0x3: {  	_ = 	snop  }
0x4: {  	_ = 	snop  }
0x5: {  	_ = 	snop  }
0x6: {  	_ = 	snop  }
0x7: {  	_ = 	snop  }
__scs_overlays_trampoline_lowered:
0x8: {  	[smem:$0x3FAF] =	sst s0  }
0x9: {  	[smem:$0x3FB0] =	sst s1  }
0xa: {  	[smem:$0x3FB1] =	sst s2  }
0xb: {  	[smem:$0x3FB2] =	sst s3  }
0xc: {  	[smem:$0x3FB3] =	sst s4  }
0xd: {  	[smem:$0x3FB4] =	sst s5  }
0xe: {  	[smem:$0x3FB5] =	sst s6  }
0xf: {  	[smem:$0x3FB6] =	sst s7  }
0x10: {  	[smem:$0x3FB7] =	sst s8  }
0x11: {  	[smem:$0x3FB8] =	sst s9;
	s0 =	simm.s32 @!p0 $0x0  }
0x12: {  	s1 =	sld [smem:$0x3F9E];
	s0 =	simm.s32 @p0 $0x1  }
0x13: {  	[smem:$0x3FB9] =	sst s0;
	s0 =	simm.s32 @!p1 $0x0  }
0x14: {  	s2 =	sld [smem:$0x3F9D];
	s0 =	simm.s32 @p1 $0x1  }
0x15: {  	[smem:$0x3FBA] =	sst s0;
	s0 =	simm.s32 @!p2 $0x0  }
0x16: {  	s3 =	sld [smem:$0x3FDB];
	s0 =	simm.s32 @p2 $0x1  }
0x17: {  	s4 =	simm.s32 $0x1BF5;
	[smem:$0x3FBC] =	sst s0  }
0x18: {  	s0 =	sld [smem:$0x3F9F];
	_ =	swait.ge [sflag:s4], $0x0  }
0x19: {  	s7 =	sld [smem:$0x3FA0]  }
0x1a: {  	s8 =	sadd.s32 $0xFFFFE003, lr  }
0x1b: {  	s9 =	sadd.s32 $0xFFFFFEF7, lr;
	s5 =	simm.s32 $0xFFFFFFFF;
	p2 =	slt.u32 s8, $0xFFFFF086  }
0x1c: {  	p1 =	slt.u32 s9, $0xF7A;
	s5 =	simm.s32 @!p2 $0x0  }
0x1d: {  	s5 =	simm.s32 @p1 $0x1;
	p0 =	seq.s32 s7, s2  }
0x1e: {  	s7 =	smul.u32 @!p0 $0xF7A, s2;
	p2 =	seq.s32 @!p0 s5, $0x0  }
0x1f: {  	s9 =	smul.u32 $0xF7A, s1;
	s8 =	simm.s32 @!p0 $0x1BF5;
	p2 =	por !p2, p0  }
0x20: {  	[sflag:s8] =	ssyncset.s32 @!p0 $0xFFFFF086;
	s6 =	sadd.s32 @!p0 s3, s7;
	s7 =	simm.s32 @!p0 $0x108  }
0x21: {  	s3 =	sadd.s32 s3, s9;
	s6 =	sadd.s32 @!p0 $0x88, s6;
	s7 =	simm.s32 @p2 $0x1082  }
0x22: {  	[simem:s7], [sflag:s8] =	dma.local @!p0 [hbm:s6], $0xF7A  }
0x23: {  	s9 =	sor.u32 $0xD0000000, s2;
	s6 =	simm.s32 $0x108;
	_ =	swait.ge @!p0 [sflag:s8], $0x0  }
0x24: {  	s3 =	sadd.s32 $0x88, s3;
	s6 =	simm.s32 @!p1 $0x1082;
	[sflag:s4] =	ssyncset.s32 $0xFFFFF086  }
0x25: {  	[simem:s6], [sflag:s4] =	dma.local [hbm:s3], $0xF7A  }
0x26: {  	[smem:$0x3FA0] =	sst s1;
	(tag) =	ssettag s2;
	_ =	strace s9  }
0x27: {  	s1 =	sld [smem:$0x3FB0]  }
0x28: {  	s2 =	sld [smem:$0x3FB1]  }
0x29: {  	s4 =	sld [smem:$0x3FB3]  }
0x2a: {  	p0 =	seq.s32 s5, $0x0;
	s5 =	sld [smem:$0x3FB4]  }
0x2b: {  	s6 =	sld [smem:$0x3FB5]  }
0x2c: {  	s7 =	sld [smem:$0x3FB6]  }
0x2d: {  	s3 =	simm.s32 $0x108;
	s8 =	sld [smem:$0x3FB7]  }
0x2e: {  	s3 =	simm.s32 @!p0 $0x1082;
	s9 =	sld [smem:$0x3FB8]  }
0x2f: {  	lr =	sadd.s32 s0, s3;
	s0 =	sld [smem:$0x3FAF]  }
0x30: {  	s3 =	sld [smem:$0x3FB2]  }
0x31: {  	[smem:$0x3FBB] =	sst s10  }
0x32: {  	s10 =	sld [smem:$0x3FB9];
	_ =	sdelay $0x3  }
0x33: {  	p0 =	seq.s32 s10, $0x1;
	s10 =	sld [smem:$0x3FBB];
	_ =	sdelay $0x3  }
0x34: {  	[smem:$0x3FBB] =	sst s10  }
0x35: {  	s10 =	sld [smem:$0x3FBA];
	_ =	sdelay $0x3  }
0x36: {  	p1 =	seq.s32 s10, $0x1;
	s10 =	sld [smem:$0x3FBB];
	_ =	sdelay $0x3  }
0x37: {  	[smem:$0x3FBB] =	sst s10  }
0x38: {  	s10 =	sld [smem:$0x3FBC]  }
0x39: {  	_ = 	snop;
	(pc) =	sbr.ind lr, $3  }
0x3a: {  	_ = 	snop  }
0x3b: {  	_ = 	snop  }
0x3c: {  	p2 =	seq.s32 s10, $0x1;
	s10 =	sld [smem:$0x3FBB]  }
0x3d: {  	_ =	shalt  }
0x3e: {  	_ =	shalt  }
0x3f: {  	_ =	shalt  }
0x40: {  	_ =	shalt  }
0x41: {  	_ =	shalt  }
0x42: {  	_ =	shalt  }
0x43: {  	_ =	shalt  }
0x44: {  	_ =	shalt  }
0x45: {  	_ =	shalt  }
0x46: {  	_ =	shalt  }
0x47: {  	_ =	shalt  }
0x48: {  	_ =	shalt  }
0x49: {  	_ =	shalt  }
0x4a: {  	_ =	shalt  }
0x4b: {  	_ =	shalt  }
0x4c: {  	_ =	shalt  }
0x4d: {  	_ =	shalt  }
0x4e: {  	_ =	shalt  }
0x4f: {  	_ =	shalt  }
0x50: {  	_ =	shalt  }
0x51: {  	_ =	shalt  }
0x52: {  	_ =	shalt  }
0x53: {  	_ =	shalt  }
0x54: {  	_ =	shalt  }
0x55: {  	_ =	shalt  }
0x56: {  	_ =	shalt  }
0x57: {  	_ =	shalt  }
0x58: {  	_ =	shalt  }
0x59: {  	_ =	shalt  }
0x5a: {  	_ =	shalt  }
0x5b: {  	_ =	shalt  }
0x5c: {  	_ =	shalt  }
0x5d: {  	_ =	shalt  }
0x5e: {  	_ =	shalt  }
0x5f: {  	_ =	shalt  }
0x60: {  	_ =	shalt  }
0x61: {  	_ =	shalt  }
0x62: {  	_ =	shalt  }
0x63: {  	_ =	shalt  }
0x64: {  	_ =	shalt  }
0x65: {  	_ =	shalt  }
0x66: {  	_ =	shalt  }
0x67: {  	_ =	shalt  }
0x68: {  	_ =	shalt  }
0x69: {  	_ =	shalt  }
0x6a: {  	_ =	shalt  }
0x6b: {  	_ =	shalt  }
0x6c: {  	_ =	shalt  }
0x6d: {  	_ =	shalt  }
0x6e: {  	_ =	shalt  }
0x6f: {  	_ =	shalt  }
0x70: {  	_ =	shalt  }
0x71: {  	_ =	shalt  }
0x72: {  	_ =	shalt  }
0x73: {  	_ =	shalt  }
0x74: {  	_ =	shalt  }
0x75: {  	_ =	shalt  }
0x76: {  	_ =	shalt  }
0x77: {  	_ =	shalt  }
0x78: {  	_ =	shalt  }
0x79: {  	_ =	shalt  }
0x7a: {  	_ =	shalt  }
0x7b: {  	_ =	shalt  }
0x7c: {  	_ =	shalt  }
0x7d: {  	_ =	shalt  }
0x7e: {  	_ =	shalt  }
0x7f: {  	_ =	shalt  }
0x80: {  	_ =	shalt  }
0x81: {  	_ =	shalt  }
0x82: {  	_ =	shalt  }
0x83: {  	_ =	shalt  }
0x84: {  	_ =	shalt  }
0x85: {  	_ =	shalt  }
0x86: {  	_ =	shalt  }
0x87: {  	_ =	shalt  }
.Lfunc_end0:
.L_simem_size_0:
called_computation_lowered:
.L_overlay_start_0:
0x88: {  	s2 =	sld [smem:$0x3FD9]  }
0x89: {  	s3 =	sld [smem:$0x3FFE];
	_ =	sdelay $0x1  }
0x8a: {  	s1 =	srdreg.scid  }
0x8b: {  	s0 =	sand.u32 $0x1, s1  }
0x8c: {  	s14 =	sshll.u32 s0, $0xA;
	s2 =	sadd.s32 s3, s2  }
0x8d: {  	s2 =	sadd.s32 s2, s14  }
0x8e: {  	[smem:$0x3FC7] =	sst s2  }
0x8f: {  	_ = 	snop  }
0x90: {  	s2 =	sld [smem:$0x3FD0];
	_ =	sdelay $0x2  }
0x91: {  	s15 =	simm.s32 $0xA;
	s4 =	simm.s32 $0x10  }
0x92: {  	[smem:s4], [sflag:s15] =	dma.local [hbm:s2], $0x1  }
0x93: {  	_ =	swait.eq [sflag:s15], $0x1  }
0x94: {  	[sflag:s15] =	ssyncset.done $0x0  }
0x95: {  	[sflag:s15] =	ssyncadd.s32 $0xFFFFFFFF  }
0x96: {  	s16 =	sld [smem:$0x10];
	(tm) =	ssettm $0x1  }
0x97: {  	s17 =	sld [smem:$0x3FFB];
	_ =	sdelay $0x3  }
0x98: {  	_ =	strace s17  }
0x99: {  	s3 =	sld [smem:$0x3FFC];
	_ =	sdelay $0x3  }
0x9a: {  	_ =	strace s3  }
0x9b: {  	s3 =	sld [smem:$0x3FFD];
	_ =	sdelay $0x3  }
0x9c: {  	_ =	strace s3  }
0x9d: {  	_ =	strace $0x8FFFFFFF  }
0x9e: {  	s18 =	sld [smem:$0x3FDB];
	_ =	sdelay $0x1  }
0x9f: {  	s19 =	simm.s32 $_scs_section_size  }
0xa0: {  	s5 =	simm.s32 $_size__tile_overlayer_lowered;
	s6 =	simm.s32 $_tile_overlayer_lowered  }
0xa1: {  	s22 =	simm.s32 $0x1BFF;
	s21 =	sshll.u32 s6, $0x1;
	s3 =	sadd.s32 s19, s18  }
0xa2: {  	s7 =	simm.s32 $0x0;
	s20 =	sshll.u32 s5, $0x1;
	s5 =	sadd.s32 s21, s3  }
0xa3: {  	[timem:s7], [sflag:s22] =	dma.local [hbm:s5], s20  }
0xa4: {  	_ =	swait.ge [sflag:s22], s20  }
0xa5: {  	s4 =	ssub.s32 $0x0, s20;
	[sflag:s22] =	ssyncset.done $0x0  }
0xa6: {  	[sflag:s22] =	ssyncadd.s32 s4;
	_ =	sdelay $0x1  }
0xa7: {  	s23 =	simm.s32 $0x1B8B  }
0xa8: {  	_ =	swait.ge [sflag:s23], $0x1  }
0xa9: {  	[sflag:s23] =	ssyncset.done $0x0  }
0xaa: {  	s25 =	simm.s32 $0x1B8E;
	s24 =	sld [smem:$0x3FFE];
	[sflag:s23] =	ssyncadd.s32 $0xFFFFFFFF  }
0xab: {  	s26 =	simm.s32 $execute0_lowered;
	[smem:$0x3FD2] =	sst s25  }
0xac: {  	s5 =	sshll.u32 s26, $0x1;
	_ =	strace $0x80000046;
	[dreg:$0x1] =	wrdreg $0xFFFFFFFF  }
0xad: {  	s28 =	simm.s32 $_size_execute0_lowered;
	s3 =	sadd.s32 s3, s5;
	[dreg:$0x0] =	wrdreg $0x0  }
0xae: {  	s5 =	sshll.u32 s28, $0x1;
	[dreg:$0x2] =	wrdreg s3  }
0xaf: {  	[dreg:$0x3] =	wrdreg s5  }
0xb0: {  	[dreg:$0x4] =	wrdreg $0xC0  }
0xb1: {  	_ =	task [dreg:s7], $0x5FFFF  }
0xb2: {  	[dreg:$0x1] =	wrdreg $0xFFFFFFFF  }
0xb3: {  	[dreg:$0x0] =	wrdreg $0x60  }
0xb4: {  	[dreg:$0x2] =	wrdreg s16  }
0xb5: {  	[dreg:$0x3] =	wrdreg s24  }
0xb6: {  	[dreg:$0x4] =	wrdreg $0x9  }
0xb7: {  	_ =	task.clear_ibuf [dreg:s7], $0x5FFFF;
	_ =	strace $0x90000046  }
0xb8: {  	s29 =	simm.s32 $0x9;
	_ =	strace $0x80000048  }
0xb9: {  	_ =	swait.ge [sflag:s29], $0x1  }
0xba: {  	[sflag:s29] =	ssyncadd.s32 $0xFFFFFFFF  }
0xbb: {  	_ =	strace $0x90000048  }
0xbc: {  	_ =	sfence  }
0xbd: {  	s30 =	sld [smem:$0x0];
	_ =	sdelay $0x2  }
0xbe: {  	s31 =	sshll.u32 s1, $0xD;
	s1 =	sshrl.u32 s1, $0x2  }
0xbf: {  	s3 =	sand.u32 $0x4000, s31;
	s1 =	sadd.s32 s1, s30  }
0xc0: {  	s0 =	sor.u32 s3, s0;
	s1 =	sshll.u32 s1, $0x11  }
0xc1: {  	s0 =	sor.u32 s1, s0  }
0xc2: {  	s0 =	sadd.s32 $0x8F2B, s0  }
0xc3: {  	[sflag:s0] =	ssyncadd.remote.s32 $0x1  }
0xc4: {  	_ =	sfence.sel $0xFFFF  }
0xc5: {  	[dreg:$0x0] =	wrdreg $0xFFFFFFFF;
	(pc) =	sbr.abs _section_cstart, $3  }
0xc6: {  	[dreg:$0x1] =	wrdreg $0xFFFFFFFF  }
0xc7: {  	_ =	task.clear_ibuf [dreg:s7], $0x2FFFF;
	_ =	strace $0x9FFFFFFF  }
0xc8: {  	(tm) =	ssettm $0x7FFFFFFF  }
0xc9: {  	_ =	shalt  }
tec
execute0_lowered:
.L_overlay_start_1:
0x0: {  	(tag) =	ssettag $0x1  }
0x1: {  	s1 =	stileid.u32  }
0x2: {  	p0 =	sgt.u32 s1, $0x3  }
.Ltmp0:
0x3: {  	_ = 	snop;
	(pc) =	sbr.rel @p0 .LBB2_7-.Ltmp0, $4  }
0x4: {  	s4 =	rddreg [dreg:$0x0]  }
0x5: {  	s3 =	rddreg [dreg:$0x1];
	s2 =	simm.s32 $0x0  }
0x6: {  	[smem:$0x7FF] =	sst s2  }
0x7: {  	s0 =	rddreg [dreg:$0x2];
	_ =	strace $0x80000047  }
0x8: {  	s5 =	srdreg.scid;
	s6 =	sshll.u32 s1, $0x5  }
0x9: {  	s8 =	simm.s32 $0x1;
	s9 =	simm.s32 $0x4080;
	s5 =	sand.u32 $0x1, s5  }
0xa: {  	v0 =	vlaneseq.u32;
	s10 =	simm.s32 $0x0;
	s7 =	sshll.u32 s5, $0x4;
	s5 =	ssub.s32 $0x2, s5  }
0xb: {  	v1 =	vmul.u32 $0xFFFFFFFF, v0;
	v2 =	vor.u32 $0x70, v0;
	v3 =	vor.u32 $0x60, v0;
	s6 =	sor.u32 s7, s6;
	s31 =	sshrl.u32 s5, $0x1;
	s7 =	simm.s32 $0x400  }
0xc: {  	v4 =	vor.u32 $0x50, v0;
	v5 =	vor.u32 $0x40, v0;
	v6 =	vor.u32 $0x30, v0;
	s3 =	sadd.s32 s6, s3;
	s5 =	ssub.s32 s5, s31;
	s4 =	sadd.s32 s4, s6  }
0xd: {  	v7 =	vor.u32 $0x20, v0;
	v8 =	vor.u32 $0x10, v0;
	v1 =	vadd.s32 $0xF, v1;
	s6 =	simm.s32 $0x80;
	s3 =	sadd.s32 $0xC00, s3;
	s5 =	smax.u32 s5, $0x1  }
.LBB2_2:
0xe: {  	s11 =	simm.s32 $0x0  }
0xf: {  	[tilespmem:s11], [sflag:$0x1] =	stream.strided.gather [hbm4b:s4+s6], $0x4000, s7, s6, $0x38;
	[tilespmem:$0x4100] =	vst v63  }
0x10: {  	_ =	swait.ge [sflag:s8], $0x4000  }
0x11: {  	[sflag:s8] =	ssyncset.done $0x0  }
0x12: {  	s13 =	simm.s32 $0x40;
	[sflag:s8] =	ssyncadd.s32 $0xFFFFC000  }
0x13: {  	v9 =	vld [tilespmem:s13+$0xFFFFFFD0]  }
0x14: {  	v11 =	vld [tilespmem:s13+$0xFFFFFFC0]  }
0x15: {  	s14 =	simm.s32 $0x1;
	s12 =	simm.s32 $0x0;
	v10 =	vld [tilespmem:s13+$0xFFFFFFE0]  }
.LBB2_3:
0x16: {  	p0 =	sne.s32 s14, $0x7F;
	v12 =	vld [tilespmem:s13+$0xFFFFFFF0]  }
0x17: {  	v13 =	vld [tilespmem:s13+$0x0]  }
0x18: {  	v14 =	vld [tilespmem:s13+$0x10]  }
0x19: {  	v9 =	vmax.f32 v11, v9;
	v11 =	vld [tilespmem:s13+$0x20]  }
0x1a: {  	v9 =	vmax.f32 v9, v10;
	v10 =	vld [tilespmem:s13+$0x30]  }
0x1b: {  	v9 =	vmax.f32 v9, v12  }
0x1c: {  	v9 =	vmax.f32 v9, v13  }
0x1d: {  	v9 =	vmax.f32 v9, v14  }
0x1e: {  	v9 =	vmax.f32 v9, v11  }
0x1f: {  	v9 =	vmax.f32 v9, v10  }
0x20: {  	v10 =	vperm.xlane v9, v1;
	_ =	sdelay $0x1  }
0x21: {  	v9 =	vmax.f32 v9, v10  }
0x22: {  	(v2sf) =	vpush v9, $0x0  }
0x23: {  	(v2sf) =	vpush v9, $0x1  }
0x24: {  	(v2sf) =	vpush v9, $0x2  }
0x25: {  	(v2sf) =	vpush v9, $0x3  }
0x26: {  	(v2sf) =	vpush v9, $0x4  }
0x27: {  	(v2sf) =	vpush v9, $0x5  }
0x28: {  	(v2sf) =	vpush v9, $0x6  }
0x29: {  	(v2sf) =	vpush v9, $0x7;
	_ =	sdelay $0x7  }
0x2a: {  	s15 =	spop (v2sf)  }
0x2b: {  	s16 =	spop (v2sf)  }
0x2c: {  	s15 =	smax.f32 s15, s16;
	s16 =	spop (v2sf)  }
0x2d: {  	s15 =	smax.f32 s15, s16;
	s16 =	sand.u32 $0x70, s12;
	s17 =	spop (v2sf)  }
0x2e: {  	s15 =	smax.f32 s15, s17;
	v9 =	vld [tilespmem:s16+$0x4000];
	s17 =	spop (v2sf)  }
0x2f: {  	s15 =	smax.f32 s15, s17;
	s17 =	spop (v2sf)  }
0x30: {  	s12 =	sand.u32 $0xF, s12;
	s15 =	smax.f32 s15, s17;
	s17 =	spop (v2sf)  }
0x31: {  	v10 =	vmov s12;
	s12 =	smov.u32 s14;
	s15 =	smax.f32 s15, s17;
	s17 =	spop (v2sf)  }
0x32: {  	vm0 =	veq.s32 v10, v0;
	s15 =	smax.f32 s15, s17  }
.Ltmp1:
0x33: {  	v9 =	vsel vm0, s15, v9;
	(pc) =	sbr.rel @p0 .LBB2_3-.Ltmp1, $4  }
0x34: {  	s13 =	sadd.s32 $0x80, s13;
	[tilespmem:s16+$0x4000] =	vst v9  }
0x35: {  	v9 =	vld [tilespmem:s13+$0xFFFFFFD0]  }
0x36: {  	v11 =	vld [tilespmem:s13+$0xFFFFFFC0]  }
0x37: {  	s14 =	sadd.s32 $0x1, s14;
	v10 =	vld [tilespmem:s13+$0xFFFFFFE0]  }
0x38: {  	v12 =	vld [tilespmem:s13+$0xFFFFFFF0]  }
0x39: {  	v13 =	vld [tilespmem:s13+$0x0]  }
0x3a: {  	v14 =	vld [tilespmem:s13+$0x10]  }
0x3b: {  	v9 =	vmax.f32 v11, v9;
	v11 =	vld [tilespmem:s13+$0x20]  }
0x3c: {  	v9 =	vmax.f32 v9, v10;
	v10 =	vld [tilespmem:s13+$0x30]  }
0x3d: {  	v9 =	vmax.f32 v9, v12  }
0x3e: {  	v9 =	vmax.f32 v9, v13  }
0x3f: {  	v9 =	vmax.f32 v9, v14  }
0x40: {  	v9 =	vmax.f32 v9, v11  }
0x41: {  	v9 =	vmax.f32 v9, v10  }
0x42: {  	v10 =	vperm.xlane v9, v1;
	_ =	sdelay $0x1  }
0x43: {  	v9 =	vmax.f32 v9, v10  }
0x44: {  	(v2sf) =	vpush v9, $0x0  }
0x45: {  	(v2sf) =	vpush v9, $0x1  }
0x46: {  	(v2sf) =	vpush v9, $0x2  }
0x47: {  	(v2sf) =	vpush v9, $0x3  }
0x48: {  	(v2sf) =	vpush v9, $0x4  }
0x49: {  	(v2sf) =	vpush v9, $0x5  }
0x4a: {  	(v2sf) =	vpush v9, $0x6  }
0x4b: {  	(v2sf) =	vpush v9, $0x7;
	_ =	sdelay $0x7  }
0x4c: {  	s23 =	spop (v2sf)  }
0x4d: {  	s14 =	spop (v2sf)  }
0x4e: {  	s13 =	smax.f32 s23, s14;
	s24 =	spop (v2sf)  }
0x4f: {  	s25 =	sand.u32 $0x70, s12;
	s13 =	smax.f32 s13, s24;
	s15 =	spop (v2sf)  }
0x50: {  	v9 =	vld [tilespmem:s25+$0x4000];
	s13 =	smax.f32 s13, s15;
	s26 =	spop (v2sf)  }
0x51: {  	s13 =	smax.f32 s13, s26;
	s28 =	spop (v2sf)  }
0x52: {  	s29 =	sand.u32 $0xF, s12;
	s13 =	smax.f32 s13, s28;
	s30 =	spop (v2sf)  }
0x53: {  	v10 =	vmov s29;
	s13 =	smax.f32 s13, s30;
	s31 =	spop (v2sf)  }
0x54: {  	vm0 =	veq.s32 v10, v0;
	s12 =	smax.f32 s13, s31  }
0x55: {  	v9 =	vsel vm0, s12, v9  }
0x56: {  	[tilespmem:s25+$0x4000] =	vst v9  }
0x57: {  	v9 =	vld [tilespmem:$0x4010]  }
0x58: {  	v10 =	vld [tilespmem:$0x4000]  }
0x59: {  	v11 =	vld [tilespmem:$0x4020]  }
0x5a: {  	v48 =	vld [tilespmem:$0x4030]  }
0x5b: {  	v49 =	vld [tilespmem:$0x4040]  }
0x5c: {  	v50 =	vld [tilespmem:$0x4050]  }
0x5d: {  	v15 =	vld [tilespmem:$0x4060];
	v16 =	vmax.f32 v10, v9  }
0x5e: {  	v17 =	vld [tilespmem:$0x4070];
	v16 =	vmax.f32 v16, v11  }
0x5f: {  	v16 =	vmax.f32 v16, v48  }
0x60: {  	v16 =	vmax.f32 v16, v49  }
0x61: {  	v16 =	vmax.f32 v16, v50  }
0x62: {  	v16 =	vmax.f32 v16, v15  }
0x63: {  	v16 =	vmax.f32 v16, v17  }
0x64: {  	v18 =	vperm.xlane v16, v1;
	_ =	sdelay $0x1  }
0x65: {  	v16 =	vmax.f32 v16, v18  }
0x66: {  	(v2sf) =	vpush v16, $0x0  }
0x67: {  	(v2sf) =	vpush v16, $0x1  }
0x68: {  	(v2sf) =	vpush v16, $0x2  }
0x69: {  	(v2sf) =	vpush v16, $0x3  }
0x6a: {  	(v2sf) =	vpush v16, $0x4  }
0x6b: {  	(v2sf) =	vpush v16, $0x5  }
0x6c: {  	(v2sf) =	vpush v16, $0x6  }
0x6d: {  	(v2sf) =	vpush v16, $0x7;
	_ =	sdelay $0x7  }
0x6e: {  	s13 =	spop (v2sf)  }
0x6f: {  	s14 =	spop (v2sf)  }
0x70: {  	s12 =	smax.f32 s13, s14;
	s15 =	spop (v2sf)  }
0x71: {  	s12 =	smax.f32 s12, s15;
	s16 =	spop (v2sf)  }
0x72: {  	s12 =	smax.f32 s12, s16;
	s17 =	spop (v2sf)  }
0x73: {  	s12 =	smax.f32 s12, s17;
	s18 =	spop (v2sf)  }
0x74: {  	s12 =	smax.f32 s12, s18;
	s19 =	spop (v2sf)  }
0x75: {  	s12 =	smax.f32 s12, s19;
	s20 =	spop (v2sf)  }
0x76: {  	s13 =	smax.f32 s12, s20  }
0x77: {  	vm14 =	veq.f32 v17, s13  }
0x78: {  	vm1 =	veq.f32 v15, s13;
	v51 =	vnsel vm14, $0x4000, v2  }
0x79: {  	vm15 =	veq.f32 v50, s13;
	v52 =	vsel vm1, v3, v51  }
0x7a: {  	vm4 =	veq.f32 v49, s13;
	v53 =	vsel vm15, v4, v52  }
0x7b: {  	vm5 =	veq.f32 v48, s13;
	v54 =	vsel vm4, v5, v53  }
0x7c: {  	vm6 =	veq.f32 v11, s13;
	v11 =	vsel vm5, v6, v54  }
0x7d: {  	vm7 =	veq.f32 v9, s13;
	v9 =	vsel vm6, v7, v11  }
0x7e: {  	vm8 =	veq.f32 v10, s13;
	v9 =	vsel vm7, v8, v9  }
0x7f: {  	v9 =	vsel vm8, v0, v9  }
0x80: {  	v10 =	vperm.xlane v9, v1;
	_ =	sdelay $0x1  }
0x81: {  	vm9 =	vlt.s32 v9, v10  }
0x82: {  	v9 =	vsel vm9, v9, v10  }
0x83: {  	(v2sf) =	vpush v9, $0x0  }
0x84: {  	(v2sf) =	vpush v9, $0x1;
	_ =	sdelay $0x1  }
0x85: {  	(v2sf) =	vpush v9, $0x2;
	_ =	sdelay $0x1  }
0x86: {  	(v2sf) =	vpush v9, $0x3;
	_ =	sdelay $0x1  }
0x87: {  	(v2sf) =	vpush v9, $0x4;
	_ =	sdelay $0x1  }
0x88: {  	(v2sf) =	vpush v9, $0x5;
	_ =	sdelay $0x1  }
0x89: {  	(v2sf) =	vpush v9, $0x6;
	_ =	sdelay $0x1  }
0x8a: {  	(v2sf) =	vpush v9, $0x7;
	_ =	sdelay $0x1  }
0x8b: {  	s12 =	spop (v2sf)  }
0x8c: {  	s14 =	spop (v2sf)  }
0x8d: {  	p0 =	slt.s32 s12, s14  }
0x8e: {  	s14 =	smov.u32 @p0 s12;
	s12 =	spop (v2sf)  }
0x8f: {  	p0 =	slt.s32 s14, s12  }
0x90: {  	s12 =	smov.u32 @p0 s14;
	s14 =	spop (v2sf)  }
0x91: {  	p0 =	slt.s32 s12, s14  }
0x92: {  	s14 =	smov.u32 @p0 s12;
	s12 =	spop (v2sf)  }
0x93: {  	p0 =	slt.s32 s14, s12  }
0x94: {  	s12 =	smov.u32 @p0 s14;
	s14 =	spop (v2sf)  }
0x95: {  	p0 =	slt.s32 s12, s14  }
0x96: {  	s15 =	spop (v2sf);
	s14 =	smov.u32 @p0 s12  }
0x97: {  	p0 =	slt.s32 s14, s15  }
0x98: {  	s12 =	spop (v2sf);
	s15 =	smov.u32 @p0 s14  }
0x99: {  	p0 =	slt.s32 s15, s12  }
0x9a: {  	s12 =	smov.u32 @p0 s15  }
0x9b: {  	s21 =	sshll.u32 s12, $0x9  }
0x9c: {  	s14 =	sshra.s32 s21, $0x2  }
0x9d: {  	v9 =	vld [tilespmem:s14+$0x70]  }
0x9e: {  	v10 =	vld [tilespmem:s14+$0x60]  }
0x9f: {  	v11 =	vld [tilespmem:s14+$0x50]  }
0xa0: {  	v55 =	vld [tilespmem:s14+$0x40]  }
0xa1: {  	v56 =	vld [tilespmem:s14+$0x30]  }
0xa2: {  	v57 =	vld [tilespmem:s14+$0x20];
	vm10 =	veq.f32 v9, s13  }
0xa3: {  	v58 =	vld [tilespmem:s14+$0x10];
	vm11 =	veq.f32 v10, s13;
	v59 =	vnsel vm10, $0x4000, v2  }
0xa4: {  	v60 =	vld [tilespmem:s14+$0x0];
	vm12 =	veq.f32 v11, s13;
	v16 =	vsel vm11, v3, v59  }
0xa5: {  	vm13 =	veq.f32 v55, s13;
	v16 =	vsel vm12, v4, v16  }
0xa6: {  	vm14 =	veq.f32 v56, s13;
	v16 =	vsel vm13, v5, v16  }
0xa7: {  	vm15 =	veq.f32 v57, s13;
	v16 =	vsel vm14, v6, v16  }
0xa8: {  	vm4 =	veq.f32 v58, s13;
	v16 =	vsel vm15, v7, v16  }
0xa9: {  	vm5 =	veq.f32 v60, s13;
	v16 =	vsel vm4, v8, v16  }
0xaa: {  	v16 =	vsel vm5, v0, v16  }
0xab: {  	v61 =	vperm.xlane v16, v1;
	_ =	sdelay $0x1  }
0xac: {  	vm6 =	vlt.s32 v16, v61  }
0xad: {  	v16 =	vsel vm6, v16, v61  }
0xae: {  	(v2sf) =	vpush v16, $0x0  }
0xaf: {  	(v2sf) =	vpush v16, $0x1;
	_ =	sdelay $0x1  }
0xb0: {  	(v2sf) =	vpush v16, $0x2;
	_ =	sdelay $0x1  }
0xb1: {  	(v2sf) =	vpush v16, $0x3;
	_ =	sdelay $0x1  }
0xb2: {  	(v2sf) =	vpush v16, $0x4;
	_ =	sdelay $0x1  }
0xb3: {  	(v2sf) =	vpush v16, $0x5;
	_ =	sdelay $0x1  }
0xb4: {  	(v2sf) =	vpush v16, $0x6;
	_ =	sdelay $0x1  }
0xb5: {  	(v2sf) =	vpush v16, $0x7;
	_ =	sdelay $0x1  }
0xb6: {  	s13 =	spop (v2sf)  }
0xb7: {  	s14 =	spop (v2sf)  }
0xb8: {  	p0 =	slt.s32 s13, s14  }
0xb9: {  	s14 =	smov.u32 @p0 s13;
	s13 =	spop (v2sf)  }
0xba: {  	p0 =	slt.s32 s14, s13  }
0xbb: {  	s13 =	smov.u32 @p0 s14;
	s14 =	spop (v2sf)  }
0xbc: {  	p0 =	slt.s32 s13, s14  }
0xbd: {  	s14 =	smov.u32 @p0 s13;
	s13 =	spop (v2sf)  }
0xbe: {  	p0 =	slt.s32 s14, s13  }
0xbf: {  	s13 =	smov.u32 @p0 s14;
	s14 =	spop (v2sf)  }
0xc0: {  	p0 =	slt.s32 s13, s14  }
0xc1: {  	s15 =	spop (v2sf);
	s14 =	smov.u32 @p0 s13  }
0xc2: {  	p0 =	slt.s32 s14, s15  }
0xc3: {  	s13 =	spop (v2sf);
	s15 =	smov.u32 @p0 s14  }
0xc4: {  	p0 =	slt.s32 s15, s13  }
0xc5: {  	s13 =	smov.u32 @p0 s15  }
0xc6: {  	v62 =	vmov s13  }
0xc7: {  	v63 =	vmax.f32 v60, v58;
	vm7 =	veq.s32 v62, v8  }
0xc8: {  	vm8 =	veq.s32 v62, v0;
	v17 =	vsel vm7, v60, v63  }
0xc9: {  	v15 =	vsel vm8, v58, v17  }
0xca: {  	vm9 =	veq.s32 v62, v7;
	v14 =	vmax.f32 v15, v57  }
0xcb: {  	v15 =	vsel vm9, v63, v14  }
0xcc: {  	vm10 =	veq.s32 v62, v6;
	v13 =	vmax.f32 v15, v56  }
0xcd: {  	v14 =	vsel vm10, v14, v13  }
0xce: {  	vm11 =	veq.s32 v62, v5;
	v12 =	vmax.f32 v14, v55  }
0xcf: {  	v13 =	vsel vm11, v13, v12  }
0xd0: {  	vm12 =	veq.s32 v62, v4;
	v11 =	vmax.f32 v13, v11  }
0xd1: {  	v12 =	vsel vm12, v12, v11  }
0xd2: {  	vm13 =	veq.s32 v62, v3;
	v10 =	vmax.f32 v12, v10  }
0xd3: {  	v11 =	vsel vm13, v11, v10  }
0xd4: {  	vm14 =	veq.s32 v62, v2;
	v9 =	vmax.f32 v11, v9  }
0xd5: {  	v9 =	vsel vm14, v10, v9  }
0xd6: {  	v10 =	vperm.xlane v9, v1;
	_ =	sdelay $0x1  }
0xd7: {  	v9 =	vmax.f32 v9, v10  }
0xd8: {  	(v2sf) =	vpush v9, $0x2;
	_ =	sdelay $0x8  }
0xd9: {  	(v2sf) =	vpush v9, $0x0  }
0xda: {  	(v2sf) =	vpush v9, $0x1  }
0xdb: {  	s22 =	sand.u32 $0xF, s13;
	(v2sf) =	vpush v9, $0x3  }
0xdc: {  	s15 =	sshra.s32 s13, $0x1F;
	p0 =	slt.s32 s13, $0x1;
	p1 =	sne.s32 s22, $0x0;
	(v2sf) =	vpush v9, $0x4  }
0xdd: {  	s23 =	sshrl.u32 s15, $0x1C;
	p0 =	por !p0, !p1;
	(v2sf) =	vpush v9, $0x5  }
0xde: {  	s15 =	simm.s32 $0x1;
	s14 =	sadd.s32 s23, s13;
	p0 =	por !p0, !p0;
	(v2sf) =	vpush v9, $0x6  }
0xdf: {  	s14 =	sshrl.u32 s14, $0x4;
	s15 =	simm.s32 @!p0 $0x0;
	s25 =	spop (v2sf);
	(v2sf) =	vpush v9, $0x7  }
0xe0: {  	s14 =	ssub.s32 s14, s15  }
0xe1: {  	s16 =	sshll.u32 s12, $0x7;
	s14 =	sshll.u32 s14, $0x4  }
0xe2: {  	s17 =	sadd.s32 s16, s14  }
0xe3: {  	s19 =	sand.u32 $0x70, s14;
	s17 =	sand.u32 $0xFFFFFF80, s17  }
0xe4: {  	s18 =	sand.u32 $0xF, s12;
	s17 =	sor.u32 s19, s17  }
0xe5: {  	p5 =	slt.s32 s12, $0x1;
	p6 =	sne.s32 s18, $0x0;
	v10 =	vld [tilespmem:s17+$0x0]  }
0xe6: {  	s24 =	sshra.s32 s12, $0x1F;
	p0 =	por !p5, !p6  }
0xe7: {  	s15 =	sshrl.u32 s24, $0x1C;
	p0 =	por !p0, !p0;
	s14 =	ssub.s32 s13, s14  }
0xe8: {  	s15 =	sadd.s32 s15, s12;
	s19 =	simm.s32 $0x1;
	v11 =	vmov s14;
	s20 =	spop (v2sf)  }
0xe9: {  	s15 =	sshrl.u32 s15, $0x4;
	s19 =	simm.s32 @!p0 $0x0;
	vm15 =	veq.s32 v11, v0;
	s26 =	spop (v2sf)  }
0xea: {  	s15 =	ssub.s32 s15, s19;
	v10 =	vsel vm15, $0xFF800000, v10;
	s14 =	smax.f32 s20, s26;
	s28 =	spop (v2sf)  }
0xeb: {  	s15 =	sshll.u32 s15, $0x4;
	[tilespmem:s17+$0x0] =	vst v10;
	s14 =	smax.f32 s14, s25;
	s29 =	spop (v2sf)  }
0xec: {  	s31 =	ssub.s32 s12, s15;
	v9 =	vld [tilespmem:s15+$0x4000];
	s30 =	smax.f32 s14, s28;
	s14 =	spop (v2sf)  }
0xed: {  	s12 =	simm.s32 $0x1;
	v10 =	vmov s31;
	s18 =	smax.f32 s30, s29;
	s17 =	spop (v2sf)  }
.LBB2_5:
0xee: {  	p0 =	sne.s32 s12, $0x7F;
	s14 =	smax.f32 s18, s14;
	s18 =	spop (v2sf)  }
0xef: {  	s14 =	smax.f32 s14, s17;
	s17 =	smov.u32 s12;
	s12 =	sadd.s32 $0x1, s12  }
0xf0: {  	vm0 =	veq.s32 v10, v0;
	s14 =	smax.f32 s14, s18  }
0xf1: {  	v9 =	vsel vm0, s14, v9  }
0xf2: {  	s14 =	sand.u32 $0x70, s11;
	[tilespmem:s15+$0x4000] =	vst v9  }
0xf3: {  	v9 =	vld [tilespmem:s14+$0x4080];
	_ =	sdelay $0x1  }
0xf4: {  	s15 =	sand.u32 $0xF, s11;
	s11 =	smov.u32 s17  }
0xf5: {  	s13 =	sadd.s32 s13, s16;
	v10 =	vmov s15  }
0xf6: {  	vm0 =	veq.s32 v10, v0  }
0xf7: {  	v9 =	vsel vm0, s13, v9  }
0xf8: {  	[tilespmem:s14+$0x4080] =	vst v9  }
0xf9: {  	v9 =	vld [tilespmem:$0x4010]  }
0xfa: {  	v10 =	vld [tilespmem:$0x4000]  }
0xfb: {  	v11 =	vld [tilespmem:$0x4020]  }
0xfc: {  	v12 =	vld [tilespmem:$0x4030]  }
0xfd: {  	v13 =	vld [tilespmem:$0x4040]  }
0xfe: {  	v14 =	vld [tilespmem:$0x4050]  }
0xff: {  	v15 =	vld [tilespmem:$0x4060];
	v16 =	vmax.f32 v10, v9  }
0x100: {  	v17 =	vld [tilespmem:$0x4070];
	v16 =	vmax.f32 v16, v11  }
0x101: {  	v16 =	vmax.f32 v16, v12  }
0x102: {  	v16 =	vmax.f32 v16, v13  }
0x103: {  	v16 =	vmax.f32 v16, v14  }
0x104: {  	v16 =	vmax.f32 v16, v15  }
0x105: {  	v16 =	vmax.f32 v16, v17  }
0x106: {  	v18 =	vperm.xlane v16, v1;
	_ =	sdelay $0x1  }
0x107: {  	v16 =	vmax.f32 v16, v18  }
0x108: {  	(v2sf) =	vpush v16, $0x0  }
0x109: {  	(v2sf) =	vpush v16, $0x1  }
0x10a: {  	(v2sf) =	vpush v16, $0x2  }
0x10b: {  	(v2sf) =	vpush v16, $0x3  }
0x10c: {  	(v2sf) =	vpush v16, $0x4  }
0x10d: {  	(v2sf) =	vpush v16, $0x5  }
0x10e: {  	(v2sf) =	vpush v16, $0x6  }
0x10f: {  	(v2sf) =	vpush v16, $0x7;
	_ =	sdelay $0x7  }
0x110: {  	s13 =	spop (v2sf)  }
0x111: {  	s14 =	spop (v2sf)  }
0x112: {  	s13 =	smax.f32 s13, s14;
	s14 =	spop (v2sf)  }
0x113: {  	s13 =	smax.f32 s13, s14;
	s14 =	spop (v2sf)  }
0x114: {  	s13 =	smax.f32 s13, s14;
	s14 =	spop (v2sf)  }
0x115: {  	s13 =	smax.f32 s13, s14;
	s14 =	spop (v2sf)  }
0x116: {  	s13 =	smax.f32 s13, s14;
	s14 =	spop (v2sf)  }
0x117: {  	s13 =	smax.f32 s13, s14;
	s14 =	spop (v2sf)  }
0x118: {  	s13 =	smax.f32 s13, s14  }
0x119: {  	vm0 =	veq.f32 v11, s13;
	vm1 =	veq.f32 v12, s13;
	vm2 =	veq.f32 v17, s13  }
0x11a: {  	vm3 =	veq.f32 v9, s13;
	vm4 =	veq.f32 v15, s13;
	v9 =	vnsel vm2, $0x4000, v2  }
0x11b: {  	vm5 =	veq.f32 v14, s13;
	vm2 =	veq.f32 v10, s13;
	v9 =	vsel vm4, v3, v9  }
0x11c: {  	vm4 =	veq.f32 v13, s13;
	v9 =	vsel vm5, v4, v9  }
0x11d: {  	v9 =	vsel vm4, v5, v9  }
0x11e: {  	v9 =	vsel vm1, v6, v9  }
0x11f: {  	v9 =	vsel vm0, v7, v9  }
0x120: {  	v9 =	vsel vm3, v8, v9  }
0x121: {  	v9 =	vsel vm2, v0, v9  }
0x122: {  	v10 =	vperm.xlane v9, v1;
	_ =	sdelay $0x1  }
0x123: {  	vm0 =	vlt.s32 v9, v10  }
0x124: {  	v9 =	vsel vm0, v9, v10  }
0x125: {  	(v2sf) =	vpush v9, $0x0  }
0x126: {  	(v2sf) =	vpush v9, $0x1;
	_ =	sdelay $0x1  }
0x127: {  	(v2sf) =	vpush v9, $0x2;
	_ =	sdelay $0x1  }
0x128: {  	(v2sf) =	vpush v9, $0x3;
	_ =	sdelay $0x1  }
0x129: {  	(v2sf) =	vpush v9, $0x4;
	_ =	sdelay $0x1  }
0x12a: {  	(v2sf) =	vpush v9, $0x5;
	_ =	sdelay $0x1  }
0x12b: {  	(v2sf) =	vpush v9, $0x6;
	_ =	sdelay $0x1  }
0x12c: {  	(v2sf) =	vpush v9, $0x7;
	_ =	sdelay $0x1  }
0x12d: {  	s14 =	spop (v2sf)  }
0x12e: {  	s15 =	spop (v2sf)  }
0x12f: {  	p1 =	slt.s32 s14, s15  }
0x130: {  	s15 =	smov.u32 @p1 s14;
	s14 =	spop (v2sf)  }
0x131: {  	p1 =	slt.s32 s15, s14  }
0x132: {  	s14 =	smov.u32 @p1 s15;
	s15 =	spop (v2sf)  }
0x133: {  	p1 =	slt.s32 s14, s15  }
0x134: {  	s15 =	smov.u32 @p1 s14;
	s14 =	spop (v2sf)  }
0x135: {  	p1 =	slt.s32 s15, s14  }
0x136: {  	s14 =	smov.u32 @p1 s15;
	s15 =	spop (v2sf)  }
0x137: {  	p1 =	slt.s32 s14, s15  }
0x138: {  	s15 =	smov.u32 @p1 s14;
	s16 =	spop (v2sf)  }
0x139: {  	p1 =	slt.s32 s15, s16  }
0x13a: {  	s16 =	smov.u32 @p1 s15;
	s14 =	spop (v2sf)  }
0x13b: {  	p1 =	slt.s32 s16, s14  }
0x13c: {  	s14 =	smov.u32 @p1 s16  }
0x13d: {  	s15 =	sshll.u32 s14, $0x9;
	s16 =	sshra.s32 s14, $0x1F;
	s17 =	sand.u32 $0xF, s14  }
0x13e: {  	p1 =	slt.s32 s14, $0x1;
	s18 =	sshra.s32 s15, $0x2;
	p2 =	sne.s32 s17, $0x0  }
0x13f: {  	s15 =	sshrl.u32 s16, $0x1C;
	v9 =	vld [tilespmem:s18+$0x70];
	p1 =	por !p1, !p2  }
0x140: {  	s16 =	simm.s32 $0x1;
	s15 =	sadd.s32 s15, s14;
	v10 =	vld [tilespmem:s18+$0x60];
	p1 =	por !p1, !p1  }
0x141: {  	s15 =	sshrl.u32 s15, $0x4;
	v11 =	vld [tilespmem:s18+$0x50];
	s16 =	simm.s32 @!p1 $0x0  }
0x142: {  	v12 =	vld [tilespmem:s18+$0x40];
	s15 =	ssub.s32 s15, s16  }
0x143: {  	v13 =	vld [tilespmem:s18+$0x30]  }
0x144: {  	v14 =	vld [tilespmem:s18+$0x20];
	vm0 =	veq.f32 v9, s13  }
0x145: {  	v15 =	vld [tilespmem:s18+$0x10];
	vm1 =	veq.f32 v10, s13;
	v16 =	vnsel vm0, $0x4000, v2  }
0x146: {  	v17 =	vld [tilespmem:s18+$0x0];
	vm0 =	veq.f32 v11, s13;
	v16 =	vsel vm1, v3, v16  }
0x147: {  	vm1 =	veq.f32 v12, s13;
	v16 =	vsel vm0, v4, v16  }
0x148: {  	vm0 =	veq.f32 v13, s13;
	v16 =	vsel vm1, v5, v16  }
0x149: {  	vm1 =	veq.f32 v14, s13;
	v16 =	vsel vm0, v6, v16  }
0x14a: {  	vm0 =	veq.f32 v15, s13;
	v16 =	vsel vm1, v7, v16  }
0x14b: {  	vm1 =	veq.f32 v17, s13;
	v16 =	vsel vm0, v8, v16  }
0x14c: {  	v16 =	vsel vm1, v0, v16  }
0x14d: {  	v18 =	vperm.xlane v16, v1;
	_ =	sdelay $0x1  }
0x14e: {  	vm0 =	vlt.s32 v16, v18  }
0x14f: {  	v16 =	vsel vm0, v16, v18  }
0x150: {  	(v2sf) =	vpush v16, $0x0  }
0x151: {  	(v2sf) =	vpush v16, $0x1;
	_ =	sdelay $0x1  }
0x152: {  	(v2sf) =	vpush v16, $0x2;
	_ =	sdelay $0x1  }
0x153: {  	(v2sf) =	vpush v16, $0x3;
	_ =	sdelay $0x1  }
0x154: {  	(v2sf) =	vpush v16, $0x4;
	_ =	sdelay $0x1  }
0x155: {  	(v2sf) =	vpush v16, $0x5;
	_ =	sdelay $0x1  }
0x156: {  	(v2sf) =	vpush v16, $0x6;
	_ =	sdelay $0x1  }
0x157: {  	(v2sf) =	vpush v16, $0x7;
	_ =	sdelay $0x1  }
0x158: {  	s13 =	spop (v2sf)  }
0x159: {  	s16 =	spop (v2sf)  }
0x15a: {  	p1 =	slt.s32 s13, s16  }
0x15b: {  	s16 =	smov.u32 @p1 s13;
	s13 =	spop (v2sf)  }
0x15c: {  	p1 =	slt.s32 s16, s13  }
0x15d: {  	s13 =	smov.u32 @p1 s16;
	s16 =	spop (v2sf)  }
0x15e: {  	p1 =	slt.s32 s13, s16  }
0x15f: {  	s16 =	smov.u32 @p1 s13;
	s13 =	spop (v2sf)  }
0x160: {  	p1 =	slt.s32 s16, s13  }
0x161: {  	s13 =	smov.u32 @p1 s16;
	s16 =	spop (v2sf)  }
0x162: {  	p1 =	slt.s32 s13, s16  }
0x163: {  	s16 =	smov.u32 @p1 s13;
	s17 =	spop (v2sf)  }
0x164: {  	p1 =	slt.s32 s16, s17  }
0x165: {  	s17 =	smov.u32 @p1 s16;
	s13 =	spop (v2sf)  }
0x166: {  	p1 =	slt.s32 s17, s13  }
0x167: {  	s13 =	smov.u32 @p1 s17  }
0x168: {  	s16 =	sshra.s32 s13, $0x1F;
	s17 =	sand.u32 $0xF, s13;
	v16 =	vmov s13  }
0x169: {  	v18 =	vmax.f32 v17, v15;
	p1 =	slt.s32 s13, $0x1;
	s16 =	sshrl.u32 s16, $0x1C;
	p2 =	sne.s32 s17, $0x0;
	vm0 =	veq.s32 v16, v8  }
0x16a: {  	vm1 =	veq.s32 v16, v0;
	s16 =	sadd.s32 s16, s13;
	p1 =	por !p1, !p2;
	v17 =	vsel vm0, v17, v18  }
0x16b: {  	s17 =	simm.s32 $0x1;
	p1 =	por !p1, !p1;
	v15 =	vsel vm1, v15, v17  }
0x16c: {  	vm0 =	veq.s32 v16, v7;
	s16 =	sshrl.u32 s16, $0x4;
	s17 =	simm.s32 @!p1 $0x0;
	v14 =	vmax.f32 v15, v14  }
0x16d: {  	s17 =	ssub.s32 s16, s17;
	v15 =	vsel vm0, v18, v14  }
0x16e: {  	s16 =	sshll.u32 s14, $0x7;
	vm0 =	veq.s32 v16, v6;
	s17 =	sshll.u32 s17, $0x4;
	v13 =	vmax.f32 v15, v13  }
0x16f: {  	s18 =	sadd.s32 s16, s17;
	s19 =	ssub.s32 s13, s17;
	v14 =	vsel vm0, v14, v13  }
0x170: {  	s17 =	sand.u32 $0x70, s17;
	vm0 =	veq.s32 v16, v5;
	s18 =	sand.u32 $0xFFFFFF80, s18;
	v15 =	vmov s19;
	v12 =	vmax.f32 v14, v12  }
0x171: {  	s17 =	sor.u32 s17, s18;
	v13 =	vsel vm0, v13, v12  }
0x172: {  	vm0 =	veq.s32 v16, v4;
	v11 =	vmax.f32 v13, v11  }
0x173: {  	v12 =	vsel vm0, v12, v11  }
0x174: {  	vm0 =	veq.s32 v16, v3;
	v10 =	vmax.f32 v12, v10  }
0x175: {  	v11 =	vsel vm0, v11, v10  }
0x176: {  	vm0 =	veq.s32 v16, v2;
	v9 =	vmax.f32 v11, v9  }
0x177: {  	v9 =	vsel vm0, v10, v9  }
0x178: {  	v10 =	vperm.xlane v9, v1;
	_ =	sdelay $0x1  }
0x179: {  	v9 =	vmax.f32 v9, v10  }
0x17a: {  	(v2sf) =	vpush v9, $0x2  }
0x17b: {  	(v2sf) =	vpush v9, $0x0  }
0x17c: {  	(v2sf) =	vpush v9, $0x1  }
0x17d: {  	(v2sf) =	vpush v9, $0x3  }
0x17e: {  	(v2sf) =	vpush v9, $0x4  }
0x17f: {  	(v2sf) =	vpush v9, $0x5  }
0x180: {  	(v2sf) =	vpush v9, $0x6  }
0x181: {  	(v2sf) =	vpush v9, $0x7;
	_ =	sdelay $0x4  }
0x182: {  	v9 =	vld [tilespmem:s17+$0x0];
	_ =	sdelay $0x2  }
0x183: {  	s18 =	spop (v2sf)  }
0x184: {  	vm0 =	veq.s32 v15, v0;
	s19 =	spop (v2sf)  }
.Ltmp2:
0x185: {  	v9 =	vsel vm0, $0xFF800000, v9;
	s20 =	spop (v2sf);
	(pc) =	sbr.rel @p0 .LBB2_5-.Ltmp2, $4  }
0x186: {  	[tilespmem:s17+$0x0] =	vst v9;
	s17 =	smax.f32 s19, s20;
	s19 =	spop (v2sf)  }
0x187: {  	s15 =	sshll.u32 s15, $0x4;
	s17 =	smax.f32 s17, s18;
	s18 =	spop (v2sf)  }
0x188: {  	s17 =	smax.f32 s17, s19;
	v9 =	vld [tilespmem:s15+$0x4000];
	s19 =	ssub.s32 s14, s15;
	s14 =	spop (v2sf)  }
0x189: {  	s18 =	smax.f32 s17, s18;
	v10 =	vmov s19;
	s17 =	spop (v2sf)  }
0x18a: {  	s12 =	smax.f32 s18, s14  }
0x18b: {  	s28 =	spop (v2sf);
	s12 =	smax.f32 s12, s17  }
0x18c: {  	vm0 =	veq.s32 v10, v0;
	s12 =	smax.f32 s12, s28  }
0x18d: {  	v9 =	vsel vm0, s12, v9  }
0x18e: {  	s29 =	sand.u32 $0x70, s11;
	[tilespmem:s15+$0x4000] =	vst v9  }
0x18f: {  	v9 =	vld [tilespmem:s29+$0x4080];
	_ =	sdelay $0x1  }
0x190: {  	s30 =	sand.u32 $0xF, s11  }
0x191: {  	v10 =	vmov s30  }
0x192: {  	s31 =	sadd.s32 s13, s16;
	s10 =	sadd.s32 $0x1, s10;
	vm15 =	veq.s32 v10, v0  }
0x193: {  	p0 =	sne.s32 s10, s5;
	v9 =	vsel vm15, s31, v9  }
.Ltmp3:
0x194: {  	[tilespmem:s29+$0x4080] =	vst v9;
	(pc) =	sbr.rel @p0 .LBB2_2-.Ltmp3, $4  }
0x195: {  	[hbm4b:s3+s2] =	stream.linear.scatter [tilespmem:s9], [sflag:$0x1], $0x80, $0x38;
	[tilespmem:$0x4100] =	vst v63  }
0x196: {  	_ =	swait.ge [sflag:s8], $0x80  }
0x197: {  	[sflag:s8] =	ssyncset.done $0x0  }
0x198: {  	[sflag:s8] =	ssyncadd.s32 $0xFFFFFF80  }
.LBB2_7:
0x199: {  	_ =	sfence.sel $0x180000  }
0x19a: {  	[bflag:$0x0] =	sbarrier.arrive $0xFFFF  }
0x19b: {  	p0 =	sne.s32 s1, $0x0;
	_ =	strace $0x90000047  }
0x19c: {  	s0 =	sadd.s32 @!p0 $0x100000, s0;
	[bflag:$0x2] =	sbarrier.arrive $0xFFFF  }
0x19d: {  	[sflag:s0] =	ssyncadd.tile.s32 @!p0 $0x1;
	_ =	shalt  }
.Lfunc_end2:
_tile_overlayer_lowered:
.L_overlay_start_2:
0x19e: {  	(tag) =	ssettag $0x2  }
0x19f: {  	s0 =	rddreg [dreg:$0x0];
	s2 =	stileid.u32  }
0x1a0: {  	s1 =	rddreg [dreg:$0x1];
	p0 =	sne.s32 s2, $0x0  }
0x1a1: {  	s3 =	rddreg [dreg:$0x2];
	[bflag:$0x3] =	sbarrier.arrive $0xFFFF;
	s2 =	simm.s32 @!p0 $0x1C01  }
0x1a2: {  	[timem:s3], [sflag:s2] =	dma.local @!p0 [hbm:s0], s1  }
0x1a3: {  	s0 =	simm.s32 @!p0 $0x1  }
0x1a4: {  	_ =	swait.ge @!p0 [sflag:s0], s1  }
0x1a5: {  	s1 =	ssub.s32 @!p0 $0x0, s1;
	[sflag:s0] =	ssyncset.done @!p0 $0x0  }
0x1a6: {  	[sflag:s0] =	ssyncadd.s32 @!p0 s1  }
0x1a7: {  	[bflag:$0x3] =	sbarrier.arrive $0xFFFF  }
0x1a8: {  	_ =	shalt  }

</sc_bundles>
